<compile_context>
chip_gen: v7x
topology: tpu7x:2x2x1
jax: 0.10.2.dev20260603
libtpu: 0.0.44.dev20260713+nightly
codegen_flags: <defaults>
</compile_context>

<pallas_src>
import functools

import jax
import jax.numpy as jnp
from jax import lax
from jax.experimental import pallas as pl
from jax.experimental.pallas import tpu as pltpu
from jax.experimental.pallas import tpu_sc as plsc

N = 10000
NPAD = 10240
E = 320000
EPAD = 327680
EBLK = 128
CHUNKS = EPAD // (32 * EBLK)
PBLK = CHUNKS // 2
STRIPE = NPAD // 16
D = 128
DMID = 256

_MESH = dict(core_axis_name="c", subcore_axis_name="s", num_cores=2,
             num_subcores=16)


def _zero_rows_v(rows_v):
  z16 = jnp.zeros((16,), jnp.float32)

  @pl.loop(0, EBLK)
  def _(i):
    for j in range(8):
      rows_v[i, pl.ds(16 * j, 16)] = z16


def _agg_kernel(table, rows_h, cols_h, out0, out1, row_t, col_t, rows_v0,
                rows_v1, gsem0, gsem1, ssem0, ssem1, acc):
  c = lax.axis_index("c")
  s = lax.axis_index("s")
  w = c * 16 + s
  bufs = (rows_v0, rows_v1)
  gsems = (gsem0, gsem1)
  ssems = (ssem0, ssem1)

  _zero_rows_v(rows_v0)
  for k in range(STRIPE // EBLK):
    pltpu.sync_copy(rows_v0, acc.at[pl.ds(s * STRIPE + k * EBLK, EBLK)])
  plsc.subcore_barrier()

  for phase in range(CHUNKS // PBLK):
    base = w * CHUNKS + phase * PBLK
    pltpu.sync_copy(rows_h.at[pl.ds(base, PBLK)], row_t)
    pltpu.sync_copy(cols_h.at[pl.ds(base, PBLK)], col_t)
    pltpu.async_copy(table.at[row_t.at[0]], rows_v0, gsem0)

    @pl.loop(0, PBLK // 2)
    def _(i):
      for k in range(2):
        b = 2 * i + k

        @pl.when(b >= 1)
        def _():
          pltpu.make_async_copy(bufs[1 - k], acc.at[col_t.at[0]],
                                ssems[1 - k]).wait()

        @pl.when(b + 1 < PBLK)
        def _():
          pltpu.async_copy(table.at[row_t.at[b + 1]], bufs[1 - k],
                           gsems[1 - k])

        pltpu.make_async_copy(table.at[row_t.at[b]], bufs[k], gsems[k]).wait()
        pltpu.async_copy(bufs[k], acc.at[col_t.at[b]], ssems[k], add=True)

    pltpu.make_async_copy(bufs[(PBLK - 1) % 2], acc.at[col_t.at[0]],
                          ssems[(PBLK - 1) % 2]).wait()

  plsc.subcore_barrier()

  @pl.when(c == 0)
  def _():
    pltpu.sync_copy(acc.at[pl.ds(s * STRIPE, STRIPE)],
                    out0.at[pl.ds(s * STRIPE, STRIPE)])

  @pl.when(c == 1)
  def _():
    pltpu.sync_copy(acc.at[pl.ds(s * STRIPE, STRIPE)],
                    out1.at[pl.ds(s * STRIPE, STRIPE)])


@functools.cache
def _agg():
  return pl.kernel(
      _agg_kernel,
      out_type=(jax.ShapeDtypeStruct((NPAD, D), jnp.float32),
                jax.ShapeDtypeStruct((NPAD, D), jnp.float32)),
      mesh=plsc.VectorSubcoreMesh(**_MESH),
      scratch_types=[
          pltpu.VMEM((PBLK, EBLK), jnp.int32),
          pltpu.VMEM((PBLK, EBLK), jnp.int32),
          pltpu.VMEM((EBLK, D), jnp.float32),
          pltpu.VMEM((EBLK, D), jnp.float32),
          pltpu.SemaphoreType.DMA,
          pltpu.SemaphoreType.DMA,
          pltpu.SemaphoreType.DMA,
          pltpu.SemaphoreType.DMA,
          pltpu.VMEM_SHARED((NPAD, D), jnp.float32),
      ],
  )


def _deg_kernel(cols_h, out0, out1, col_t, ones_v, zeros_v, acc):
  c = lax.axis_index("c")
  s = lax.axis_index("s")
  w = c * 16 + s

  o16 = jnp.ones((16,), jnp.float32)
  z16 = jnp.zeros((16,), jnp.float32)
  for j in range(EBLK // 16):
    ones_v[pl.ds(16 * j, 16)] = o16

  @pl.loop(0, STRIPE // 16)
  def _(i):
    zeros_v[pl.ds(16 * i, 16)] = z16

  pltpu.sync_copy(zeros_v, acc.at[pl.ds(s * STRIPE, STRIPE)])
  plsc.subcore_barrier()

  pltpu.sync_copy(cols_h.at[pl.ds(w * CHUNKS, CHUNKS)], col_t)

  @pl.loop(0, CHUNKS)
  def _(b):
    pltpu.sync_copy(ones_v, acc.at[col_t.at[b]], add=True)

  plsc.subcore_barrier()

  @pl.when(c == 0)
  def _():
    pltpu.sync_copy(acc.at[pl.ds(s * STRIPE, STRIPE)],
                    out0.at[pl.ds(s * STRIPE, STRIPE)])

  @pl.when(c == 1)
  def _():
    pltpu.sync_copy(acc.at[pl.ds(s * STRIPE, STRIPE)],
                    out1.at[pl.ds(s * STRIPE, STRIPE)])


@functools.cache
def _deg():
  return pl.kernel(
      _deg_kernel,
      out_type=(jax.ShapeDtypeStruct((NPAD,), jnp.float32),
                jax.ShapeDtypeStruct((NPAD,), jnp.float32)),
      mesh=plsc.VectorSubcoreMesh(**_MESH),
      scratch_types=[
          pltpu.VMEM((CHUNKS, EBLK), jnp.int32),
          pltpu.VMEM((EBLK,), jnp.float32),
          pltpu.VMEM((STRIPE,), jnp.float32),
          pltpu.VMEM_SHARED((NPAD,), jnp.float32),
      ],
  )



_RB = 1024


def _scale_body(deg0, deg1, x, xs, dinv):
  d = deg0[...] + deg1[...] + 1.0
  di = lax.rsqrt(d)
  xs[...] = x[...] * di
  dinv[...] = di


def _scale(deg0, deg1, x):
  return pl.pallas_call(
      _scale_body,
      grid=(NPAD // _RB,),
      in_specs=[
          pl.BlockSpec((_RB, 1), lambda i: (i, 0)),
          pl.BlockSpec((_RB, 1), lambda i: (i, 0)),
          pl.BlockSpec((_RB, D), lambda i: (i, 0)),
      ],
      out_specs=[
          pl.BlockSpec((_RB, D), lambda i: (i, 0)),
          pl.BlockSpec((_RB, 1), lambda i: (i, 0)),
      ],
      out_shape=[
          jax.ShapeDtypeStruct((NPAD, D), jnp.float32),
          jax.ShapeDtypeStruct((NPAD, 1), jnp.float32),
      ],
  )(deg0, deg1, x)


def _mid_body(a0, a1, xs, dinv, w1, b1, w2, hs2):
  i = pl.program_id(0)
  di = dinv[...]
  p1 = (a0[...] + a1[...] + xs[...]) * di
  h1 = jnp.maximum(jnp.dot(p1, w1[...]) + b1[...], 0.0)
  rid = i * _RB + lax.broadcasted_iota(jnp.int32, (_RB, 1), 0)
  h1 = jnp.where(rid < N, h1, 0.0)
  hs2[...] = jnp.dot(h1, w2[...]) * di


def _mid(a0, a1, xs, dinv, w1, b1, w2):
  return pl.pallas_call(
      _mid_body,
      grid=(NPAD // _RB,),
      in_specs=[
          pl.BlockSpec((_RB, D), lambda i: (i, 0)),
          pl.BlockSpec((_RB, D), lambda i: (i, 0)),
          pl.BlockSpec((_RB, D), lambda i: (i, 0)),
          pl.BlockSpec((_RB, 1), lambda i: (i, 0)),
          pl.BlockSpec((D, DMID), lambda i: (0, 0)),
          pl.BlockSpec((1, DMID), lambda i: (0, 0)),
          pl.BlockSpec((DMID, D), lambda i: (0, 0)),
      ],
      out_specs=pl.BlockSpec((_RB, D), lambda i: (i, 0)),
      out_shape=jax.ShapeDtypeStruct((NPAD, D), jnp.float32),
  )(a0, a1, xs, dinv, w1, b1, w2)


_RBF = 400


def _final_body(c0, c1, hs2, dinv, b2, out):
  h2 = (c0[...] + c1[...] + hs2[...]) * dinv[...] + b2[...]
  m = jnp.max(h2, axis=1, keepdims=True)
  ex = jnp.exp(h2 - m)
  lse = jnp.log(jnp.sum(ex, axis=1, keepdims=True)) + m
  out[...] = h2 - lse


def _final(c0, c1, hs2, dinv, b2):
  return pl.pallas_call(
      _final_body,
      grid=(N // _RBF,),
      in_specs=[
          pl.BlockSpec((_RBF, D), lambda i: (i, 0)),
          pl.BlockSpec((_RBF, D), lambda i: (i, 0)),
          pl.BlockSpec((_RBF, D), lambda i: (i, 0)),
          pl.BlockSpec((_RBF, 1), lambda i: (i, 0)),
          pl.BlockSpec((1, D), lambda i: (0, 0)),
      ],
      out_specs=pl.BlockSpec((_RBF, D), lambda i: (i, 0)),
      out_shape=jax.ShapeDtypeStruct((N, D), jnp.float32),
  )(c0, c1, hs2, dinv, b2)


def kernel(init_node_features, edge_index, W1, b1, W2, b2):
  row = edge_index[0].astype(jnp.int32)
  col = edge_index[1].astype(jnp.int32)
  pad = N + (jnp.arange(EPAD - E, dtype=jnp.int32) % (NPAD - N))
  rows_h = jnp.concatenate([row, pad]).reshape(32 * CHUNKS, EBLK)
  cols_h = jnp.concatenate([col, pad]).reshape(32 * CHUNKS, EBLK)
  x = jnp.pad(init_node_features, ((0, NPAD - N), (0, 0)))

  deg0, deg1 = _deg()(cols_h)
  xs, dinv = _scale(deg0.reshape(NPAD, 1), deg1.reshape(NPAD, 1), x)
  a0, a1 = _agg()(xs, rows_h, cols_h)
  hs2 = _mid(a0, a1, xs, dinv, W1, b1.reshape(1, DMID), W2)
  c0, c1 = _agg()(hs2, rows_h, cols_h)
  return _final(c0, c1, hs2, dinv, b2.reshape(1, D))

# --- scband reference (transcript-rebuilt; emitter-appended) ---
"""Pipeline reference for scband-gcn-74448963109163 (READ-ONLY COPY).

The authoritative reference and input builder live on the scoring server;
editing this copy changes nothing except your own understanding.
"""

import jax, jax.numpy as jnp
import numpy as np

N_NODES = 10000
N_EDGES = 320000
D_IN = 128
D_MID = 256
D_OUT = 128


def setup_inputs(seed: int = 0) -> dict:
    key = jax.random.key(seed)
    k1, k2, k3, k4, k5, k6 = jax.random.split(key, 6)
    x = jax.random.normal(k1, (N_NODES, D_IN), dtype=jnp.float32)
    edge_index = jax.random.randint(k2, (2, N_EDGES), 0, N_NODES, dtype=jnp.int64)
    W1 = jax.random.normal(k3, (D_IN, D_MID), dtype=jnp.float32) * (1.0 / np.sqrt(D_IN))
    b1 = jnp.zeros((D_MID,), dtype=jnp.float32)
    W2 = jax.random.normal(k4, (D_MID, D_OUT), dtype=jnp.float32) * (1.0 / np.sqrt(D_MID))
    b2 = jnp.zeros((D_OUT,), dtype=jnp.float32)
    return {"init_node_features": x, "edge_index": edge_index, "W1": W1, "b1": b1, "W2": W2, "b2": b2}


def _gcn_conv(x, edge_index, W, b, num_nodes):
    # GCNConv: linear transform first, then symmetric-normalized propagation with self-loops
    x = x @ W
    loop = jnp.arange(num_nodes, dtype=edge_index.dtype)
    row = jnp.concatenate([edge_index[0], loop])
    col = jnp.concatenate([edge_index[1], loop])
    ew = jnp.ones(row.shape[0], dtype=x.dtype)
    deg = jax.ops.segment_sum(ew, col, num_segments=num_nodes)
    deg_inv_sqrt = jnp.where(deg > 0, 1.0 / jnp.sqrt(deg), 0.0)
    norm = deg_inv_sqrt[row] * deg_inv_sqrt[col]
    msgs = x[row] * norm[:, None]
    out = jax.ops.segment_sum(msgs, col, num_segments=num_nodes)
    return out + b


def reference(init_node_features, edge_index, W1, b1, W2, b2):
    h = _gcn_conv(init_node_features, edge_index, W1, b1, N_NODES)
    h = jax.nn.relu(h)
    # dropout is identity in eval mode (deterministic reference)
    h = _gcn_conv(h, edge_index, W2, b2, N_NODES)
    return jax.nn.log_softmax(h, axis=1)

if __name__ == "__main__":
    import jax
    _d = setup_inputs()
    print(jax.jit(kernel)(*tuple(_d.values())))

</pallas_src>

<mosaic_0001>
#map = affine_map<(d0, d1) -> (0, 0)>
#map1 = affine_map<(d0, d1) -> (0)>
module attributes {stable_mosaic.version = 14 : i64} {
  func.func @_deg_kernel(%arg0: i32, %arg1: i32, %arg2: memref<2560x128xi32, #tpu.memory_space<hbm>>, %arg3: memref<10240xf32, #tpu.memory_space<hbm>>, %arg4: memref<10240xf32, #tpu.memory_space<hbm>>, %arg5: memref<80x128xi32, #tpu.memory_space<vmem>>, %arg6: memref<128xf32, #tpu.memory_space<vmem>>, %arg7: memref<640xf32, #tpu.memory_space<vmem>>, %arg8: memref<10240xf32, #tpu.memory_space<vmem_shared>>) attributes {dimension_semantics = [#tpu.dimension_semantics<core_parallel>, #tpu.dimension_semantics<subcore_parallel>], iteration_bounds = array<i64: 2, 16>, scalar_prefetch = 0 : i64, scratch_operands = 4 : i64, tpu.core_type = #tpu.core_type<sc_vector_subcore>, window_params = [{transform_indices = #map}, {transform_indices = #map1}, {transform_indices = #map1}]} {
    %mul3A = arith.constant 16 : i32
    %mul3A_0 = arith.muli %arg0, %mul3A : i32
    %add3A = arith.addi %mul3A_0, %arg1 : i32
    %broadcast_in_dim3A = arith.constant 1.000000e+00 : f32
    %broadcast_in_dim3A_1 = vector.broadcast %broadcast_in_dim3A : f32 to vector<16xf32>
    %broadcast_in_dim3A_2 = arith.constant 0.000000e+00 : f32
    %broadcast_in_dim3A_3 = vector.broadcast %broadcast_in_dim3A_2 : f32 to vector<16xf32>
    %swap3A = arith.constant 0 : index
    %swap3A_4 = tpu.vector_load %arg6[%swap3A] {strides = array<i32>} : memref<128xf32, #tpu.memory_space<vmem>>, vector<16xf32>,
    %swap3A_5 = vector.shape_cast %swap3A_4 : vector<16xf32> to vector<16xf32>
    %swap3A_6 = vector.shape_cast %broadcast_in_dim3A_1 : vector<16xf32> to vector<16xf32>
    tpu.vector_store %arg6[%swap3A], %swap3A_6 {strides = array<i32>} : memref<128xf32, #tpu.memory_space<vmem>>, vector<16xf32>,
    %swap3A_7 = arith.constant 16 : index
    %swap3A_8 = tpu.vector_load %arg6[%swap3A_7] {strides = array<i32>} : memref<128xf32, #tpu.memory_space<vmem>>, vector<16xf32>,
    %swap3A_9 = vector.shape_cast %swap3A_8 : vector<16xf32> to vector<16xf32>
    %swap3A_10 = vector.shape_cast %broadcast_in_dim3A_1 : vector<16xf32> to vector<16xf32>
    tpu.vector_store %arg6[%swap3A_7], %swap3A_10 {strides = array<i32>} : memref<128xf32, #tpu.memory_space<vmem>>, vector<16xf32>,
    %swap3A_11 = arith.constant 32 : index
    %swap3A_12 = tpu.vector_load %arg6[%swap3A_11] {strides = array<i32>} : memref<128xf32, #tpu.memory_space<vmem>>, vector<16xf32>,
    %swap3A_13 = vector.shape_cast %swap3A_12 : vector<16xf32> to vector<16xf32>
    %swap3A_14 = vector.shape_cast %broadcast_in_dim3A_1 : vector<16xf32> to vector<16xf32>
    tpu.vector_store %arg6[%swap3A_11], %swap3A_14 {strides = array<i32>} : memref<128xf32, #tpu.memory_space<vmem>>, vector<16xf32>,
    %swap3A_15 = arith.constant 48 : index
    %swap3A_16 = tpu.vector_load %arg6[%swap3A_15] {strides = array<i32>} : memref<128xf32, #tpu.memory_space<vmem>>, vector<16xf32>,
    %swap3A_17 = vector.shape_cast %swap3A_16 : vector<16xf32> to vector<16xf32>
    %swap3A_18 = vector.shape_cast %broadcast_in_dim3A_1 : vector<16xf32> to vector<16xf32>
    tpu.vector_store %arg6[%swap3A_15], %swap3A_18 {strides = array<i32>} : memref<128xf32, #tpu.memory_space<vmem>>, vector<16xf32>,
    %swap3A_19 = arith.constant 64 : index
    %swap3A_20 = tpu.vector_load %arg6[%swap3A_19] {strides = array<i32>} : memref<128xf32, #tpu.memory_space<vmem>>, vector<16xf32>,
    %swap3A_21 = vector.shape_cast %swap3A_20 : vector<16xf32> to vector<16xf32>
    %swap3A_22 = vector.shape_cast %broadcast_in_dim3A_1 : vector<16xf32> to vector<16xf32>
    tpu.vector_store %arg6[%swap3A_19], %swap3A_22 {strides = array<i32>} : memref<128xf32, #tpu.memory_space<vmem>>, vector<16xf32>,
    %swap3A_23 = arith.constant 80 : index
    %swap3A_24 = tpu.vector_load %arg6[%swap3A_23] {strides = array<i32>} : memref<128xf32, #tpu.memory_space<vmem>>, vector<16xf32>,
    %swap3A_25 = vector.shape_cast %swap3A_24 : vector<16xf32> to vector<16xf32>
    %swap3A_26 = vector.shape_cast %broadcast_in_dim3A_1 : vector<16xf32> to vector<16xf32>
    tpu.vector_store %arg6[%swap3A_23], %swap3A_26 {strides = array<i32>} : memref<128xf32, #tpu.memory_space<vmem>>, vector<16xf32>,
    %swap3A_27 = arith.constant 96 : index
    %swap3A_28 = tpu.vector_load %arg6[%swap3A_27] {strides = array<i32>} : memref<128xf32, #tpu.memory_space<vmem>>, vector<16xf32>,
    %swap3A_29 = vector.shape_cast %swap3A_28 : vector<16xf32> to vector<16xf32>
    %swap3A_30 = vector.shape_cast %broadcast_in_dim3A_1 : vector<16xf32> to vector<16xf32>
    tpu.vector_store %arg6[%swap3A_27], %swap3A_30 {strides = array<i32>} : memref<128xf32, #tpu.memory_space<vmem>>, vector<16xf32>,
    %swap3A_31 = arith.constant 112 : index
    %swap3A_32 = tpu.vector_load %arg6[%swap3A_31] {strides = array<i32>} : memref<128xf32, #tpu.memory_space<vmem>>, vector<16xf32>,
    %swap3A_33 = vector.shape_cast %swap3A_32 : vector<16xf32> to vector<16xf32>
    %swap3A_34 = vector.shape_cast %broadcast_in_dim3A_1 : vector<16xf32> to vector<16xf32>
    tpu.vector_store %arg6[%swap3A_31], %swap3A_34 {strides = array<i32>} : memref<128xf32, #tpu.memory_space<vmem>>, vector<16xf32>,
    %scan3A = arith.constant 0 : i32
    %scan3A_35 = arith.constant 40 : i32
    %scan3A_36 = arith.addi %scan3A, %scan3A_35 : i32
    %scan3A_37 = arith.constant 1 : i32
    scf.for %scan3A_56 = %scan3A to %scan3A_36 step %scan3A_37  : i32 {
      %mul3A_57 = arith.constant 1 : i32
      %mul3A_58 = arith.muli %scan3A_56, %mul3A_57 : i32
      %add3A_59 = arith.constant 0 : i32
      %add3A_60 = arith.addi %add3A_59, %mul3A_58 : i32
      %mul3A_61 = arith.constant 16 : i32
      %mul3A_62 = arith.muli %mul3A_61, %add3A_60 : i32
      %swap3A_63 = arith.index_cast %mul3A_62 : i32 to index
      %swap3A_64 = tpu.vector_load %arg7[%swap3A_63] {strides = array<i32>} : memref<640xf32, #tpu.memory_space<vmem>>, vector<16xf32>,
      %swap3A_65 = vector.shape_cast %swap3A_64 : vector<16xf32> to vector<16xf32>
      %swap3A_66 = vector.shape_cast %broadcast_in_dim3A_3 : vector<16xf32> to vector<16xf32>
      tpu.vector_store %arg7[%swap3A_63], %swap3A_66 {strides = array<i32>} : memref<640xf32, #tpu.memory_space<vmem>>, vector<16xf32>,
    }
    %scan3A_38 = arith.constant 40 : i32
    %mul3A_39 = arith.constant 640 : i32
    %mul3A_40 = arith.muli %arg1, %mul3A_39 : i32
    "tpu.region"() ({
      %run_scoped3A = tpu.sem_alloc : memref<!tpu.dma_semaphore, #tpu.memory_space<semaphore_mem>>
      %dma_start3A = tpu.memref_slice %arg8[%mul3A_40] : memref<10240xf32, #tpu.memory_space<vmem_shared>> -> memref<640xf32, #tpu.memory_space<vmem_shared>>
      %dma_start3A_56 = tpu.memref_slice %arg8[%mul3A_40] : memref<10240xf32, #tpu.memory_space<vmem_shared>> -> memref<640xf32, #tpu.memory_space<vmem_shared>>
      tpu.enqueue_dma source(%arg7 : memref<640xf32, #tpu.memory_space<vmem>>) target(%dma_start3A_56 : memref<640xf32, #tpu.memory_space<vmem_shared>>) target_semaphore(%run_scoped3A : memref<!tpu.dma_semaphore, #tpu.memory_space<semaphore_mem>>)
      %dma_wait3A = tpu.memref_slice %arg8[%mul3A_40] : memref<10240xf32, #tpu.memory_space<vmem_shared>> -> memref<640xf32, #tpu.memory_space<vmem_shared>>
      %dma_wait3A_57 = tpu.memref_slice %arg8[%mul3A_40] : memref<10240xf32, #tpu.memory_space<vmem_shared>> -> memref<640xf32, #tpu.memory_space<vmem_shared>>
      tpu.wait_dma2 semaphore(%run_scoped3A : memref<!tpu.dma_semaphore, #tpu.memory_space<semaphore_mem>>) src(%arg7 : memref<640xf32, #tpu.memory_space<vmem>>) dst(%dma_wait3A_57 : memref<640xf32, #tpu.memory_space<vmem_shared>>)
      tpu.yield
    }) : () -> ()
    %barrier3A = arith.constant 0 : index
    tpu.barrier barrier_id(%barrier3A)
    %mul3A_41 = arith.constant 80 : i32
    %mul3A_42 = arith.muli %add3A, %mul3A_41 : i32
    "tpu.region"() ({
      %run_scoped3A = tpu.sem_alloc : memref<!tpu.dma_semaphore, #tpu.memory_space<semaphore_mem>>
      %dma_start3A = arith.constant 0 : i32
      %dma_start3A_56 = tpu.memref_slice %arg2[%mul3A_42, %dma_start3A] : memref<2560x128xi32, #tpu.memory_space<hbm>> -> memref<80x128xi32, #tpu.memory_space<hbm>>
      %dma_start3A_57 = arith.constant 0 : i32
      %dma_start3A_58 = tpu.memref_slice %arg2[%mul3A_42, %dma_start3A_57] : memref<2560x128xi32, #tpu.memory_space<hbm>> -> memref<80x128xi32, #tpu.memory_space<hbm>>
      tpu.enqueue_dma source(%dma_start3A_58 : memref<80x128xi32, #tpu.memory_space<hbm>>) target(%arg5 : memref<80x128xi32, #tpu.memory_space<vmem>>) target_semaphore(%run_scoped3A : memref<!tpu.dma_semaphore, #tpu.memory_space<semaphore_mem>>)
      %dma_wait3A = arith.constant 0 : i32
      %dma_wait3A_59 = tpu.memref_slice %arg2[%mul3A_42, %dma_wait3A] : memref<2560x128xi32, #tpu.memory_space<hbm>> -> memref<80x128xi32, #tpu.memory_space<hbm>>
      %dma_wait3A_60 = arith.constant 0 : i32
      %dma_wait3A_61 = tpu.memref_slice %arg2[%mul3A_42, %dma_wait3A_60] : memref<2560x128xi32, #tpu.memory_space<hbm>> -> memref<80x128xi32, #tpu.memory_space<hbm>>
      tpu.wait_dma2 semaphore(%run_scoped3A : memref<!tpu.dma_semaphore, #tpu.memory_space<semaphore_mem>>) src(%dma_wait3A_61 : memref<80x128xi32, #tpu.memory_space<hbm>>) dst(%arg5 : memref<80x128xi32, #tpu.memory_space<vmem>>)
      tpu.yield
    }) : () -> ()
    %scan3A_43 = arith.constant 0 : i32
    %scan3A_44 = arith.constant 80 : i32
    %scan3A_45 = arith.addi %scan3A_43, %scan3A_44 : i32
    %scan3A_46 = arith.constant 1 : i32
    scf.for %scan3A_56 = %scan3A_43 to %scan3A_45 step %scan3A_46  : i32 {
      %mul3A_57 = arith.constant 1 : i32
      %mul3A_58 = arith.muli %scan3A_56, %mul3A_57 : i32
      %add3A_59 = arith.constant 0 : i32
      %add3A_60 = arith.addi %add3A_59, %mul3A_58 : i32
      "tpu.region"() ({
        %run_scoped3A = tpu.sem_alloc : memref<!tpu.dma_semaphore, #tpu.memory_space<semaphore_mem>>
        %dma_start3A = arith.constant 0 : i32
        %dma_start3A_61 = tpu.memref_slice %arg5[%add3A_60, %dma_start3A] : memref<80x128xi32, #tpu.memory_space<vmem>> -> memref<1x128xi32, #tpu.memory_space<vmem>>
        %dma_start3A_62 = tpu.memref_squeeze %dma_start3A_61 : memref<1x128xi32, #tpu.memory_space<vmem>> -> memref<128xi32, #tpu.memory_space<vmem>>
        %dma_start3A_63 = arith.constant 0 : i32
        %dma_start3A_64 = tpu.memref_slice %arg8[%dma_start3A_63] : memref<10240xf32, #tpu.memory_space<vmem_shared>> -> memref<10240xf32, #tpu.memory_space<vmem_shared>>
        tpu.enqueue_indirect_dma source(%arg6 : memref<128xf32, #tpu.memory_space<vmem>>) target(%dma_start3A_64 : memref<10240xf32, #tpu.memory_space<vmem_shared>>) offsets(%dma_start3A_62 : memref<128xi32, #tpu.memory_space<vmem>>) semaphore(%run_scoped3A : memref<!tpu.dma_semaphore, #tpu.memory_space<semaphore_mem>>) {add = true}
        %dma_wait3A = arith.constant 0 : i32
        %dma_wait3A_65 = tpu.memref_slice %arg5[%add3A_60, %dma_wait3A] : memref<80x128xi32, #tpu.memory_space<vmem>> -> memref<1x128xi32, #tpu.memory_space<vmem>>
        %dma_wait3A_66 = tpu.memref_squeeze %dma_wait3A_65 : memref<1x128xi32, #tpu.memory_space<vmem>> -> memref<128xi32, #tpu.memory_space<vmem>>
        %dma_wait3A_67 = arith.constant 0 : i32
        %dma_wait3A_68 = tpu.memref_slice %arg8[%dma_wait3A_67] : memref<10240xf32, #tpu.memory_space<vmem_shared>> -> memref<10240xf32, #tpu.memory_space<vmem_shared>>
        tpu.wait_indirect_dma semaphore(%run_scoped3A : memref<!tpu.dma_semaphore, #tpu.memory_space<semaphore_mem>>) src(%arg6 : memref<128xf32, #tpu.memory_space<vmem>>) dst(%dma_wait3A_68 : memref<10240xf32, #tpu.memory_space<vmem_shared>>)
        tpu.yield
      }) : () -> ()
    }
    %scan3A_47 = arith.constant 80 : i32
    %barrier3A_48 = arith.constant 0 : index
    tpu.barrier barrier_id(%barrier3A_48)
    %eq3A = arith.constant 0 : i32
    %eq3A_49 = arith.cmpi eq, %arg0, %eq3A : i32
    %convert_element_type3A = arith.extui %eq3A_49 : i1 to i32
    %cond3A = arith.constant 0 : i32
    %cond3A_50 = arith.cmpi ne, %convert_element_type3A, %cond3A : i32
    scf.if %cond3A_50 {
      %mul3A_56 = arith.constant 640 : i32
      %mul3A_57 = arith.muli %arg1, %mul3A_56 : i32
      %mul3A_58 = arith.constant 640 : i32
      %mul3A_59 = arith.muli %arg1, %mul3A_58 : i32
      "tpu.region"() ({
        %run_scoped3A = tpu.sem_alloc : memref<!tpu.dma_semaphore, #tpu.memory_space<semaphore_mem>>
        %dma_start3A = tpu.memref_slice %arg3[%mul3A_59] : memref<10240xf32, #tpu.memory_space<hbm>> -> memref<640xf32, #tpu.memory_space<hbm>>
        %dma_start3A_60 = tpu.memref_slice %arg8[%mul3A_57] : memref<10240xf32, #tpu.memory_space<vmem_shared>> -> memref<640xf32, #tpu.memory_space<vmem_shared>>
        tpu.enqueue_dma source(%dma_start3A_60 : memref<640xf32, #tpu.memory_space<vmem_shared>>) target(%dma_start3A : memref<640xf32, #tpu.memory_space<hbm>>) target_semaphore(%run_scoped3A : memref<!tpu.dma_semaphore, #tpu.memory_space<semaphore_mem>>)
        %dma_wait3A = tpu.memref_slice %arg3[%mul3A_59] : memref<10240xf32, #tpu.memory_space<hbm>> -> memref<640xf32, #tpu.memory_space<hbm>>
        %dma_wait3A_61 = tpu.memref_slice %arg8[%mul3A_57] : memref<10240xf32, #tpu.memory_space<vmem_shared>> -> memref<640xf32, #tpu.memory_space<vmem_shared>>
        tpu.wait_dma2 semaphore(%run_scoped3A : memref<!tpu.dma_semaphore, #tpu.memory_space<semaphore_mem>>) src(%dma_wait3A_61 : memref<640xf32, #tpu.memory_space<vmem_shared>>) dst(%dma_wait3A : memref<640xf32, #tpu.memory_space<hbm>>)
        tpu.yield
      }) : () -> ()
    } else {
    }
    %eq3A_51 = arith.constant 1 : i32
    %eq3A_52 = arith.cmpi eq, %arg0, %eq3A_51 : i32
    %convert_element_type3A_53 = arith.extui %eq3A_52 : i1 to i32
    %cond3A_54 = arith.constant 0 : i32
    %cond3A_55 = arith.cmpi ne, %convert_element_type3A_53, %cond3A_54 : i32
    scf.if %cond3A_55 {
      %mul3A_56 = arith.constant 640 : i32
      %mul3A_57 = arith.muli %arg1, %mul3A_56 : i32
      %mul3A_58 = arith.constant 640 : i32
      %mul3A_59 = arith.muli %arg1, %mul3A_58 : i32
      "tpu.region"() ({
        %run_scoped3A = tpu.sem_alloc : memref<!tpu.dma_semaphore, #tpu.memory_space<semaphore_mem>>
        %dma_start3A = tpu.memref_slice %arg4[%mul3A_59] : memref<10240xf32, #tpu.memory_space<hbm>> -> memref<640xf32, #tpu.memory_space<hbm>>
        %dma_start3A_60 = tpu.memref_slice %arg8[%mul3A_57] : memref<10240xf32, #tpu.memory_space<vmem_shared>> -> memref<640xf32, #tpu.memory_space<vmem_shared>>
        tpu.enqueue_dma source(%dma_start3A_60 : memref<640xf32, #tpu.memory_space<vmem_shared>>) target(%dma_start3A : memref<640xf32, #tpu.memory_space<hbm>>) target_semaphore(%run_scoped3A : memref<!tpu.dma_semaphore, #tpu.memory_space<semaphore_mem>>)
        %dma_wait3A = tpu.memref_slice %arg4[%mul3A_59] : memref<10240xf32, #tpu.memory_space<hbm>> -> memref<640xf32, #tpu.memory_space<hbm>>
        %dma_wait3A_61 = tpu.memref_slice %arg8[%mul3A_57] : memref<10240xf32, #tpu.memory_space<vmem_shared>> -> memref<640xf32, #tpu.memory_space<vmem_shared>>
        tpu.wait_dma2 semaphore(%run_scoped3A : memref<!tpu.dma_semaphore, #tpu.memory_space<semaphore_mem>>) src(%dma_wait3A_61 : memref<640xf32, #tpu.memory_space<vmem_shared>>) dst(%dma_wait3A : memref<640xf32, #tpu.memory_space<hbm>>)
        tpu.yield
      }) : () -> ()
    } else {
    }
    return
  }
}

#map = affine_map<(d0, d1) -> (0, 0)>
module attributes {stable_mosaic.version = 14 : i64} {
  func.func @_agg_kernel(%arg0: i32, %arg1: i32, %arg2: memref<10240x128xf32, #tpu.memory_space<hbm>>, %arg3: memref<2560x128xi32, #tpu.memory_space<hbm>>, %arg4: memref<2560x128xi32, #tpu.memory_space<hbm>>, %arg5: memref<10240x128xf32, #tpu.memory_space<hbm>>, %arg6: memref<10240x128xf32, #tpu.memory_space<hbm>>, %arg7: memref<40x128xi32, #tpu.memory_space<vmem>>, %arg8: memref<40x128xi32, #tpu.memory_space<vmem>>, %arg9: memref<128x128xf32, #tpu.memory_space<vmem>>, %arg10: memref<128x128xf32, #tpu.memory_space<vmem>>, %arg11: memref<!tpu.dma_semaphore, #tpu.memory_space<semaphore_mem>>, %arg12: memref<!tpu.dma_semaphore, #tpu.memory_space<semaphore_mem>>, %arg13: memref<!tpu.dma_semaphore, #tpu.memory_space<semaphore_mem>>, %arg14: memref<!tpu.dma_semaphore, #tpu.memory_space<semaphore_mem>>, %arg15: memref<10240x128xf32, #tpu.memory_space<vmem_shared>>) attributes {dimension_semantics = [#tpu.dimension_semantics<core_parallel>, #tpu.dimension_semantics<subcore_parallel>], iteration_bounds = array<i64: 2, 16>, scalar_prefetch = 0 : i64, scratch_operands = 9 : i64, tpu.core_type = #tpu.core_type<sc_vector_subcore>, window_params = [{transform_indices = #map}, {transform_indices = #map}, {transform_indices = #map}, {transform_indices = #map}, {transform_indices = #map}]} {
    %mul3A = arith.constant 16 : i32
    %mul3A_0 = arith.muli %arg0, %mul3A : i32
    %add3A = arith.addi %mul3A_0, %arg1 : i32
    %broadcast_in_dim3A = arith.constant 0.000000e+00 : f32
    %broadcast_in_dim3A_1 = vector.broadcast %broadcast_in_dim3A : f32 to vector<16xf32>
    %scan3A = arith.constant 0 : i32
    %scan3A_2 = arith.constant 128 : i32
    %scan3A_3 = arith.addi %scan3A, %scan3A_2 : i32
    %scan3A_4 = arith.constant 1 : i32
    scf.for %scan3A_78 = %scan3A to %scan3A_3 step %scan3A_4  : i32 {
      %mul3A_79 = arith.constant 1 : i32
      %mul3A_80 = arith.muli %scan3A_78, %mul3A_79 : i32
      %add3A_81 = arith.constant 0 : i32
      %add3A_82 = arith.addi %add3A_81, %mul3A_80 : i32
      %swap3A = arith.index_cast %add3A_82 : i32 to index
      %swap3A_83 = arith.constant 0 : index
      %swap3A_84 = tpu.vector_load %arg9[%swap3A, %swap3A_83] {strides = array<i32>} : memref<128x128xf32, #tpu.memory_space<vmem>>, vector<1x16xf32>,
      %swap3A_85 = vector.shape_cast %swap3A_84 : vector<1x16xf32> to vector<16xf32>
      %swap3A_86 = vector.shape_cast %broadcast_in_dim3A_1 : vector<16xf32> to vector<1x16xf32>
      tpu.vector_store %arg9[%swap3A, %swap3A_83], %swap3A_86 {strides = array<i32>} : memref<128x128xf32, #tpu.memory_space<vmem>>, vector<1x16xf32>,
      %swap3A_87 = arith.index_cast %add3A_82 : i32 to index
      %swap3A_88 = arith.constant 16 : index
      %swap3A_89 = tpu.vector_load %arg9[%swap3A_87, %swap3A_88] {strides = array<i32>} : memref<128x128xf32, #tpu.memory_space<vmem>>, vector<1x16xf32>,
      %swap3A_90 = vector.shape_cast %swap3A_89 : vector<1x16xf32> to vector<16xf32>
      %swap3A_91 = vector.shape_cast %broadcast_in_dim3A_1 : vector<16xf32> to vector<1x16xf32>
      tpu.vector_store %arg9[%swap3A_87, %swap3A_88], %swap3A_91 {strides = array<i32>} : memref<128x128xf32, #tpu.memory_space<vmem>>, vector<1x16xf32>,
      %swap3A_92 = arith.index_cast %add3A_82 : i32 to index
      %swap3A_93 = arith.constant 32 : index
      %swap3A_94 = tpu.vector_load %arg9[%swap3A_92, %swap3A_93] {strides = array<i32>} : memref<128x128xf32, #tpu.memory_space<vmem>>, vector<1x16xf32>,
      %swap3A_95 = vector.shape_cast %swap3A_94 : vector<1x16xf32> to vector<16xf32>
      %swap3A_96 = vector.shape_cast %broadcast_in_dim3A_1 : vector<16xf32> to vector<1x16xf32>
      tpu.vector_store %arg9[%swap3A_92, %swap3A_93], %swap3A_96 {strides = array<i32>} : memref<128x128xf32, #tpu.memory_space<vmem>>, vector<1x16xf32>,
      %swap3A_97 = arith.index_cast %add3A_82 : i32 to index
      %swap3A_98 = arith.constant 48 : index
      %swap3A_99 = tpu.vector_load %arg9[%swap3A_97, %swap3A_98] {strides = array<i32>} : memref<128x128xf32, #tpu.memory_space<vmem>>, vector<1x16xf32>,
      %swap3A_100 = vector.shape_cast %swap3A_99 : vector<1x16xf32> to vector<16xf32>
      %swap3A_101 = vector.shape_cast %broadcast_in_dim3A_1 : vector<16xf32> to vector<1x16xf32>
      tpu.vector_store %arg9[%swap3A_97, %swap3A_98], %swap3A_101 {strides = array<i32>} : memref<128x128xf32, #tpu.memory_space<vmem>>, vector<1x16xf32>,
      %swap3A_102 = arith.index_cast %add3A_82 : i32 to index
      %swap3A_103 = arith.constant 64 : index
      %swap3A_104 = tpu.vector_load %arg9[%swap3A_102, %swap3A_103] {strides = array<i32>} : memref<128x128xf32, #tpu.memory_space<vmem>>, vector<1x16xf32>,
      %swap3A_105 = vector.shape_cast %swap3A_104 : vector<1x16xf32> to vector<16xf32>
      %swap3A_106 = vector.shape_cast %broadcast_in_dim3A_1 : vector<16xf32> to vector<1x16xf32>
      tpu.vector_store %arg9[%swap3A_102, %swap3A_103], %swap3A_106 {strides = array<i32>} : memref<128x128xf32, #tpu.memory_space<vmem>>, vector<1x16xf32>,
      %swap3A_107 = arith.index_cast %add3A_82 : i32 to index
      %swap3A_108 = arith.constant 80 : index
      %swap3A_109 = tpu.vector_load %arg9[%swap3A_107, %swap3A_108] {strides = array<i32>} : memref<128x128xf32, #tpu.memory_space<vmem>>, vector<1x16xf32>,
      %swap3A_110 = vector.shape_cast %swap3A_109 : vector<1x16xf32> to vector<16xf32>
      %swap3A_111 = vector.shape_cast %broadcast_in_dim3A_1 : vector<16xf32> to vector<1x16xf32>
      tpu.vector_store %arg9[%swap3A_107, %swap3A_108], %swap3A_111 {strides = array<i32>} : memref<128x128xf32, #tpu.memory_space<vmem>>, vector<1x16xf32>,
      %swap3A_112 = arith.index_cast %add3A_82 : i32 to index
      %swap3A_113 = arith.constant 96 : index
      %swap3A_114 = tpu.vector_load %arg9[%swap3A_112, %swap3A_113] {strides = array<i32>} : memref<128x128xf32, #tpu.memory_space<vmem>>, vector<1x16xf32>,
      %swap3A_115 = vector.shape_cast %swap3A_114 : vector<1x16xf32> to vector<16xf32>
      %swap3A_116 = vector.shape_cast %broadcast_in_dim3A_1 : vector<16xf32> to vector<1x16xf32>
      tpu.vector_store %arg9[%swap3A_112, %swap3A_113], %swap3A_116 {strides = array<i32>} : memref<128x128xf32, #tpu.memory_space<vmem>>, vector<1x16xf32>,
      %swap3A_117 = arith.index_cast %add3A_82 : i32 to index
      %swap3A_118 = arith.constant 112 : index
      %swap3A_119 = tpu.vector_load %arg9[%swap3A_117, %swap3A_118] {strides = array<i32>} : memref<128x128xf32, #tpu.memory_space<vmem>>, vector<1x16xf32>,
      %swap3A_120 = vector.shape_cast %swap3A_119 : vector<1x16xf32> to vector<16xf32>
      %swap3A_121 = vector.shape_cast %broadcast_in_dim3A_1 : vector<16xf32> to vector<1x16xf32>
      tpu.vector_store %arg9[%swap3A_117, %swap3A_118], %swap3A_121 {strides = array<i32>} : memref<128x128xf32, #tpu.memory_space<vmem>>, vector<1x16xf32>,
    }
    %scan3A_5 = arith.constant 128 : i32
    %mul3A_6 = arith.constant 640 : i32
    %mul3A_7 = arith.muli %arg1, %mul3A_6 : i32
    %add3A_8 = arith.constant 0 : i32
    %add3A_9 = arith.addi %mul3A_7, %add3A_8 : i32
    "tpu.region"() ({
      %run_scoped3A = tpu.sem_alloc : memref<!tpu.dma_semaphore, #tpu.memory_space<semaphore_mem>>
      %dma_start3A_78 = arith.constant 0 : i32
      %dma_start3A_79 = tpu.memref_slice %arg15[%add3A_9, %dma_start3A_78] : memref<10240x128xf32, #tpu.memory_space<vmem_shared>> -> memref<128x128xf32, #tpu.memory_space<vmem_shared>>
      %dma_start3A_80 = arith.constant 0 : i32
      %dma_start3A_81 = tpu.memref_slice %arg15[%add3A_9, %dma_start3A_80] : memref<10240x128xf32, #tpu.memory_space<vmem_shared>> -> memref<128x128xf32, #tpu.memory_space<vmem_shared>>
      tpu.enqueue_dma source(%arg9 : memref<128x128xf32, #tpu.memory_space<vmem>>) target(%dma_start3A_81 : memref<128x128xf32, #tpu.memory_space<vmem_shared>>) target_semaphore(%run_scoped3A : memref<!tpu.dma_semaphore, #tpu.memory_space<semaphore_mem>>)
      %dma_wait3A_82 = arith.constant 0 : i32
      %dma_wait3A_83 = tpu.memref_slice %arg15[%add3A_9, %dma_wait3A_82] : memref<10240x128xf32, #tpu.memory_space<vmem_shared>> -> memref<128x128xf32, #tpu.memory_space<vmem_shared>>
      %dma_wait3A_84 = arith.constant 0 : i32
      %dma_wait3A_85 = tpu.memref_slice %arg15[%add3A_9, %dma_wait3A_84] : memref<10240x128xf32, #tpu.memory_space<vmem_shared>> -> memref<128x128xf32, #tpu.memory_space<vmem_shared>>
      tpu.wait_dma2 semaphore(%run_scoped3A : memref<!tpu.dma_semaphore, #tpu.memory_space<semaphore_mem>>) src(%arg9 : memref<128x128xf32, #tpu.memory_space<vmem>>) dst(%dma_wait3A_85 : memref<128x128xf32, #tpu.memory_space<vmem_shared>>)
      tpu.yield
    }) : () -> ()
    %mul3A_10 = arith.constant 640 : i32
    %mul3A_11 = arith.muli %arg1, %mul3A_10 : i32
    %add3A_12 = arith.constant 128 : i32
    %add3A_13 = arith.addi %mul3A_11, %add3A_12 : i32
    "tpu.region"() ({
      %run_scoped3A = tpu.sem_alloc : memref<!tpu.dma_semaphore, #tpu.memory_space<semaphore_mem>>
      %dma_start3A_78 = arith.constant 0 : i32
      %dma_start3A_79 = tpu.memref_slice %arg15[%add3A_13, %dma_start3A_78] : memref<10240x128xf32, #tpu.memory_space<vmem_shared>> -> memref<128x128xf32, #tpu.memory_space<vmem_shared>>
      %dma_start3A_80 = arith.constant 0 : i32
      %dma_start3A_81 = tpu.memref_slice %arg15[%add3A_13, %dma_start3A_80] : memref<10240x128xf32, #tpu.memory_space<vmem_shared>> -> memref<128x128xf32, #tpu.memory_space<vmem_shared>>
      tpu.enqueue_dma source(%arg9 : memref<128x128xf32, #tpu.memory_space<vmem>>) target(%dma_start3A_81 : memref<128x128xf32, #tpu.memory_space<vmem_shared>>) target_semaphore(%run_scoped3A : memref<!tpu.dma_semaphore, #tpu.memory_space<semaphore_mem>>)
      %dma_wait3A_82 = arith.constant 0 : i32
      %dma_wait3A_83 = tpu.memref_slice %arg15[%add3A_13, %dma_wait3A_82] : memref<10240x128xf32, #tpu.memory_space<vmem_shared>> -> memref<128x128xf32, #tpu.memory_space<vmem_shared>>
      %dma_wait3A_84 = arith.constant 0 : i32
      %dma_wait3A_85 = tpu.memref_slice %arg15[%add3A_13, %dma_wait3A_84] : memref<10240x128xf32, #tpu.memory_space<vmem_shared>> -> memref<128x128xf32, #tpu.memory_space<vmem_shared>>
      tpu.wait_dma2 semaphore(%run_scoped3A : memref<!tpu.dma_semaphore, #tpu.memory_space<semaphore_mem>>) src(%arg9 : memref<128x128xf32, #tpu.memory_space<vmem>>) dst(%dma_wait3A_85 : memref<128x128xf32, #tpu.memory_space<vmem_shared>>)
      tpu.yield
    }) : () -> ()
    %mul3A_14 = arith.constant 640 : i32
    %mul3A_15 = arith.muli %arg1, %mul3A_14 : i32
    %add3A_16 = arith.constant 256 : i32
    %add3A_17 = arith.addi %mul3A_15, %add3A_16 : i32
    "tpu.region"() ({
      %run_scoped3A = tpu.sem_alloc : memref<!tpu.dma_semaphore, #tpu.memory_space<semaphore_mem>>
      %dma_start3A_78 = arith.constant 0 : i32
      %dma_start3A_79 = tpu.memref_slice %arg15[%add3A_17, %dma_start3A_78] : memref<10240x128xf32, #tpu.memory_space<vmem_shared>> -> memref<128x128xf32, #tpu.memory_space<vmem_shared>>
      %dma_start3A_80 = arith.constant 0 : i32
      %dma_start3A_81 = tpu.memref_slice %arg15[%add3A_17, %dma_start3A_80] : memref<10240x128xf32, #tpu.memory_space<vmem_shared>> -> memref<128x128xf32, #tpu.memory_space<vmem_shared>>
      tpu.enqueue_dma source(%arg9 : memref<128x128xf32, #tpu.memory_space<vmem>>) target(%dma_start3A_81 : memref<128x128xf32, #tpu.memory_space<vmem_shared>>) target_semaphore(%run_scoped3A : memref<!tpu.dma_semaphore, #tpu.memory_space<semaphore_mem>>)
      %dma_wait3A_82 = arith.constant 0 : i32
      %dma_wait3A_83 = tpu.memref_slice %arg15[%add3A_17, %dma_wait3A_82] : memref<10240x128xf32, #tpu.memory_space<vmem_shared>> -> memref<128x128xf32, #tpu.memory_space<vmem_shared>>
      %dma_wait3A_84 = arith.constant 0 : i32
      %dma_wait3A_85 = tpu.memref_slice %arg15[%add3A_17, %dma_wait3A_84] : memref<10240x128xf32, #tpu.memory_space<vmem_shared>> -> memref<128x128xf32, #tpu.memory_space<vmem_shared>>
      tpu.wait_dma2 semaphore(%run_scoped3A : memref<!tpu.dma_semaphore, #tpu.memory_space<semaphore_mem>>) src(%arg9 : memref<128x128xf32, #tpu.memory_space<vmem>>) dst(%dma_wait3A_85 : memref<128x128xf32, #tpu.memory_space<vmem_shared>>)
      tpu.yield
    }) : () -> ()
    %mul3A_18 = arith.constant 640 : i32
    %mul3A_19 = arith.muli %arg1, %mul3A_18 : i32
    %add3A_20 = arith.constant 384 : i32
    %add3A_21 = arith.addi %mul3A_19, %add3A_20 : i32
    "tpu.region"() ({
      %run_scoped3A = tpu.sem_alloc : memref<!tpu.dma_semaphore, #tpu.memory_space<semaphore_mem>>
      %dma_start3A_78 = arith.constant 0 : i32
      %dma_start3A_79 = tpu.memref_slice %arg15[%add3A_21, %dma_start3A_78] : memref<10240x128xf32, #tpu.memory_space<vmem_shared>> -> memref<128x128xf32, #tpu.memory_space<vmem_shared>>
      %dma_start3A_80 = arith.constant 0 : i32
      %dma_start3A_81 = tpu.memref_slice %arg15[%add3A_21, %dma_start3A_80] : memref<10240x128xf32, #tpu.memory_space<vmem_shared>> -> memref<128x128xf32, #tpu.memory_space<vmem_shared>>
      tpu.enqueue_dma source(%arg9 : memref<128x128xf32, #tpu.memory_space<vmem>>) target(%dma_start3A_81 : memref<128x128xf32, #tpu.memory_space<vmem_shared>>) target_semaphore(%run_scoped3A : memref<!tpu.dma_semaphore, #tpu.memory_space<semaphore_mem>>)
      %dma_wait3A_82 = arith.constant 0 : i32
      %dma_wait3A_83 = tpu.memref_slice %arg15[%add3A_21, %dma_wait3A_82] : memref<10240x128xf32, #tpu.memory_space<vmem_shared>> -> memref<128x128xf32, #tpu.memory_space<vmem_shared>>
      %dma_wait3A_84 = arith.constant 0 : i32
      %dma_wait3A_85 = tpu.memref_slice %arg15[%add3A_21, %dma_wait3A_84] : memref<10240x128xf32, #tpu.memory_space<vmem_shared>> -> memref<128x128xf32, #tpu.memory_space<vmem_shared>>
      tpu.wait_dma2 semaphore(%run_scoped3A : memref<!tpu.dma_semaphore, #tpu.memory_space<semaphore_mem>>) src(%arg9 : memref<128x128xf32, #tpu.memory_space<vmem>>) dst(%dma_wait3A_85 : memref<128x128xf32, #tpu.memory_space<vmem_shared>>)
      tpu.yield
    }) : () -> ()
    %mul3A_22 = arith.constant 640 : i32
    %mul3A_23 = arith.muli %arg1, %mul3A_22 : i32
    %add3A_24 = arith.constant 512 : i32
    %add3A_25 = arith.addi %mul3A_23, %add3A_24 : i32
    "tpu.region"() ({
      %run_scoped3A = tpu.sem_alloc : memref<!tpu.dma_semaphore, #tpu.memory_space<semaphore_mem>>
      %dma_start3A_78 = arith.constant 0 : i32
      %dma_start3A_79 = tpu.memref_slice %arg15[%add3A_25, %dma_start3A_78] : memref<10240x128xf32, #tpu.memory_space<vmem_shared>> -> memref<128x128xf32, #tpu.memory_space<vmem_shared>>
      %dma_start3A_80 = arith.constant 0 : i32
      %dma_start3A_81 = tpu.memref_slice %arg15[%add3A_25, %dma_start3A_80] : memref<10240x128xf32, #tpu.memory_space<vmem_shared>> -> memref<128x128xf32, #tpu.memory_space<vmem_shared>>
      tpu.enqueue_dma source(%arg9 : memref<128x128xf32, #tpu.memory_space<vmem>>) target(%dma_start3A_81 : memref<128x128xf32, #tpu.memory_space<vmem_shared>>) target_semaphore(%run_scoped3A : memref<!tpu.dma_semaphore, #tpu.memory_space<semaphore_mem>>)
      %dma_wait3A_82 = arith.constant 0 : i32
      %dma_wait3A_83 = tpu.memref_slice %arg15[%add3A_25, %dma_wait3A_82] : memref<10240x128xf32, #tpu.memory_space<vmem_shared>> -> memref<128x128xf32, #tpu.memory_space<vmem_shared>>
      %dma_wait3A_84 = arith.constant 0 : i32
      %dma_wait3A_85 = tpu.memref_slice %arg15[%add3A_25, %dma_wait3A_84] : memref<10240x128xf32, #tpu.memory_space<vmem_shared>> -> memref<128x128xf32, #tpu.memory_space<vmem_shared>>
      tpu.wait_dma2 semaphore(%run_scoped3A : memref<!tpu.dma_semaphore, #tpu.memory_space<semaphore_mem>>) src(%arg9 : memref<128x128xf32, #tpu.memory_space<vmem>>) dst(%dma_wait3A_85 : memref<128x128xf32, #tpu.memory_space<vmem_shared>>)
      tpu.yield
    }) : () -> ()
    %barrier3A = arith.constant 0 : index
    tpu.barrier barrier_id(%barrier3A)
    %mul3A_26 = arith.constant 80 : i32
    %mul3A_27 = arith.muli %add3A, %mul3A_26 : i32
    %add3A_28 = arith.constant 0 : i32
    %add3A_29 = arith.addi %mul3A_27, %add3A_28 : i32
    "tpu.region"() ({
      %run_scoped3A = tpu.sem_alloc : memref<!tpu.dma_semaphore, #tpu.memory_space<semaphore_mem>>
      %dma_start3A_78 = arith.constant 0 : i32
      %dma_start3A_79 = tpu.memref_slice %arg3[%add3A_29, %dma_start3A_78] : memref<2560x128xi32, #tpu.memory_space<hbm>> -> memref<40x128xi32, #tpu.memory_space<hbm>>
      %dma_start3A_80 = arith.constant 0 : i32
      %dma_start3A_81 = tpu.memref_slice %arg3[%add3A_29, %dma_start3A_80] : memref<2560x128xi32, #tpu.memory_space<hbm>> -> memref<40x128xi32, #tpu.memory_space<hbm>>
      tpu.enqueue_dma source(%dma_start3A_81 : memref<40x128xi32, #tpu.memory_space<hbm>>) target(%arg7 : memref<40x128xi32, #tpu.memory_space<vmem>>) target_semaphore(%run_scoped3A : memref<!tpu.dma_semaphore, #tpu.memory_space<semaphore_mem>>)
      %dma_wait3A_82 = arith.constant 0 : i32
      %dma_wait3A_83 = tpu.memref_slice %arg3[%add3A_29, %dma_wait3A_82] : memref<2560x128xi32, #tpu.memory_space<hbm>> -> memref<40x128xi32, #tpu.memory_space<hbm>>
      %dma_wait3A_84 = arith.constant 0 : i32
      %dma_wait3A_85 = tpu.memref_slice %arg3[%add3A_29, %dma_wait3A_84] : memref<2560x128xi32, #tpu.memory_space<hbm>> -> memref<40x128xi32, #tpu.memory_space<hbm>>
      tpu.wait_dma2 semaphore(%run_scoped3A : memref<!tpu.dma_semaphore, #tpu.memory_space<semaphore_mem>>) src(%dma_wait3A_85 : memref<40x128xi32, #tpu.memory_space<hbm>>) dst(%arg7 : memref<40x128xi32, #tpu.memory_space<vmem>>)
      tpu.yield
    }) : () -> ()
    "tpu.region"() ({
      %run_scoped3A = tpu.sem_alloc : memref<!tpu.dma_semaphore, #tpu.memory_space<semaphore_mem>>
      %dma_start3A_78 = arith.constant 0 : i32
      %dma_start3A_79 = tpu.memref_slice %arg4[%add3A_29, %dma_start3A_78] : memref<2560x128xi32, #tpu.memory_space<hbm>> -> memref<40x128xi32, #tpu.memory_space<hbm>>
      %dma_start3A_80 = arith.constant 0 : i32
      %dma_start3A_81 = tpu.memref_slice %arg4[%add3A_29, %dma_start3A_80] : memref<2560x128xi32, #tpu.memory_space<hbm>> -> memref<40x128xi32, #tpu.memory_space<hbm>>
      tpu.enqueue_dma source(%dma_start3A_81 : memref<40x128xi32, #tpu.memory_space<hbm>>) target(%arg8 : memref<40x128xi32, #tpu.memory_space<vmem>>) target_semaphore(%run_scoped3A : memref<!tpu.dma_semaphore, #tpu.memory_space<semaphore_mem>>)
      %dma_wait3A_82 = arith.constant 0 : i32
      %dma_wait3A_83 = tpu.memref_slice %arg4[%add3A_29, %dma_wait3A_82] : memref<2560x128xi32, #tpu.memory_space<hbm>> -> memref<40x128xi32, #tpu.memory_space<hbm>>
      %dma_wait3A_84 = arith.constant 0 : i32
      %dma_wait3A_85 = tpu.memref_slice %arg4[%add3A_29, %dma_wait3A_84] : memref<2560x128xi32, #tpu.memory_space<hbm>> -> memref<40x128xi32, #tpu.memory_space<hbm>>
      tpu.wait_dma2 semaphore(%run_scoped3A : memref<!tpu.dma_semaphore, #tpu.memory_space<semaphore_mem>>) src(%dma_wait3A_85 : memref<40x128xi32, #tpu.memory_space<hbm>>) dst(%arg8 : memref<40x128xi32, #tpu.memory_space<vmem>>)
      tpu.yield
    }) : () -> ()
    %dma_start3A = arith.constant 0 : i32
    %dma_start3A_30 = arith.constant 0 : i32
    %dma_start3A_31 = tpu.memref_slice %arg7[%dma_start3A, %dma_start3A_30] : memref<40x128xi32, #tpu.memory_space<vmem>> -> memref<1x128xi32, #tpu.memory_space<vmem>>
    %dma_start3A_32 = tpu.memref_squeeze %dma_start3A_31 : memref<1x128xi32, #tpu.memory_space<vmem>> -> memref<128xi32, #tpu.memory_space<vmem>>
    %dma_start3A_33 = arith.constant 0 : i32
    %dma_start3A_34 = arith.constant 0 : i32
    %dma_start3A_35 = tpu.memref_slice %arg2[%dma_start3A_33, %dma_start3A_34] : memref<10240x128xf32, #tpu.memory_space<hbm>> -> memref<10240x128xf32, #tpu.memory_space<hbm>>
    tpu.enqueue_indirect_dma source(%dma_start3A_35 : memref<10240x128xf32, #tpu.memory_space<hbm>>) target(%arg9 : memref<128x128xf32, #tpu.memory_space<vmem>>) offsets(%dma_start3A_32 : memref<128xi32, #tpu.memory_space<vmem>>) semaphore(%arg11 : memref<!tpu.dma_semaphore, #tpu.memory_space<semaphore_mem>>)
    %scan3A_36 = arith.constant 0 : i32
    %scan3A_37 = arith.constant 20 : i32
    %scan3A_38 = arith.addi %scan3A_36, %scan3A_37 : i32
    %scan3A_39 = arith.constant 1 : i32
    scf.for %scan3A_78 = %scan3A_36 to %scan3A_38 step %scan3A_39  : i32 {
      %mul3A_79 = arith.constant 1 : i32
      %mul3A_80 = arith.muli %scan3A_78, %mul3A_79 : i32
      %add3A_81 = arith.constant 0 : i32
      %add3A_82 = arith.addi %add3A_81, %mul3A_80 : i32
      %mul3A_83 = arith.constant 2 : i32
      %mul3A_84 = arith.muli %mul3A_83, %add3A_82 : i32
      %add3A_85 = arith.constant 0 : i32
      %add3A_86 = arith.addi %mul3A_84, %add3A_85 : i32
      %ge3A = arith.constant 1 : i32
      %ge3A_87 = arith.cmpi sge, %add3A_86, %ge3A : i32
      %convert_element_type3A_88 = arith.extui %ge3A_87 : i1 to i32
      %cond3A_89 = arith.constant 0 : i32
      %cond3A_90 = arith.cmpi ne, %convert_element_type3A_88, %cond3A_89 : i32
      scf.if %cond3A_90 {
        %dma_wait3A_137 = arith.constant 0 : i32
        %dma_wait3A_138 = arith.constant 0 : i32
        %dma_wait3A_139 = tpu.memref_slice %arg8[%dma_wait3A_137, %dma_wait3A_138] : memref<40x128xi32, #tpu.memory_space<vmem>> -> memref<1x128xi32, #tpu.memory_space<vmem>>
        %dma_wait3A_140 = tpu.memref_squeeze %dma_wait3A_139 : memref<1x128xi32, #tpu.memory_space<vmem>> -> memref<128xi32, #tpu.memory_space<vmem>>
        %dma_wait3A_141 = arith.constant 0 : i32
        %dma_wait3A_142 = arith.constant 0 : i32
        %dma_wait3A_143 = tpu.memref_slice %arg15[%dma_wait3A_141, %dma_wait3A_142] : memref<10240x128xf32, #tpu.memory_space<vmem_shared>> -> memref<10240x128xf32, #tpu.memory_space<vmem_shared>>
        tpu.wait_indirect_dma semaphore(%arg14 : memref<!tpu.dma_semaphore, #tpu.memory_space<semaphore_mem>>) src(%arg10 : memref<128x128xf32, #tpu.memory_space<vmem>>) dst(%dma_wait3A_143 : memref<10240x128xf32, #tpu.memory_space<vmem_shared>>)
      } else {
      }
      %add3A_91 = arith.constant 1 : i32
      %add3A_92 = arith.addi %add3A_86, %add3A_91 : i32
      %lt3A = arith.constant 40 : i32
      %lt3A_93 = arith.cmpi slt, %add3A_92, %lt3A : i32
      %convert_element_type3A_94 = arith.extui %lt3A_93 : i1 to i32
      %cond3A_95 = arith.constant 0 : i32
      %cond3A_96 = arith.cmpi ne, %convert_element_type3A_94, %cond3A_95 : i32
      scf.if %cond3A_96 {
        %add3A_137 = arith.constant 1 : i32
        %add3A_138 = arith.addi %add3A_86, %add3A_137 : i32
        %dma_start3A_139 = arith.constant 0 : i32
        %dma_start3A_140 = tpu.memref_slice %arg7[%add3A_138, %dma_start3A_139] : memref<40x128xi32, #tpu.memory_space<vmem>> -> memref<1x128xi32, #tpu.memory_space<vmem>>
        %dma_start3A_141 = tpu.memref_squeeze %dma_start3A_140 : memref<1x128xi32, #tpu.memory_space<vmem>> -> memref<128xi32, #tpu.memory_space<vmem>>
        %dma_start3A_142 = arith.constant 0 : i32
        %dma_start3A_143 = arith.constant 0 : i32
        %dma_start3A_144 = tpu.memref_slice %arg2[%dma_start3A_142, %dma_start3A_143] : memref<10240x128xf32, #tpu.memory_space<hbm>> -> memref<10240x128xf32, #tpu.memory_space<hbm>>
        tpu.enqueue_indirect_dma source(%dma_start3A_144 : memref<10240x128xf32, #tpu.memory_space<hbm>>) target(%arg10 : memref<128x128xf32, #tpu.memory_space<vmem>>) offsets(%dma_start3A_141 : memref<128xi32, #tpu.memory_space<vmem>>) semaphore(%arg12 : memref<!tpu.dma_semaphore, #tpu.memory_space<semaphore_mem>>)
      } else {
      }
      %dma_wait3A_97 = arith.constant 0 : i32
      %dma_wait3A_98 = tpu.memref_slice %arg7[%add3A_86, %dma_wait3A_97] : memref<40x128xi32, #tpu.memory_space<vmem>> -> memref<1x128xi32, #tpu.memory_space<vmem>>
      %dma_wait3A_99 = tpu.memref_squeeze %dma_wait3A_98 : memref<1x128xi32, #tpu.memory_space<vmem>> -> memref<128xi32, #tpu.memory_space<vmem>>
      %dma_wait3A_100 = arith.constant 0 : i32
      %dma_wait3A_101 = arith.constant 0 : i32
      %dma_wait3A_102 = tpu.memref_slice %arg2[%dma_wait3A_100, %dma_wait3A_101] : memref<10240x128xf32, #tpu.memory_space<hbm>> -> memref<10240x128xf32, #tpu.memory_space<hbm>>
      tpu.wait_indirect_dma semaphore(%arg11 : memref<!tpu.dma_semaphore, #tpu.memory_space<semaphore_mem>>) src(%dma_wait3A_102 : memref<10240x128xf32, #tpu.memory_space<hbm>>) dst(%arg9 : memref<128x128xf32, #tpu.memory_space<vmem>>)
      %dma_start3A_103 = arith.constant 0 : i32
      %dma_start3A_104 = tpu.memref_slice %arg8[%add3A_86, %dma_start3A_103] : memref<40x128xi32, #tpu.memory_space<vmem>> -> memref<1x128xi32, #tpu.memory_space<vmem>>
      %dma_start3A_105 = tpu.memref_squeeze %dma_start3A_104 : memref<1x128xi32, #tpu.memory_space<vmem>> -> memref<128xi32, #tpu.memory_space<vmem>>
      %dma_start3A_106 = arith.constant 0 : i32
      %dma_start3A_107 = arith.constant 0 : i32
      %dma_start3A_108 = tpu.memref_slice %arg15[%dma_start3A_106, %dma_start3A_107] : memref<10240x128xf32, #tpu.memory_space<vmem_shared>> -> memref<10240x128xf32, #tpu.memory_space<vmem_shared>>
      tpu.enqueue_indirect_dma source(%arg9 : memref<128x128xf32, #tpu.memory_space<vmem>>) target(%dma_start3A_108 : memref<10240x128xf32, #tpu.memory_space<vmem_shared>>) offsets(%dma_start3A_105 : memref<128xi32, #tpu.memory_space<vmem>>) semaphore(%arg13 : memref<!tpu.dma_semaphore, #tpu.memory_space<semaphore_mem>>) {add = true}
      %mul3A_109 = arith.constant 2 : i32
      %mul3A_110 = arith.muli %mul3A_109, %add3A_82 : i32
      %add3A_111 = arith.constant 1 : i32
      %add3A_112 = arith.addi %mul3A_110, %add3A_111 : i32
      %ge3A_113 = arith.constant 1 : i32
      %ge3A_114 = arith.cmpi sge, %add3A_112, %ge3A_113 : i32
      %convert_element_type3A_115 = arith.extui %ge3A_114 : i1 to i32
      %cond3A_116 = arith.constant 0 : i32
      %cond3A_117 = arith.cmpi ne, %convert_element_type3A_115, %cond3A_116 : i32
      scf.if %cond3A_117 {
        %dma_wait3A_137 = arith.constant 0 : i32
        %dma_wait3A_138 = arith.constant 0 : i32
        %dma_wait3A_139 = tpu.memref_slice %arg8[%dma_wait3A_137, %dma_wait3A_138] : memref<40x128xi32, #tpu.memory_space<vmem>> -> memref<1x128xi32, #tpu.memory_space<vmem>>
        %dma_wait3A_140 = tpu.memref_squeeze %dma_wait3A_139 : memref<1x128xi32, #tpu.memory_space<vmem>> -> memref<128xi32, #tpu.memory_space<vmem>>
        %dma_wait3A_141 = arith.constant 0 : i32
        %dma_wait3A_142 = arith.constant 0 : i32
        %dma_wait3A_143 = tpu.memref_slice %arg15[%dma_wait3A_141, %dma_wait3A_142] : memref<10240x128xf32, #tpu.memory_space<vmem_shared>> -> memref<10240x128xf32, #tpu.memory_space<vmem_shared>>
        tpu.wait_indirect_dma semaphore(%arg13 : memref<!tpu.dma_semaphore, #tpu.memory_space<semaphore_mem>>) src(%arg9 : memref<128x128xf32, #tpu.memory_space<vmem>>) dst(%dma_wait3A_143 : memref<10240x128xf32, #tpu.memory_space<vmem_shared>>)
      } else {
      }
      %add3A_118 = arith.constant 1 : i32
      %add3A_119 = arith.addi %add3A_112, %add3A_118 : i32
      %lt3A_120 = arith.constant 40 : i32
      %lt3A_121 = arith.cmpi slt, %add3A_119, %lt3A_120 : i32
      %convert_element_type3A_122 = arith.extui %lt3A_121 : i1 to i32
      %cond3A_123 = arith.constant 0 : i32
      %cond3A_124 = arith.cmpi ne, %convert_element_type3A_122, %cond3A_123 : i32
      scf.if %cond3A_124 {
        %add3A_137 = arith.constant 1 : i32
        %add3A_138 = arith.addi %add3A_112, %add3A_137 : i32
        %dma_start3A_139 = arith.constant 0 : i32
        %dma_start3A_140 = tpu.memref_slice %arg7[%add3A_138, %dma_start3A_139] : memref<40x128xi32, #tpu.memory_space<vmem>> -> memref<1x128xi32, #tpu.memory_space<vmem>>
        %dma_start3A_141 = tpu.memref_squeeze %dma_start3A_140 : memref<1x128xi32, #tpu.memory_space<vmem>> -> memref<128xi32, #tpu.memory_space<vmem>>
        %dma_start3A_142 = arith.constant 0 : i32
        %dma_start3A_143 = arith.constant 0 : i32
        %dma_start3A_144 = tpu.memref_slice %arg2[%dma_start3A_142, %dma_start3A_143] : memref<10240x128xf32, #tpu.memory_space<hbm>> -> memref<10240x128xf32, #tpu.memory_space<hbm>>
        tpu.enqueue_indirect_dma source(%dma_start3A_144 : memref<10240x128xf32, #tpu.memory_space<hbm>>) target(%arg9 : memref<128x128xf32, #tpu.memory_space<vmem>>) offsets(%dma_start3A_141 : memref<128xi32, #tpu.memory_space<vmem>>) semaphore(%arg11 : memref<!tpu.dma_semaphore, #tpu.memory_space<semaphore_mem>>)
      } else {
      }
      %dma_wait3A_125 = arith.constant 0 : i32
      %dma_wait3A_126 = tpu.memref_slice %arg7[%add3A_112, %dma_wait3A_125] : memref<40x128xi32, #tpu.memory_space<vmem>> -> memref<1x128xi32, #tpu.memory_space<vmem>>
      %dma_wait3A_127 = tpu.memref_squeeze %dma_wait3A_126 : memref<1x128xi32, #tpu.memory_space<vmem>> -> memref<128xi32, #tpu.memory_space<vmem>>
      %dma_wait3A_128 = arith.constant 0 : i32
      %dma_wait3A_129 = arith.constant 0 : i32
      %dma_wait3A_130 = tpu.memref_slice %arg2[%dma_wait3A_128, %dma_wait3A_129] : memref<10240x128xf32, #tpu.memory_space<hbm>> -> memref<10240x128xf32, #tpu.memory_space<hbm>>
      tpu.wait_indirect_dma semaphore(%arg12 : memref<!tpu.dma_semaphore, #tpu.memory_space<semaphore_mem>>) src(%dma_wait3A_130 : memref<10240x128xf32, #tpu.memory_space<hbm>>) dst(%arg10 : memref<128x128xf32, #tpu.memory_space<vmem>>)
      %dma_start3A_131 = arith.constant 0 : i32
      %dma_start3A_132 = tpu.memref_slice %arg8[%add3A_112, %dma_start3A_131] : memref<40x128xi32, #tpu.memory_space<vmem>> -> memref<1x128xi32, #tpu.memory_space<vmem>>
      %dma_start3A_133 = tpu.memref_squeeze %dma_start3A_132 : memref<1x128xi32, #tpu.memory_space<vmem>> -> memref<128xi32, #tpu.memory_space<vmem>>
      %dma_start3A_134 = arith.constant 0 : i32
      %dma_start3A_135 = arith.constant 0 : i32
      %dma_start3A_136 = tpu.memref_slice %arg15[%dma_start3A_134, %dma_start3A_135] : memref<10240x128xf32, #tpu.memory_space<vmem_shared>> -> memref<10240x128xf32, #tpu.memory_space<vmem_shared>>
      tpu.enqueue_indirect_dma source(%arg10 : memref<128x128xf32, #tpu.memory_space<vmem>>) target(%dma_start3A_136 : memref<10240x128xf32, #tpu.memory_space<vmem_shared>>) offsets(%dma_start3A_133 : memref<128xi32, #tpu.memory_space<vmem>>) semaphore(%arg14 : memref<!tpu.dma_semaphore, #tpu.memory_space<semaphore_mem>>) {add = true}
    }
    %scan3A_40 = arith.constant 20 : i32
    %dma_wait3A = arith.constant 0 : i32
    %dma_wait3A_41 = arith.constant 0 : i32
    %dma_wait3A_42 = tpu.memref_slice %arg8[%dma_wait3A, %dma_wait3A_41] : memref<40x128xi32, #tpu.memory_space<vmem>> -> memref<1x128xi32, #tpu.memory_space<vmem>>
    %dma_wait3A_43 = tpu.memref_squeeze %dma_wait3A_42 : memref<1x128xi32, #tpu.memory_space<vmem>> -> memref<128xi32, #tpu.memory_space<vmem>>
    %dma_wait3A_44 = arith.constant 0 : i32
    %dma_wait3A_45 = arith.constant 0 : i32
    %dma_wait3A_46 = tpu.memref_slice %arg15[%dma_wait3A_44, %dma_wait3A_45] : memref<10240x128xf32, #tpu.memory_space<vmem_shared>> -> memref<10240x128xf32, #tpu.memory_space<vmem_shared>>
    tpu.wait_indirect_dma semaphore(%arg14 : memref<!tpu.dma_semaphore, #tpu.memory_space<semaphore_mem>>) src(%arg10 : memref<128x128xf32, #tpu.memory_space<vmem>>) dst(%dma_wait3A_46 : memref<10240x128xf32, #tpu.memory_space<vmem_shared>>)
    %mul3A_47 = arith.constant 80 : i32
    %mul3A_48 = arith.muli %add3A, %mul3A_47 : i32
    %add3A_49 = arith.constant 40 : i32
    %add3A_50 = arith.addi %mul3A_48, %add3A_49 : i32
    "tpu.region"() ({
      %run_scoped3A = tpu.sem_alloc : memref<!tpu.dma_semaphore, #tpu.memory_space<semaphore_mem>>
      %dma_start3A_78 = arith.constant 0 : i32
      %dma_start3A_79 = tpu.memref_slice %arg3[%add3A_50, %dma_start3A_78] : memref<2560x128xi32, #tpu.memory_space<hbm>> -> memref<40x128xi32, #tpu.memory_space<hbm>>
      %dma_start3A_80 = arith.constant 0 : i32
      %dma_start3A_81 = tpu.memref_slice %arg3[%add3A_50, %dma_start3A_80] : memref<2560x128xi32, #tpu.memory_space<hbm>> -> memref<40x128xi32, #tpu.memory_space<hbm>>
      tpu.enqueue_dma source(%dma_start3A_81 : memref<40x128xi32, #tpu.memory_space<hbm>>) target(%arg7 : memref<40x128xi32, #tpu.memory_space<vmem>>) target_semaphore(%run_scoped3A : memref<!tpu.dma_semaphore, #tpu.memory_space<semaphore_mem>>)
      %dma_wait3A_82 = arith.constant 0 : i32
      %dma_wait3A_83 = tpu.memref_slice %arg3[%add3A_50, %dma_wait3A_82] : memref<2560x128xi32, #tpu.memory_space<hbm>> -> memref<40x128xi32, #tpu.memory_space<hbm>>
      %dma_wait3A_84 = arith.constant 0 : i32
      %dma_wait3A_85 = tpu.memref_slice %arg3[%add3A_50, %dma_wait3A_84] : memref<2560x128xi32, #tpu.memory_space<hbm>> -> memref<40x128xi32, #tpu.memory_space<hbm>>
      tpu.wait_dma2 semaphore(%run_scoped3A : memref<!tpu.dma_semaphore, #tpu.memory_space<semaphore_mem>>) src(%dma_wait3A_85 : memref<40x128xi32, #tpu.memory_space<hbm>>) dst(%arg7 : memref<40x128xi32, #tpu.memory_space<vmem>>)
      tpu.yield
    }) : () -> ()
    "tpu.region"() ({
      %run_scoped3A = tpu.sem_alloc : memref<!tpu.dma_semaphore, #tpu.memory_space<semaphore_mem>>
      %dma_start3A_78 = arith.constant 0 : i32
      %dma_start3A_79 = tpu.memref_slice %arg4[%add3A_50, %dma_start3A_78] : memref<2560x128xi32, #tpu.memory_space<hbm>> -> memref<40x128xi32, #tpu.memory_space<hbm>>
      %dma_start3A_80 = arith.constant 0 : i32
      %dma_start3A_81 = tpu.memref_slice %arg4[%add3A_50, %dma_start3A_80] : memref<2560x128xi32, #tpu.memory_space<hbm>> -> memref<40x128xi32, #tpu.memory_space<hbm>>
      tpu.enqueue_dma source(%dma_start3A_81 : memref<40x128xi32, #tpu.memory_space<hbm>>) target(%arg8 : memref<40x128xi32, #tpu.memory_space<vmem>>) target_semaphore(%run_scoped3A : memref<!tpu.dma_semaphore, #tpu.memory_space<semaphore_mem>>)
      %dma_wait3A_82 = arith.constant 0 : i32
      %dma_wait3A_83 = tpu.memref_slice %arg4[%add3A_50, %dma_wait3A_82] : memref<2560x128xi32, #tpu.memory_space<hbm>> -> memref<40x128xi32, #tpu.memory_space<hbm>>
      %dma_wait3A_84 = arith.constant 0 : i32
      %dma_wait3A_85 = tpu.memref_slice %arg4[%add3A_50, %dma_wait3A_84] : memref<2560x128xi32, #tpu.memory_space<hbm>> -> memref<40x128xi32, #tpu.memory_space<hbm>>
      tpu.wait_dma2 semaphore(%run_scoped3A : memref<!tpu.dma_semaphore, #tpu.memory_space<semaphore_mem>>) src(%dma_wait3A_85 : memref<40x128xi32, #tpu.memory_space<hbm>>) dst(%arg8 : memref<40x128xi32, #tpu.memory_space<vmem>>)
      tpu.yield
    }) : () -> ()
    %dma_start3A_51 = arith.constant 0 : i32
    %dma_start3A_52 = arith.constant 0 : i32
    %dma_start3A_53 = tpu.memref_slice %arg7[%dma_start3A_51, %dma_start3A_52] : memref<40x128xi32, #tpu.memory_space<vmem>> -> memref<1x128xi32, #tpu.memory_space<vmem>>
    %dma_start3A_54 = tpu.memref_squeeze %dma_start3A_53 : memref<1x128xi32, #tpu.memory_space<vmem>> -> memref<128xi32, #tpu.memory_space<vmem>>
    %dma_start3A_55 = arith.constant 0 : i32
    %dma_start3A_56 = arith.constant 0 : i32
    %dma_start3A_57 = tpu.memref_slice %arg2[%dma_start3A_55, %dma_start3A_56] : memref<10240x128xf32, #tpu.memory_space<hbm>> -> memref<10240x128xf32, #tpu.memory_space<hbm>>
    tpu.enqueue_indirect_dma source(%dma_start3A_57 : memref<10240x128xf32, #tpu.memory_space<hbm>>) target(%arg9 : memref<128x128xf32, #tpu.memory_space<vmem>>) offsets(%dma_start3A_54 : memref<128xi32, #tpu.memory_space<vmem>>) semaphore(%arg11 : memref<!tpu.dma_semaphore, #tpu.memory_space<semaphore_mem>>)
    %scan3A_58 = arith.constant 0 : i32
    %scan3A_59 = arith.constant 20 : i32
    %scan3A_60 = arith.addi %scan3A_58, %scan3A_59 : i32
    %scan3A_61 = arith.constant 1 : i32
    scf.for %scan3A_78 = %scan3A_58 to %scan3A_60 step %scan3A_61  : i32 {
      %mul3A_79 = arith.constant 1 : i32
      %mul3A_80 = arith.muli %scan3A_78, %mul3A_79 : i32
      %add3A_81 = arith.constant 0 : i32
      %add3A_82 = arith.addi %add3A_81, %mul3A_80 : i32
      %mul3A_83 = arith.constant 2 : i32
      %mul3A_84 = arith.muli %mul3A_83, %add3A_82 : i32
      %add3A_85 = arith.constant 0 : i32
      %add3A_86 = arith.addi %mul3A_84, %add3A_85 : i32
      %ge3A = arith.constant 1 : i32
      %ge3A_87 = arith.cmpi sge, %add3A_86, %ge3A : i32
      %convert_element_type3A_88 = arith.extui %ge3A_87 : i1 to i32
      %cond3A_89 = arith.constant 0 : i32
      %cond3A_90 = arith.cmpi ne, %convert_element_type3A_88, %cond3A_89 : i32
      scf.if %cond3A_90 {
        %dma_wait3A_137 = arith.constant 0 : i32
        %dma_wait3A_138 = arith.constant 0 : i32
        %dma_wait3A_139 = tpu.memref_slice %arg8[%dma_wait3A_137, %dma_wait3A_138] : memref<40x128xi32, #tpu.memory_space<vmem>> -> memref<1x128xi32, #tpu.memory_space<vmem>>
        %dma_wait3A_140 = tpu.memref_squeeze %dma_wait3A_139 : memref<1x128xi32, #tpu.memory_space<vmem>> -> memref<128xi32, #tpu.memory_space<vmem>>
        %dma_wait3A_141 = arith.constant 0 : i32
        %dma_wait3A_142 = arith.constant 0 : i32
        %dma_wait3A_143 = tpu.memref_slice %arg15[%dma_wait3A_141, %dma_wait3A_142] : memref<10240x128xf32, #tpu.memory_space<vmem_shared>> -> memref<10240x128xf32, #tpu.memory_space<vmem_shared>>
        tpu.wait_indirect_dma semaphore(%arg14 : memref<!tpu.dma_semaphore, #tpu.memory_space<semaphore_mem>>) src(%arg10 : memref<128x128xf32, #tpu.memory_space<vmem>>) dst(%dma_wait3A_143 : memref<10240x128xf32, #tpu.memory_space<vmem_shared>>)
      } else {
      }
      %add3A_91 = arith.constant 1 : i32
      %add3A_92 = arith.addi %add3A_86, %add3A_91 : i32
      %lt3A = arith.constant 40 : i32
      %lt3A_93 = arith.cmpi slt, %add3A_92, %lt3A : i32
      %convert_element_type3A_94 = arith.extui %lt3A_93 : i1 to i32
      %cond3A_95 = arith.constant 0 : i32
      %cond3A_96 = arith.cmpi ne, %convert_element_type3A_94, %cond3A_95 : i32
      scf.if %cond3A_96 {
        %add3A_137 = arith.constant 1 : i32
        %add3A_138 = arith.addi %add3A_86, %add3A_137 : i32
        %dma_start3A_139 = arith.constant 0 : i32
        %dma_start3A_140 = tpu.memref_slice %arg7[%add3A_138, %dma_start3A_139] : memref<40x128xi32, #tpu.memory_space<vmem>> -> memref<1x128xi32, #tpu.memory_space<vmem>>
        %dma_start3A_141 = tpu.memref_squeeze %dma_start3A_140 : memref<1x128xi32, #tpu.memory_space<vmem>> -> memref<128xi32, #tpu.memory_space<vmem>>
        %dma_start3A_142 = arith.constant 0 : i32
        %dma_start3A_143 = arith.constant 0 : i32
        %dma_start3A_144 = tpu.memref_slice %arg2[%dma_start3A_142, %dma_start3A_143] : memref<10240x128xf32, #tpu.memory_space<hbm>> -> memref<10240x128xf32, #tpu.memory_space<hbm>>
        tpu.enqueue_indirect_dma source(%dma_start3A_144 : memref<10240x128xf32, #tpu.memory_space<hbm>>) target(%arg10 : memref<128x128xf32, #tpu.memory_space<vmem>>) offsets(%dma_start3A_141 : memref<128xi32, #tpu.memory_space<vmem>>) semaphore(%arg12 : memref<!tpu.dma_semaphore, #tpu.memory_space<semaphore_mem>>)
      } else {
      }
      %dma_wait3A_97 = arith.constant 0 : i32
      %dma_wait3A_98 = tpu.memref_slice %arg7[%add3A_86, %dma_wait3A_97] : memref<40x128xi32, #tpu.memory_space<vmem>> -> memref<1x128xi32, #tpu.memory_space<vmem>>
      %dma_wait3A_99 = tpu.memref_squeeze %dma_wait3A_98 : memref<1x128xi32, #tpu.memory_space<vmem>> -> memref<128xi32, #tpu.memory_space<vmem>>
      %dma_wait3A_100 = arith.constant 0 : i32
      %dma_wait3A_101 = arith.constant 0 : i32
      %dma_wait3A_102 = tpu.memref_slice %arg2[%dma_wait3A_100, %dma_wait3A_101] : memref<10240x128xf32, #tpu.memory_space<hbm>> -> memref<10240x128xf32, #tpu.memory_space<hbm>>
      tpu.wait_indirect_dma semaphore(%arg11 : memref<!tpu.dma_semaphore, #tpu.memory_space<semaphore_mem>>) src(%dma_wait3A_102 : memref<10240x128xf32, #tpu.memory_space<hbm>>) dst(%arg9 : memref<128x128xf32, #tpu.memory_space<vmem>>)
      %dma_start3A_103 = arith.constant 0 : i32
      %dma_start3A_104 = tpu.memref_slice %arg8[%add3A_86, %dma_start3A_103] : memref<40x128xi32, #tpu.memory_space<vmem>> -> memref<1x128xi32, #tpu.memory_space<vmem>>
      %dma_start3A_105 = tpu.memref_squeeze %dma_start3A_104 : memref<1x128xi32, #tpu.memory_space<vmem>> -> memref<128xi32, #tpu.memory_space<vmem>>
      %dma_start3A_106 = arith.constant 0 : i32
      %dma_start3A_107 = arith.constant 0 : i32
      %dma_start3A_108 = tpu.memref_slice %arg15[%dma_start3A_106, %dma_start3A_107] : memref<10240x128xf32, #tpu.memory_space<vmem_shared>> -> memref<10240x128xf32, #tpu.memory_space<vmem_shared>>
      tpu.enqueue_indirect_dma source(%arg9 : memref<128x128xf32, #tpu.memory_space<vmem>>) target(%dma_start3A_108 : memref<10240x128xf32, #tpu.memory_space<vmem_shared>>) offsets(%dma_start3A_105 : memref<128xi32, #tpu.memory_space<vmem>>) semaphore(%arg13 : memref<!tpu.dma_semaphore, #tpu.memory_space<semaphore_mem>>) {add = true}
      %mul3A_109 = arith.constant 2 : i32
      %mul3A_110 = arith.muli %mul3A_109, %add3A_82 : i32
      %add3A_111 = arith.constant 1 : i32
      %add3A_112 = arith.addi %mul3A_110, %add3A_111 : i32
      %ge3A_113 = arith.constant 1 : i32
      %ge3A_114 = arith.cmpi sge, %add3A_112, %ge3A_113 : i32
      %convert_element_type3A_115 = arith.extui %ge3A_114 : i1 to i32
      %cond3A_116 = arith.constant 0 : i32
      %cond3A_117 = arith.cmpi ne, %convert_element_type3A_115, %cond3A_116 : i32
      scf.if %cond3A_117 {
        %dma_wait3A_137 = arith.constant 0 : i32
        %dma_wait3A_138 = arith.constant 0 : i32
        %dma_wait3A_139 = tpu.memref_slice %arg8[%dma_wait3A_137, %dma_wait3A_138] : memref<40x128xi32, #tpu.memory_space<vmem>> -> memref<1x128xi32, #tpu.memory_space<vmem>>
        %dma_wait3A_140 = tpu.memref_squeeze %dma_wait3A_139 : memref<1x128xi32, #tpu.memory_space<vmem>> -> memref<128xi32, #tpu.memory_space<vmem>>
        %dma_wait3A_141 = arith.constant 0 : i32
        %dma_wait3A_142 = arith.constant 0 : i32
        %dma_wait3A_143 = tpu.memref_slice %arg15[%dma_wait3A_141, %dma_wait3A_142] : memref<10240x128xf32, #tpu.memory_space<vmem_shared>> -> memref<10240x128xf32, #tpu.memory_space<vmem_shared>>
        tpu.wait_indirect_dma semaphore(%arg13 : memref<!tpu.dma_semaphore, #tpu.memory_space<semaphore_mem>>) src(%arg9 : memref<128x128xf32, #tpu.memory_space<vmem>>) dst(%dma_wait3A_143 : memref<10240x128xf32, #tpu.memory_space<vmem_shared>>)
      } else {
      }
      %add3A_118 = arith.constant 1 : i32
      %add3A_119 = arith.addi %add3A_112, %add3A_118 : i32
      %lt3A_120 = arith.constant 40 : i32
      %lt3A_121 = arith.cmpi slt, %add3A_119, %lt3A_120 : i32
      %convert_element_type3A_122 = arith.extui %lt3A_121 : i1 to i32
      %cond3A_123 = arith.constant 0 : i32
      %cond3A_124 = arith.cmpi ne, %convert_element_type3A_122, %cond3A_123 : i32
      scf.if %cond3A_124 {
        %add3A_137 = arith.constant 1 : i32
        %add3A_138 = arith.addi %add3A_112, %add3A_137 : i32
        %dma_start3A_139 = arith.constant 0 : i32
        %dma_start3A_140 = tpu.memref_slice %arg7[%add3A_138, %dma_start3A_139] : memref<40x128xi32, #tpu.memory_space<vmem>> -> memref<1x128xi32, #tpu.memory_space<vmem>>
        %dma_start3A_141 = tpu.memref_squeeze %dma_start3A_140 : memref<1x128xi32, #tpu.memory_space<vmem>> -> memref<128xi32, #tpu.memory_space<vmem>>
        %dma_start3A_142 = arith.constant 0 : i32
        %dma_start3A_143 = arith.constant 0 : i32
        %dma_start3A_144 = tpu.memref_slice %arg2[%dma_start3A_142, %dma_start3A_143] : memref<10240x128xf32, #tpu.memory_space<hbm>> -> memref<10240x128xf32, #tpu.memory_space<hbm>>
        tpu.enqueue_indirect_dma source(%dma_start3A_144 : memref<10240x128xf32, #tpu.memory_space<hbm>>) target(%arg9 : memref<128x128xf32, #tpu.memory_space<vmem>>) offsets(%dma_start3A_141 : memref<128xi32, #tpu.memory_space<vmem>>) semaphore(%arg11 : memref<!tpu.dma_semaphore, #tpu.memory_space<semaphore_mem>>)
      } else {
      }
      %dma_wait3A_125 = arith.constant 0 : i32
      %dma_wait3A_126 = tpu.memref_slice %arg7[%add3A_112, %dma_wait3A_125] : memref<40x128xi32, #tpu.memory_space<vmem>> -> memref<1x128xi32, #tpu.memory_space<vmem>>
      %dma_wait3A_127 = tpu.memref_squeeze %dma_wait3A_126 : memref<1x128xi32, #tpu.memory_space<vmem>> -> memref<128xi32, #tpu.memory_space<vmem>>
      %dma_wait3A_128 = arith.constant 0 : i32
      %dma_wait3A_129 = arith.constant 0 : i32
      %dma_wait3A_130 = tpu.memref_slice %arg2[%dma_wait3A_128, %dma_wait3A_129] : memref<10240x128xf32, #tpu.memory_space<hbm>> -> memref<10240x128xf32, #tpu.memory_space<hbm>>
      tpu.wait_indirect_dma semaphore(%arg12 : memref<!tpu.dma_semaphore, #tpu.memory_space<semaphore_mem>>) src(%dma_wait3A_130 : memref<10240x128xf32, #tpu.memory_space<hbm>>) dst(%arg10 : memref<128x128xf32, #tpu.memory_space<vmem>>)
      %dma_start3A_131 = arith.constant 0 : i32
      %dma_start3A_132 = tpu.memref_slice %arg8[%add3A_112, %dma_start3A_131] : memref<40x128xi32, #tpu.memory_space<vmem>> -> memref<1x128xi32, #tpu.memory_space<vmem>>
      %dma_start3A_133 = tpu.memref_squeeze %dma_start3A_132 : memref<1x128xi32, #tpu.memory_space<vmem>> -> memref<128xi32, #tpu.memory_space<vmem>>
      %dma_start3A_134 = arith.constant 0 : i32
      %dma_start3A_135 = arith.constant 0 : i32
      %dma_start3A_136 = tpu.memref_slice %arg15[%dma_start3A_134, %dma_start3A_135] : memref<10240x128xf32, #tpu.memory_space<vmem_shared>> -> memref<10240x128xf32, #tpu.memory_space<vmem_shared>>
      tpu.enqueue_indirect_dma source(%arg10 : memref<128x128xf32, #tpu.memory_space<vmem>>) target(%dma_start3A_136 : memref<10240x128xf32, #tpu.memory_space<vmem_shared>>) offsets(%dma_start3A_133 : memref<128xi32, #tpu.memory_space<vmem>>) semaphore(%arg14 : memref<!tpu.dma_semaphore, #tpu.memory_space<semaphore_mem>>) {add = true}
    }
    %scan3A_62 = arith.constant 20 : i32
    %dma_wait3A_63 = arith.constant 0 : i32
    %dma_wait3A_64 = arith.constant 0 : i32
    %dma_wait3A_65 = tpu.memref_slice %arg8[%dma_wait3A_63, %dma_wait3A_64] : memref<40x128xi32, #tpu.memory_space<vmem>> -> memref<1x128xi32, #tpu.memory_space<vmem>>
    %dma_wait3A_66 = tpu.memref_squeeze %dma_wait3A_65 : memref<1x128xi32, #tpu.memory_space<vmem>> -> memref<128xi32, #tpu.memory_space<vmem>>
    %dma_wait3A_67 = arith.constant 0 : i32
    %dma_wait3A_68 = arith.constant 0 : i32
    %dma_wait3A_69 = tpu.memref_slice %arg15[%dma_wait3A_67, %dma_wait3A_68] : memref<10240x128xf32, #tpu.memory_space<vmem_shared>> -> memref<10240x128xf32, #tpu.memory_space<vmem_shared>>
    tpu.wait_indirect_dma semaphore(%arg14 : memref<!tpu.dma_semaphore, #tpu.memory_space<semaphore_mem>>) src(%arg10 : memref<128x128xf32, #tpu.memory_space<vmem>>) dst(%dma_wait3A_69 : memref<10240x128xf32, #tpu.memory_space<vmem_shared>>)
    %barrier3A_70 = arith.constant 0 : index
    tpu.barrier barrier_id(%barrier3A_70)
    %eq3A = arith.constant 0 : i32
    %eq3A_71 = arith.cmpi eq, %arg0, %eq3A : i32
    %convert_element_type3A = arith.extui %eq3A_71 : i1 to i32
    %cond3A = arith.constant 0 : i32
    %cond3A_72 = arith.cmpi ne, %convert_element_type3A, %cond3A : i32
    scf.if %cond3A_72 {
      %mul3A_78 = arith.constant 640 : i32
      %mul3A_79 = arith.muli %arg1, %mul3A_78 : i32
      %mul3A_80 = arith.constant 640 : i32
      %mul3A_81 = arith.muli %arg1, %mul3A_80 : i32
      "tpu.region"() ({
        %run_scoped3A = tpu.sem_alloc : memref<!tpu.dma_semaphore, #tpu.memory_space<semaphore_mem>>
        %dma_start3A_82 = arith.constant 0 : i32
        %dma_start3A_83 = tpu.memref_slice %arg5[%mul3A_81, %dma_start3A_82] : memref<10240x128xf32, #tpu.memory_space<hbm>> -> memref<640x128xf32, #tpu.memory_space<hbm>>
        %dma_start3A_84 = arith.constant 0 : i32
        %dma_start3A_85 = tpu.memref_slice %arg15[%mul3A_79, %dma_start3A_84] : memref<10240x128xf32, #tpu.memory_space<vmem_shared>> -> memref<640x128xf32, #tpu.memory_space<vmem_shared>>
        tpu.enqueue_dma source(%dma_start3A_85 : memref<640x128xf32, #tpu.memory_space<vmem_shared>>) target(%dma_start3A_83 : memref<640x128xf32, #tpu.memory_space<hbm>>) target_semaphore(%run_scoped3A : memref<!tpu.dma_semaphore, #tpu.memory_space<semaphore_mem>>)
        %dma_wait3A_86 = arith.constant 0 : i32
        %dma_wait3A_87 = tpu.memref_slice %arg5[%mul3A_81, %dma_wait3A_86] : memref<10240x128xf32, #tpu.memory_space<hbm>> -> memref<640x128xf32, #tpu.memory_space<hbm>>
        %dma_wait3A_88 = arith.constant 0 : i32
        %dma_wait3A_89 = tpu.memref_slice %arg15[%mul3A_79, %dma_wait3A_88] : memref<10240x128xf32, #tpu.memory_space<vmem_shared>> -> memref<640x128xf32, #tpu.memory_space<vmem_shared>>
        tpu.wait_dma2 semaphore(%run_scoped3A : memref<!tpu.dma_semaphore, #tpu.memory_space<semaphore_mem>>) src(%dma_wait3A_89 : memref<640x128xf32, #tpu.memory_space<vmem_shared>>) dst(%dma_wait3A_87 : memref<640x128xf32, #tpu.memory_space<hbm>>)
        tpu.yield
      }) : () -> ()
    } else {
    }
    %eq3A_73 = arith.constant 1 : i32
    %eq3A_74 = arith.cmpi eq, %arg0, %eq3A_73 : i32
    %convert_element_type3A_75 = arith.extui %eq3A_74 : i1 to i32
    %cond3A_76 = arith.constant 0 : i32
    %cond3A_77 = arith.cmpi ne, %convert_element_type3A_75, %cond3A_76 : i32
    scf.if %cond3A_77 {
      %mul3A_78 = arith.constant 640 : i32
      %mul3A_79 = arith.muli %arg1, %mul3A_78 : i32
      %mul3A_80 = arith.constant 640 : i32
      %mul3A_81 = arith.muli %arg1, %mul3A_80 : i32
      "tpu.region"() ({
        %run_scoped3A = tpu.sem_alloc : memref<!tpu.dma_semaphore, #tpu.memory_space<semaphore_mem>>
        %dma_start3A_82 = arith.constant 0 : i32
        %dma_start3A_83 = tpu.memref_slice %arg6[%mul3A_81, %dma_start3A_82] : memref<10240x128xf32, #tpu.memory_space<hbm>> -> memref<640x128xf32, #tpu.memory_space<hbm>>
        %dma_start3A_84 = arith.constant 0 : i32
        %dma_start3A_85 = tpu.memref_slice %arg15[%mul3A_79, %dma_start3A_84] : memref<10240x128xf32, #tpu.memory_space<vmem_shared>> -> memref<640x128xf32, #tpu.memory_space<vmem_shared>>
        tpu.enqueue_dma source(%dma_start3A_85 : memref<640x128xf32, #tpu.memory_space<vmem_shared>>) target(%dma_start3A_83 : memref<640x128xf32, #tpu.memory_space<hbm>>) target_semaphore(%run_scoped3A : memref<!tpu.dma_semaphore, #tpu.memory_space<semaphore_mem>>)
        %dma_wait3A_86 = arith.constant 0 : i32
        %dma_wait3A_87 = tpu.memref_slice %arg6[%mul3A_81, %dma_wait3A_86] : memref<10240x128xf32, #tpu.memory_space<hbm>> -> memref<640x128xf32, #tpu.memory_space<hbm>>
        %dma_wait3A_88 = arith.constant 0 : i32
        %dma_wait3A_89 = tpu.memref_slice %arg15[%mul3A_79, %dma_wait3A_88] : memref<10240x128xf32, #tpu.memory_space<vmem_shared>> -> memref<640x128xf32, #tpu.memory_space<vmem_shared>>
        tpu.wait_dma2 semaphore(%run_scoped3A : memref<!tpu.dma_semaphore, #tpu.memory_space<semaphore_mem>>) src(%dma_wait3A_89 : memref<640x128xf32, #tpu.memory_space<vmem_shared>>) dst(%dma_wait3A_87 : memref<640x128xf32, #tpu.memory_space<hbm>>)
        tpu.yield
      }) : () -> ()
    } else {
    }
    return
  }
}

#map = affine_map<(d0, d1) -> (0, 0)>
module attributes {stable_mosaic.version = 14 : i64} {
  func.func @_agg_kernel(%arg0: i32, %arg1: i32, %arg2: memref<10240x128xf32, #tpu.memory_space<hbm>>, %arg3: memref<2560x128xi32, #tpu.memory_space<hbm>>, %arg4: memref<2560x128xi32, #tpu.memory_space<hbm>>, %arg5: memref<10240x128xf32, #tpu.memory_space<hbm>>, %arg6: memref<10240x128xf32, #tpu.memory_space<hbm>>, %arg7: memref<40x128xi32, #tpu.memory_space<vmem>>, %arg8: memref<40x128xi32, #tpu.memory_space<vmem>>, %arg9: memref<128x128xf32, #tpu.memory_space<vmem>>, %arg10: memref<128x128xf32, #tpu.memory_space<vmem>>, %arg11: memref<!tpu.dma_semaphore, #tpu.memory_space<semaphore_mem>>, %arg12: memref<!tpu.dma_semaphore, #tpu.memory_space<semaphore_mem>>, %arg13: memref<!tpu.dma_semaphore, #tpu.memory_space<semaphore_mem>>, %arg14: memref<!tpu.dma_semaphore, #tpu.memory_space<semaphore_mem>>, %arg15: memref<10240x128xf32, #tpu.memory_space<vmem_shared>>) attributes {dimension_semantics = [#tpu.dimension_semantics<core_parallel>, #tpu.dimension_semantics<subcore_parallel>], iteration_bounds = array<i64: 2, 16>, scalar_prefetch = 0 : i64, scratch_operands = 9 : i64, tpu.core_type = #tpu.core_type<sc_vector_subcore>, window_params = [{transform_indices = #map}, {transform_indices = #map}, {transform_indices = #map}, {transform_indices = #map}, {transform_indices = #map}]} {
    %mul3A = arith.constant 16 : i32
    %mul3A_0 = arith.muli %arg0, %mul3A : i32
    %add3A = arith.addi %mul3A_0, %arg1 : i32
    %broadcast_in_dim3A = arith.constant 0.000000e+00 : f32
    %broadcast_in_dim3A_1 = vector.broadcast %broadcast_in_dim3A : f32 to vector<16xf32>
    %scan3A = arith.constant 0 : i32
    %scan3A_2 = arith.constant 128 : i32
    %scan3A_3 = arith.addi %scan3A, %scan3A_2 : i32
    %scan3A_4 = arith.constant 1 : i32
    scf.for %scan3A_78 = %scan3A to %scan3A_3 step %scan3A_4  : i32 {
      %mul3A_79 = arith.constant 1 : i32
      %mul3A_80 = arith.muli %scan3A_78, %mul3A_79 : i32
      %add3A_81 = arith.constant 0 : i32
      %add3A_82 = arith.addi %add3A_81, %mul3A_80 : i32
      %swap3A = arith.index_cast %add3A_82 : i32 to index
      %swap3A_83 = arith.constant 0 : index
      %swap3A_84 = tpu.vector_load %arg9[%swap3A, %swap3A_83] {strides = array<i32>} : memref<128x128xf32, #tpu.memory_space<vmem>>, vector<1x16xf32>,
      %swap3A_85 = vector.shape_cast %swap3A_84 : vector<1x16xf32> to vector<16xf32>
      %swap3A_86 = vector.shape_cast %broadcast_in_dim3A_1 : vector<16xf32> to vector<1x16xf32>
      tpu.vector_store %arg9[%swap3A, %swap3A_83], %swap3A_86 {strides = array<i32>} : memref<128x128xf32, #tpu.memory_space<vmem>>, vector<1x16xf32>,
      %swap3A_87 = arith.index_cast %add3A_82 : i32 to index
      %swap3A_88 = arith.constant 16 : index
      %swap3A_89 = tpu.vector_load %arg9[%swap3A_87, %swap3A_88] {strides = array<i32>} : memref<128x128xf32, #tpu.memory_space<vmem>>, vector<1x16xf32>,
      %swap3A_90 = vector.shape_cast %swap3A_89 : vector<1x16xf32> to vector<16xf32>
      %swap3A_91 = vector.shape_cast %broadcast_in_dim3A_1 : vector<16xf32> to vector<1x16xf32>
      tpu.vector_store %arg9[%swap3A_87, %swap3A_88], %swap3A_91 {strides = array<i32>} : memref<128x128xf32, #tpu.memory_space<vmem>>, vector<1x16xf32>,
      %swap3A_92 = arith.index_cast %add3A_82 : i32 to index
      %swap3A_93 = arith.constant 32 : index
      %swap3A_94 = tpu.vector_load %arg9[%swap3A_92, %swap3A_93] {strides = array<i32>} : memref<128x128xf32, #tpu.memory_space<vmem>>, vector<1x16xf32>,
      %swap3A_95 = vector.shape_cast %swap3A_94 : vector<1x16xf32> to vector<16xf32>
      %swap3A_96 = vector.shape_cast %broadcast_in_dim3A_1 : vector<16xf32> to vector<1x16xf32>
      tpu.vector_store %arg9[%swap3A_92, %swap3A_93], %swap3A_96 {strides = array<i32>} : memref<128x128xf32, #tpu.memory_space<vmem>>, vector<1x16xf32>,
      %swap3A_97 = arith.index_cast %add3A_82 : i32 to index
      %swap3A_98 = arith.constant 48 : index
      %swap3A_99 = tpu.vector_load %arg9[%swap3A_97, %swap3A_98] {strides = array<i32>} : memref<128x128xf32, #tpu.memory_space<vmem>>, vector<1x16xf32>,
      %swap3A_100 = vector.shape_cast %swap3A_99 : vector<1x16xf32> to vector<16xf32>
      %swap3A_101 = vector.shape_cast %broadcast_in_dim3A_1 : vector<16xf32> to vector<1x16xf32>
      tpu.vector_store %arg9[%swap3A_97, %swap3A_98], %swap3A_101 {strides = array<i32>} : memref<128x128xf32, #tpu.memory_space<vmem>>, vector<1x16xf32>,
      %swap3A_102 = arith.index_cast %add3A_82 : i32 to index
      %swap3A_103 = arith.constant 64 : index
      %swap3A_104 = tpu.vector_load %arg9[%swap3A_102, %swap3A_103] {strides = array<i32>} : memref<128x128xf32, #tpu.memory_space<vmem>>, vector<1x16xf32>,
      %swap3A_105 = vector.shape_cast %swap3A_104 : vector<1x16xf32> to vector<16xf32>
      %swap3A_106 = vector.shape_cast %broadcast_in_dim3A_1 : vector<16xf32> to vector<1x16xf32>
      tpu.vector_store %arg9[%swap3A_102, %swap3A_103], %swap3A_106 {strides = array<i32>} : memref<128x128xf32, #tpu.memory_space<vmem>>, vector<1x16xf32>,
      %swap3A_107 = arith.index_cast %add3A_82 : i32 to index
      %swap3A_108 = arith.constant 80 : index
      %swap3A_109 = tpu.vector_load %arg9[%swap3A_107, %swap3A_108] {strides = array<i32>} : memref<128x128xf32, #tpu.memory_space<vmem>>, vector<1x16xf32>,
      %swap3A_110 = vector.shape_cast %swap3A_109 : vector<1x16xf32> to vector<16xf32>
      %swap3A_111 = vector.shape_cast %broadcast_in_dim3A_1 : vector<16xf32> to vector<1x16xf32>
      tpu.vector_store %arg9[%swap3A_107, %swap3A_108], %swap3A_111 {strides = array<i32>} : memref<128x128xf32, #tpu.memory_space<vmem>>, vector<1x16xf32>,
      %swap3A_112 = arith.index_cast %add3A_82 : i32 to index
      %swap3A_113 = arith.constant 96 : index
      %swap3A_114 = tpu.vector_load %arg9[%swap3A_112, %swap3A_113] {strides = array<i32>} : memref<128x128xf32, #tpu.memory_space<vmem>>, vector<1x16xf32>,
      %swap3A_115 = vector.shape_cast %swap3A_114 : vector<1x16xf32> to vector<16xf32>
      %swap3A_116 = vector.shape_cast %broadcast_in_dim3A_1 : vector<16xf32> to vector<1x16xf32>
      tpu.vector_store %arg9[%swap3A_112, %swap3A_113], %swap3A_116 {strides = array<i32>} : memref<128x128xf32, #tpu.memory_space<vmem>>, vector<1x16xf32>,
      %swap3A_117 = arith.index_cast %add3A_82 : i32 to index
      %swap3A_118 = arith.constant 112 : index
      %swap3A_119 = tpu.vector_load %arg9[%swap3A_117, %swap3A_118] {strides = array<i32>} : memref<128x128xf32, #tpu.memory_space<vmem>>, vector<1x16xf32>,
      %swap3A_120 = vector.shape_cast %swap3A_119 : vector<1x16xf32> to vector<16xf32>
      %swap3A_121 = vector.shape_cast %broadcast_in_dim3A_1 : vector<16xf32> to vector<1x16xf32>
      tpu.vector_store %arg9[%swap3A_117, %swap3A_118], %swap3A_121 {strides = array<i32>} : memref<128x128xf32, #tpu.memory_space<vmem>>, vector<1x16xf32>,
    }
    %scan3A_5 = arith.constant 128 : i32
    %mul3A_6 = arith.constant 640 : i32
    %mul3A_7 = arith.muli %arg1, %mul3A_6 : i32
    %add3A_8 = arith.constant 0 : i32
    %add3A_9 = arith.addi %mul3A_7, %add3A_8 : i32
    "tpu.region"() ({
      %run_scoped3A = tpu.sem_alloc : memref<!tpu.dma_semaphore, #tpu.memory_space<semaphore_mem>>
      %dma_start3A_78 = arith.constant 0 : i32
      %dma_start3A_79 = tpu.memref_slice %arg15[%add3A_9, %dma_start3A_78] : memref<10240x128xf32, #tpu.memory_space<vmem_shared>> -> memref<128x128xf32, #tpu.memory_space<vmem_shared>>
      %dma_start3A_80 = arith.constant 0 : i32
      %dma_start3A_81 = tpu.memref_slice %arg15[%add3A_9, %dma_start3A_80] : memref<10240x128xf32, #tpu.memory_space<vmem_shared>> -> memref<128x128xf32, #tpu.memory_space<vmem_shared>>
      tpu.enqueue_dma source(%arg9 : memref<128x128xf32, #tpu.memory_space<vmem>>) target(%dma_start3A_81 : memref<128x128xf32, #tpu.memory_space<vmem_shared>>) target_semaphore(%run_scoped3A : memref<!tpu.dma_semaphore, #tpu.memory_space<semaphore_mem>>)
      %dma_wait3A_82 = arith.constant 0 : i32
      %dma_wait3A_83 = tpu.memref_slice %arg15[%add3A_9, %dma_wait3A_82] : memref<10240x128xf32, #tpu.memory_space<vmem_shared>> -> memref<128x128xf32, #tpu.memory_space<vmem_shared>>
      %dma_wait3A_84 = arith.constant 0 : i32
      %dma_wait3A_85 = tpu.memref_slice %arg15[%add3A_9, %dma_wait3A_84] : memref<10240x128xf32, #tpu.memory_space<vmem_shared>> -> memref<128x128xf32, #tpu.memory_space<vmem_shared>>
      tpu.wait_dma2 semaphore(%run_scoped3A : memref<!tpu.dma_semaphore, #tpu.memory_space<semaphore_mem>>) src(%arg9 : memref<128x128xf32, #tpu.memory_space<vmem>>) dst(%dma_wait3A_85 : memref<128x128xf32, #tpu.memory_space<vmem_shared>>)
      tpu.yield
    }) : () -> ()
    %mul3A_10 = arith.constant 640 : i32
    %mul3A_11 = arith.muli %arg1, %mul3A_10 : i32
    %add3A_12 = arith.constant 128 : i32
    %add3A_13 = arith.addi %mul3A_11, %add3A_12 : i32
    "tpu.region"() ({
      %run_scoped3A = tpu.sem_alloc : memref<!tpu.dma_semaphore, #tpu.memory_space<semaphore_mem>>
      %dma_start3A_78 = arith.constant 0 : i32
      %dma_start3A_79 = tpu.memref_slice %arg15[%add3A_13, %dma_start3A_78] : memref<10240x128xf32, #tpu.memory_space<vmem_shared>> -> memref<128x128xf32, #tpu.memory_space<vmem_shared>>
      %dma_start3A_80 = arith.constant 0 : i32
      %dma_start3A_81 = tpu.memref_slice %arg15[%add3A_13, %dma_start3A_80] : memref<10240x128xf32, #tpu.memory_space<vmem_shared>> -> memref<128x128xf32, #tpu.memory_space<vmem_shared>>
      tpu.enqueue_dma source(%arg9 : memref<128x128xf32, #tpu.memory_space<vmem>>) target(%dma_start3A_81 : memref<128x128xf32, #tpu.memory_space<vmem_shared>>) target_semaphore(%run_scoped3A : memref<!tpu.dma_semaphore, #tpu.memory_space<semaphore_mem>>)
      %dma_wait3A_82 = arith.constant 0 : i32
      %dma_wait3A_83 = tpu.memref_slice %arg15[%add3A_13, %dma_wait3A_82] : memref<10240x128xf32, #tpu.memory_space<vmem_shared>> -> memref<128x128xf32, #tpu.memory_space<vmem_shared>>
      %dma_wait3A_84 = arith.constant 0 : i32
      %dma_wait3A_85 = tpu.memref_slice %arg15[%add3A_13, %dma_wait3A_84] : memref<10240x128xf32, #tpu.memory_space<vmem_shared>> -> memref<128x128xf32, #tpu.memory_space<vmem_shared>>
      tpu.wait_dma2 semaphore(%run_scoped3A : memref<!tpu.dma_semaphore, #tpu.memory_space<semaphore_mem>>) src(%arg9 : memref<128x128xf32, #tpu.memory_space<vmem>>) dst(%dma_wait3A_85 : memref<128x128xf32, #tpu.memory_space<vmem_shared>>)
      tpu.yield
    }) : () -> ()
    %mul3A_14 = arith.constant 640 : i32
    %mul3A_15 = arith.muli %arg1, %mul3A_14 : i32
    %add3A_16 = arith.constant 256 : i32
    %add3A_17 = arith.addi %mul3A_15, %add3A_16 : i32
    "tpu.region"() ({
      %run_scoped3A = tpu.sem_alloc : memref<!tpu.dma_semaphore, #tpu.memory_space<semaphore_mem>>
      %dma_start3A_78 = arith.constant 0 : i32
      %dma_start3A_79 = tpu.memref_slice %arg15[%add3A_17, %dma_start3A_78] : memref<10240x128xf32, #tpu.memory_space<vmem_shared>> -> memref<128x128xf32, #tpu.memory_space<vmem_shared>>
      %dma_start3A_80 = arith.constant 0 : i32
      %dma_start3A_81 = tpu.memref_slice %arg15[%add3A_17, %dma_start3A_80] : memref<10240x128xf32, #tpu.memory_space<vmem_shared>> -> memref<128x128xf32, #tpu.memory_space<vmem_shared>>
      tpu.enqueue_dma source(%arg9 : memref<128x128xf32, #tpu.memory_space<vmem>>) target(%dma_start3A_81 : memref<128x128xf32, #tpu.memory_space<vmem_shared>>) target_semaphore(%run_scoped3A : memref<!tpu.dma_semaphore, #tpu.memory_space<semaphore_mem>>)
      %dma_wait3A_82 = arith.constant 0 : i32
      %dma_wait3A_83 = tpu.memref_slice %arg15[%add3A_17, %dma_wait3A_82] : memref<10240x128xf32, #tpu.memory_space<vmem_shared>> -> memref<128x128xf32, #tpu.memory_space<vmem_shared>>
      %dma_wait3A_84 = arith.constant 0 : i32
      %dma_wait3A_85 = tpu.memref_slice %arg15[%add3A_17, %dma_wait3A_84] : memref<10240x128xf32, #tpu.memory_space<vmem_shared>> -> memref<128x128xf32, #tpu.memory_space<vmem_shared>>
      tpu.wait_dma2 semaphore(%run_scoped3A : memref<!tpu.dma_semaphore, #tpu.memory_space<semaphore_mem>>) src(%arg9 : memref<128x128xf32, #tpu.memory_space<vmem>>) dst(%dma_wait3A_85 : memref<128x128xf32, #tpu.memory_space<vmem_shared>>)
      tpu.yield
    }) : () -> ()
    %mul3A_18 = arith.constant 640 : i32
    %mul3A_19 = arith.muli %arg1, %mul3A_18 : i32
    %add3A_20 = arith.constant 384 : i32
    %add3A_21 = arith.addi %mul3A_19, %add3A_20 : i32
    "tpu.region"() ({
      %run_scoped3A = tpu.sem_alloc : memref<!tpu.dma_semaphore, #tpu.memory_space<semaphore_mem>>
      %dma_start3A_78 = arith.constant 0 : i32
      %dma_start3A_79 = tpu.memref_slice %arg15[%add3A_21, %dma_start3A_78] : memref<10240x128xf32, #tpu.memory_space<vmem_shared>> -> memref<128x128xf32, #tpu.memory_space<vmem_shared>>
      %dma_start3A_80 = arith.constant 0 : i32
      %dma_start3A_81 = tpu.memref_slice %arg15[%add3A_21, %dma_start3A_80] : memref<10240x128xf32, #tpu.memory_space<vmem_shared>> -> memref<128x128xf32, #tpu.memory_space<vmem_shared>>
      tpu.enqueue_dma source(%arg9 : memref<128x128xf32, #tpu.memory_space<vmem>>) target(%dma_start3A_81 : memref<128x128xf32, #tpu.memory_space<vmem_shared>>) target_semaphore(%run_scoped3A : memref<!tpu.dma_semaphore, #tpu.memory_space<semaphore_mem>>)
      %dma_wait3A_82 = arith.constant 0 : i32
      %dma_wait3A_83 = tpu.memref_slice %arg15[%add3A_21, %dma_wait3A_82] : memref<10240x128xf32, #tpu.memory_space<vmem_shared>> -> memref<128x128xf32, #tpu.memory_space<vmem_shared>>
      %dma_wait3A_84 = arith.constant 0 : i32
      %dma_wait3A_85 = tpu.memref_slice %arg15[%add3A_21, %dma_wait3A_84] : memref<10240x128xf32, #tpu.memory_space<vmem_shared>> -> memref<128x128xf32, #tpu.memory_space<vmem_shared>>
      tpu.wait_dma2 semaphore(%run_scoped3A : memref<!tpu.dma_semaphore, #tpu.memory_space<semaphore_mem>>) src(%arg9 : memref<128x128xf32, #tpu.memory_space<vmem>>) dst(%dma_wait3A_85 : memref<128x128xf32, #tpu.memory_space<vmem_shared>>)
      tpu.yield
    }) : () -> ()
    %mul3A_22 = arith.constant 640 : i32
    %mul3A_23 = arith.muli %arg1, %mul3A_22 : i32
    %add3A_24 = arith.constant 512 : i32
    %add3A_25 = arith.addi %mul3A_23, %add3A_24 : i32
    "tpu.region"() ({
      %run_scoped3A = tpu.sem_alloc : memref<!tpu.dma_semaphore, #tpu.memory_space<semaphore_mem>>
      %dma_start3A_78 = arith.constant 0 : i32
      %dma_start3A_79 = tpu.memref_slice %arg15[%add3A_25, %dma_start3A_78] : memref<10240x128xf32, #tpu.memory_space<vmem_shared>> -> memref<128x128xf32, #tpu.memory_space<vmem_shared>>
      %dma_start3A_80 = arith.constant 0 : i32
      %dma_start3A_81 = tpu.memref_slice %arg15[%add3A_25, %dma_start3A_80] : memref<10240x128xf32, #tpu.memory_space<vmem_shared>> -> memref<128x128xf32, #tpu.memory_space<vmem_shared>>
      tpu.enqueue_dma source(%arg9 : memref<128x128xf32, #tpu.memory_space<vmem>>) target(%dma_start3A_81 : memref<128x128xf32, #tpu.memory_space<vmem_shared>>) target_semaphore(%run_scoped3A : memref<!tpu.dma_semaphore, #tpu.memory_space<semaphore_mem>>)
      %dma_wait3A_82 = arith.constant 0 : i32
      %dma_wait3A_83 = tpu.memref_slice %arg15[%add3A_25, %dma_wait3A_82] : memref<10240x128xf32, #tpu.memory_space<vmem_shared>> -> memref<128x128xf32, #tpu.memory_space<vmem_shared>>
      %dma_wait3A_84 = arith.constant 0 : i32
      %dma_wait3A_85 = tpu.memref_slice %arg15[%add3A_25, %dma_wait3A_84] : memref<10240x128xf32, #tpu.memory_space<vmem_shared>> -> memref<128x128xf32, #tpu.memory_space<vmem_shared>>
      tpu.wait_dma2 semaphore(%run_scoped3A : memref<!tpu.dma_semaphore, #tpu.memory_space<semaphore_mem>>) src(%arg9 : memref<128x128xf32, #tpu.memory_space<vmem>>) dst(%dma_wait3A_85 : memref<128x128xf32, #tpu.memory_space<vmem_shared>>)
      tpu.yield
    }) : () -> ()
    %barrier3A = arith.constant 0 : index
    tpu.barrier barrier_id(%barrier3A)
    %mul3A_26 = arith.constant 80 : i32
    %mul3A_27 = arith.muli %add3A, %mul3A_26 : i32
    %add3A_28 = arith.constant 0 : i32
    %add3A_29 = arith.addi %mul3A_27, %add3A_28 : i32
    "tpu.region"() ({
      %run_scoped3A = tpu.sem_alloc : memref<!tpu.dma_semaphore, #tpu.memory_space<semaphore_mem>>
      %dma_start3A_78 = arith.constant 0 : i32
      %dma_start3A_79 = tpu.memref_slice %arg3[%add3A_29, %dma_start3A_78] : memref<2560x128xi32, #tpu.memory_space<hbm>> -> memref<40x128xi32, #tpu.memory_space<hbm>>
      %dma_start3A_80 = arith.constant 0 : i32
      %dma_start3A_81 = tpu.memref_slice %arg3[%add3A_29, %dma_start3A_80] : memref<2560x128xi32, #tpu.memory_space<hbm>> -> memref<40x128xi32, #tpu.memory_space<hbm>>
      tpu.enqueue_dma source(%dma_start3A_81 : memref<40x128xi32, #tpu.memory_space<hbm>>) target(%arg7 : memref<40x128xi32, #tpu.memory_space<vmem>>) target_semaphore(%run_scoped3A : memref<!tpu.dma_semaphore, #tpu.memory_space<semaphore_mem>>)
      %dma_wait3A_82 = arith.constant 0 : i32
      %dma_wait3A_83 = tpu.memref_slice %arg3[%add3A_29, %dma_wait3A_82] : memref<2560x128xi32, #tpu.memory_space<hbm>> -> memref<40x128xi32, #tpu.memory_space<hbm>>
      %dma_wait3A_84 = arith.constant 0 : i32
      %dma_wait3A_85 = tpu.memref_slice %arg3[%add3A_29, %dma_wait3A_84] : memref<2560x128xi32, #tpu.memory_space<hbm>> -> memref<40x128xi32, #tpu.memory_space<hbm>>
      tpu.wait_dma2 semaphore(%run_scoped3A : memref<!tpu.dma_semaphore, #tpu.memory_space<semaphore_mem>>) src(%dma_wait3A_85 : memref<40x128xi32, #tpu.memory_space<hbm>>) dst(%arg7 : memref<40x128xi32, #tpu.memory_space<vmem>>)
      tpu.yield
    }) : () -> ()
    "tpu.region"() ({
      %run_scoped3A = tpu.sem_alloc : memref<!tpu.dma_semaphore, #tpu.memory_space<semaphore_mem>>
      %dma_start3A_78 = arith.constant 0 : i32
      %dma_start3A_79 = tpu.memref_slice %arg4[%add3A_29, %dma_start3A_78] : memref<2560x128xi32, #tpu.memory_space<hbm>> -> memref<40x128xi32, #tpu.memory_space<hbm>>
      %dma_start3A_80 = arith.constant 0 : i32
      %dma_start3A_81 = tpu.memref_slice %arg4[%add3A_29, %dma_start3A_80] : memref<2560x128xi32, #tpu.memory_space<hbm>> -> memref<40x128xi32, #tpu.memory_space<hbm>>
      tpu.enqueue_dma source(%dma_start3A_81 : memref<40x128xi32, #tpu.memory_space<hbm>>) target(%arg8 : memref<40x128xi32, #tpu.memory_space<vmem>>) target_semaphore(%run_scoped3A : memref<!tpu.dma_semaphore, #tpu.memory_space<semaphore_mem>>)
      %dma_wait3A_82 = arith.constant 0 : i32
      %dma_wait3A_83 = tpu.memref_slice %arg4[%add3A_29, %dma_wait3A_82] : memref<2560x128xi32, #tpu.memory_space<hbm>> -> memref<40x128xi32, #tpu.memory_space<hbm>>
      %dma_wait3A_84 = arith.constant 0 : i32
      %dma_wait3A_85 = tpu.memref_slice %arg4[%add3A_29, %dma_wait3A_84] : memref<2560x128xi32, #tpu.memory_space<hbm>> -> memref<40x128xi32, #tpu.memory_space<hbm>>
      tpu.wait_dma2 semaphore(%run_scoped3A : memref<!tpu.dma_semaphore, #tpu.memory_space<semaphore_mem>>) src(%dma_wait3A_85 : memref<40x128xi32, #tpu.memory_space<hbm>>) dst(%arg8 : memref<40x128xi32, #tpu.memory_space<vmem>>)
      tpu.yield
    }) : () -> ()
    %dma_start3A = arith.constant 0 : i32
    %dma_start3A_30 = arith.constant 0 : i32
    %dma_start3A_31 = tpu.memref_slice %arg7[%dma_start3A, %dma_start3A_30] : memref<40x128xi32, #tpu.memory_space<vmem>> -> memref<1x128xi32, #tpu.memory_space<vmem>>
    %dma_start3A_32 = tpu.memref_squeeze %dma_start3A_31 : memref<1x128xi32, #tpu.memory_space<vmem>> -> memref<128xi32, #tpu.memory_space<vmem>>
    %dma_start3A_33 = arith.constant 0 : i32
    %dma_start3A_34 = arith.constant 0 : i32
    %dma_start3A_35 = tpu.memref_slice %arg2[%dma_start3A_33, %dma_start3A_34] : memref<10240x128xf32, #tpu.memory_space<hbm>> -> memref<10240x128xf32, #tpu.memory_space<hbm>>
    tpu.enqueue_indirect_dma source(%dma_start3A_35 : memref<10240x128xf32, #tpu.memory_space<hbm>>) target(%arg9 : memref<128x128xf32, #tpu.memory_space<vmem>>) offsets(%dma_start3A_32 : memref<128xi32, #tpu.memory_space<vmem>>) semaphore(%arg11 : memref<!tpu.dma_semaphore, #tpu.memory_space<semaphore_mem>>)
    %scan3A_36 = arith.constant 0 : i32
    %scan3A_37 = arith.constant 20 : i32
    %scan3A_38 = arith.addi %scan3A_36, %scan3A_37 : i32
    %scan3A_39 = arith.constant 1 : i32
    scf.for %scan3A_78 = %scan3A_36 to %scan3A_38 step %scan3A_39  : i32 {
      %mul3A_79 = arith.constant 1 : i32
      %mul3A_80 = arith.muli %scan3A_78, %mul3A_79 : i32
      %add3A_81 = arith.constant 0 : i32
      %add3A_82 = arith.addi %add3A_81, %mul3A_80 : i32
      %mul3A_83 = arith.constant 2 : i32
      %mul3A_84 = arith.muli %mul3A_83, %add3A_82 : i32
      %add3A_85 = arith.constant 0 : i32
      %add3A_86 = arith.addi %mul3A_84, %add3A_85 : i32
      %ge3A = arith.constant 1 : i32
      %ge3A_87 = arith.cmpi sge, %add3A_86, %ge3A : i32
      %convert_element_type3A_88 = arith.extui %ge3A_87 : i1 to i32
      %cond3A_89 = arith.constant 0 : i32
      %cond3A_90 = arith.cmpi ne, %convert_element_type3A_88, %cond3A_89 : i32
      scf.if %cond3A_90 {
        %dma_wait3A_137 = arith.constant 0 : i32
        %dma_wait3A_138 = arith.constant 0 : i32
        %dma_wait3A_139 = tpu.memref_slice %arg8[%dma_wait3A_137, %dma_wait3A_138] : memref<40x128xi32, #tpu.memory_space<vmem>> -> memref<1x128xi32, #tpu.memory_space<vmem>>
        %dma_wait3A_140 = tpu.memref_squeeze %dma_wait3A_139 : memref<1x128xi32, #tpu.memory_space<vmem>> -> memref<128xi32, #tpu.memory_space<vmem>>
        %dma_wait3A_141 = arith.constant 0 : i32
        %dma_wait3A_142 = arith.constant 0 : i32
        %dma_wait3A_143 = tpu.memref_slice %arg15[%dma_wait3A_141, %dma_wait3A_142] : memref<10240x128xf32, #tpu.memory_space<vmem_shared>> -> memref<10240x128xf32, #tpu.memory_space<vmem_shared>>
        tpu.wait_indirect_dma semaphore(%arg14 : memref<!tpu.dma_semaphore, #tpu.memory_space<semaphore_mem>>) src(%arg10 : memref<128x128xf32, #tpu.memory_space<vmem>>) dst(%dma_wait3A_143 : memref<10240x128xf32, #tpu.memory_space<vmem_shared>>)
      } else {
      }
      %add3A_91 = arith.constant 1 : i32
      %add3A_92 = arith.addi %add3A_86, %add3A_91 : i32
      %lt3A = arith.constant 40 : i32
      %lt3A_93 = arith.cmpi slt, %add3A_92, %lt3A : i32
      %convert_element_type3A_94 = arith.extui %lt3A_93 : i1 to i32
      %cond3A_95 = arith.constant 0 : i32
      %cond3A_96 = arith.cmpi ne, %convert_element_type3A_94, %cond3A_95 : i32
      scf.if %cond3A_96 {
        %add3A_137 = arith.constant 1 : i32
        %add3A_138 = arith.addi %add3A_86, %add3A_137 : i32
        %dma_start3A_139 = arith.constant 0 : i32
        %dma_start3A_140 = tpu.memref_slice %arg7[%add3A_138, %dma_start3A_139] : memref<40x128xi32, #tpu.memory_space<vmem>> -> memref<1x128xi32, #tpu.memory_space<vmem>>
        %dma_start3A_141 = tpu.memref_squeeze %dma_start3A_140 : memref<1x128xi32, #tpu.memory_space<vmem>> -> memref<128xi32, #tpu.memory_space<vmem>>
        %dma_start3A_142 = arith.constant 0 : i32
        %dma_start3A_143 = arith.constant 0 : i32
        %dma_start3A_144 = tpu.memref_slice %arg2[%dma_start3A_142, %dma_start3A_143] : memref<10240x128xf32, #tpu.memory_space<hbm>> -> memref<10240x128xf32, #tpu.memory_space<hbm>>
        tpu.enqueue_indirect_dma source(%dma_start3A_144 : memref<10240x128xf32, #tpu.memory_space<hbm>>) target(%arg10 : memref<128x128xf32, #tpu.memory_space<vmem>>) offsets(%dma_start3A_141 : memref<128xi32, #tpu.memory_space<vmem>>) semaphore(%arg12 : memref<!tpu.dma_semaphore, #tpu.memory_space<semaphore_mem>>)
      } else {
      }
      %dma_wait3A_97 = arith.constant 0 : i32
      %dma_wait3A_98 = tpu.memref_slice %arg7[%add3A_86, %dma_wait3A_97] : memref<40x128xi32, #tpu.memory_space<vmem>> -> memref<1x128xi32, #tpu.memory_space<vmem>>
      %dma_wait3A_99 = tpu.memref_squeeze %dma_wait3A_98 : memref<1x128xi32, #tpu.memory_space<vmem>> -> memref<128xi32, #tpu.memory_space<vmem>>
      %dma_wait3A_100 = arith.constant 0 : i32
      %dma_wait3A_101 = arith.constant 0 : i32
      %dma_wait3A_102 = tpu.memref_slice %arg2[%dma_wait3A_100, %dma_wait3A_101] : memref<10240x128xf32, #tpu.memory_space<hbm>> -> memref<10240x128xf32, #tpu.memory_space<hbm>>
      tpu.wait_indirect_dma semaphore(%arg11 : memref<!tpu.dma_semaphore, #tpu.memory_space<semaphore_mem>>) src(%dma_wait3A_102 : memref<10240x128xf32, #tpu.memory_space<hbm>>) dst(%arg9 : memref<128x128xf32, #tpu.memory_space<vmem>>)
      %dma_start3A_103 = arith.constant 0 : i32
      %dma_start3A_104 = tpu.memref_slice %arg8[%add3A_86, %dma_start3A_103] : memref<40x128xi32, #tpu.memory_space<vmem>> -> memref<1x128xi32, #tpu.memory_space<vmem>>
      %dma_start3A_105 = tpu.memref_squeeze %dma_start3A_104 : memref<1x128xi32, #tpu.memory_space<vmem>> -> memref<128xi32, #tpu.memory_space<vmem>>
      %dma_start3A_106 = arith.constant 0 : i32
      %dma_start3A_107 = arith.constant 0 : i32
      %dma_start3A_108 = tpu.memref_slice %arg15[%dma_start3A_106, %dma_start3A_107] : memref<10240x128xf32, #tpu.memory_space<vmem_shared>> -> memref<10240x128xf32, #tpu.memory_space<vmem_shared>>
      tpu.enqueue_indirect_dma source(%arg9 : memref<128x128xf32, #tpu.memory_space<vmem>>) target(%dma_start3A_108 : memref<10240x128xf32, #tpu.memory_space<vmem_shared>>) offsets(%dma_start3A_105 : memref<128xi32, #tpu.memory_space<vmem>>) semaphore(%arg13 : memref<!tpu.dma_semaphore, #tpu.memory_space<semaphore_mem>>) {add = true}
      %mul3A_109 = arith.constant 2 : i32
      %mul3A_110 = arith.muli %mul3A_109, %add3A_82 : i32
      %add3A_111 = arith.constant 1 : i32
      %add3A_112 = arith.addi %mul3A_110, %add3A_111 : i32
      %ge3A_113 = arith.constant 1 : i32
      %ge3A_114 = arith.cmpi sge, %add3A_112, %ge3A_113 : i32
      %convert_element_type3A_115 = arith.extui %ge3A_114 : i1 to i32
      %cond3A_116 = arith.constant 0 : i32
      %cond3A_117 = arith.cmpi ne, %convert_element_type3A_115, %cond3A_116 : i32
      scf.if %cond3A_117 {
        %dma_wait3A_137 = arith.constant 0 : i32
        %dma_wait3A_138 = arith.constant 0 : i32
        %dma_wait3A_139 = tpu.memref_slice %arg8[%dma_wait3A_137, %dma_wait3A_138] : memref<40x128xi32, #tpu.memory_space<vmem>> -> memref<1x128xi32, #tpu.memory_space<vmem>>
        %dma_wait3A_140 = tpu.memref_squeeze %dma_wait3A_139 : memref<1x128xi32, #tpu.memory_space<vmem>> -> memref<128xi32, #tpu.memory_space<vmem>>
        %dma_wait3A_141 = arith.constant 0 : i32
        %dma_wait3A_142 = arith.constant 0 : i32
        %dma_wait3A_143 = tpu.memref_slice %arg15[%dma_wait3A_141, %dma_wait3A_142] : memref<10240x128xf32, #tpu.memory_space<vmem_shared>> -> memref<10240x128xf32, #tpu.memory_space<vmem_shared>>
        tpu.wait_indirect_dma semaphore(%arg13 : memref<!tpu.dma_semaphore, #tpu.memory_space<semaphore_mem>>) src(%arg9 : memref<128x128xf32, #tpu.memory_space<vmem>>) dst(%dma_wait3A_143 : memref<10240x128xf32, #tpu.memory_space<vmem_shared>>)
      } else {
      }
      %add3A_118 = arith.constant 1 : i32
      %add3A_119 = arith.addi %add3A_112, %add3A_118 : i32
      %lt3A_120 = arith.constant 40 : i32
      %lt3A_121 = arith.cmpi slt, %add3A_119, %lt3A_120 : i32
      %convert_element_type3A_122 = arith.extui %lt3A_121 : i1 to i32
      %cond3A_123 = arith.constant 0 : i32
      %cond3A_124 = arith.cmpi ne, %convert_element_type3A_122, %cond3A_123 : i32
      scf.if %cond3A_124 {
        %add3A_137 = arith.constant 1 : i32
        %add3A_138 = arith.addi %add3A_112, %add3A_137 : i32
        %dma_start3A_139 = arith.constant 0 : i32
        %dma_start3A_140 = tpu.memref_slice %arg7[%add3A_138, %dma_start3A_139] : memref<40x128xi32, #tpu.memory_space<vmem>> -> memref<1x128xi32, #tpu.memory_space<vmem>>
        %dma_start3A_141 = tpu.memref_squeeze %dma_start3A_140 : memref<1x128xi32, #tpu.memory_space<vmem>> -> memref<128xi32, #tpu.memory_space<vmem>>
        %dma_start3A_142 = arith.constant 0 : i32
        %dma_start3A_143 = arith.constant 0 : i32
        %dma_start3A_144 = tpu.memref_slice %arg2[%dma_start3A_142, %dma_start3A_143] : memref<10240x128xf32, #tpu.memory_space<hbm>> -> memref<10240x128xf32, #tpu.memory_space<hbm>>
        tpu.enqueue_indirect_dma source(%dma_start3A_144 : memref<10240x128xf32, #tpu.memory_space<hbm>>) target(%arg9 : memref<128x128xf32, #tpu.memory_space<vmem>>) offsets(%dma_start3A_141 : memref<128xi32, #tpu.memory_space<vmem>>) semaphore(%arg11 : memref<!tpu.dma_semaphore, #tpu.memory_space<semaphore_mem>>)
      } else {
      }
      %dma_wait3A_125 = arith.constant 0 : i32
      %dma_wait3A_126 = tpu.memref_slice %arg7[%add3A_112, %dma_wait3A_125] : memref<40x128xi32, #tpu.memory_space<vmem>> -> memref<1x128xi32, #tpu.memory_space<vmem>>
      %dma_wait3A_127 = tpu.memref_squeeze %dma_wait3A_126 : memref<1x128xi32, #tpu.memory_space<vmem>> -> memref<128xi32, #tpu.memory_space<vmem>>
      %dma_wait3A_128 = arith.constant 0 : i32
      %dma_wait3A_129 = arith.constant 0 : i32
      %dma_wait3A_130 = tpu.memref_slice %arg2[%dma_wait3A_128, %dma_wait3A_129] : memref<10240x128xf32, #tpu.memory_space<hbm>> -> memref<10240x128xf32, #tpu.memory_space<hbm>>
      tpu.wait_indirect_dma semaphore(%arg12 : memref<!tpu.dma_semaphore, #tpu.memory_space<semaphore_mem>>) src(%dma_wait3A_130 : memref<10240x128xf32, #tpu.memory_space<hbm>>) dst(%arg10 : memref<128x128xf32, #tpu.memory_space<vmem>>)
      %dma_start3A_131 = arith.constant 0 : i32
      %dma_start3A_132 = tpu.memref_slice %arg8[%add3A_112, %dma_start3A_131] : memref<40x128xi32, #tpu.memory_space<vmem>> -> memref<1x128xi32, #tpu.memory_space<vmem>>
      %dma_start3A_133 = tpu.memref_squeeze %dma_start3A_132 : memref<1x128xi32, #tpu.memory_space<vmem>> -> memref<128xi32, #tpu.memory_space<vmem>>
      %dma_start3A_134 = arith.constant 0 : i32
      %dma_start3A_135 = arith.constant 0 : i32
      %dma_start3A_136 = tpu.memref_slice %arg15[%dma_start3A_134, %dma_start3A_135] : memref<10240x128xf32, #tpu.memory_space<vmem_shared>> -> memref<10240x128xf32, #tpu.memory_space<vmem_shared>>
      tpu.enqueue_indirect_dma source(%arg10 : memref<128x128xf32, #tpu.memory_space<vmem>>) target(%dma_start3A_136 : memref<10240x128xf32, #tpu.memory_space<vmem_shared>>) offsets(%dma_start3A_133 : memref<128xi32, #tpu.memory_space<vmem>>) semaphore(%arg14 : memref<!tpu.dma_semaphore, #tpu.memory_space<semaphore_mem>>) {add = true}
    }
    %scan3A_40 = arith.constant 20 : i32
    %dma_wait3A = arith.constant 0 : i32
    %dma_wait3A_41 = arith.constant 0 : i32
    %dma_wait3A_42 = tpu.memref_slice %arg8[%dma_wait3A, %dma_wait3A_41] : memref<40x128xi32, #tpu.memory_space<vmem>> -> memref<1x128xi32, #tpu.memory_space<vmem>>
    %dma_wait3A_43 = tpu.memref_squeeze %dma_wait3A_42 : memref<1x128xi32, #tpu.memory_space<vmem>> -> memref<128xi32, #tpu.memory_space<vmem>>
    %dma_wait3A_44 = arith.constant 0 : i32
    %dma_wait3A_45 = arith.constant 0 : i32
    %dma_wait3A_46 = tpu.memref_slice %arg15[%dma_wait3A_44, %dma_wait3A_45] : memref<10240x128xf32, #tpu.memory_space<vmem_shared>> -> memref<10240x128xf32, #tpu.memory_space<vmem_shared>>
    tpu.wait_indirect_dma semaphore(%arg14 : memref<!tpu.dma_semaphore, #tpu.memory_space<semaphore_mem>>) src(%arg10 : memref<128x128xf32, #tpu.memory_space<vmem>>) dst(%dma_wait3A_46 : memref<10240x128xf32, #tpu.memory_space<vmem_shared>>)
    %mul3A_47 = arith.constant 80 : i32
    %mul3A_48 = arith.muli %add3A, %mul3A_47 : i32
    %add3A_49 = arith.constant 40 : i32
    %add3A_50 = arith.addi %mul3A_48, %add3A_49 : i32
    "tpu.region"() ({
      %run_scoped3A = tpu.sem_alloc : memref<!tpu.dma_semaphore, #tpu.memory_space<semaphore_mem>>
      %dma_start3A_78 = arith.constant 0 : i32
      %dma_start3A_79 = tpu.memref_slice %arg3[%add3A_50, %dma_start3A_78] : memref<2560x128xi32, #tpu.memory_space<hbm>> -> memref<40x128xi32, #tpu.memory_space<hbm>>
      %dma_start3A_80 = arith.constant 0 : i32
      %dma_start3A_81 = tpu.memref_slice %arg3[%add3A_50, %dma_start3A_80] : memref<2560x128xi32, #tpu.memory_space<hbm>> -> memref<40x128xi32, #tpu.memory_space<hbm>>
      tpu.enqueue_dma source(%dma_start3A_81 : memref<40x128xi32, #tpu.memory_space<hbm>>) target(%arg7 : memref<40x128xi32, #tpu.memory_space<vmem>>) target_semaphore(%run_scoped3A : memref<!tpu.dma_semaphore, #tpu.memory_space<semaphore_mem>>)
      %dma_wait3A_82 = arith.constant 0 : i32
      %dma_wait3A_83 = tpu.memref_slice %arg3[%add3A_50, %dma_wait3A_82] : memref<2560x128xi32, #tpu.memory_space<hbm>> -> memref<40x128xi32, #tpu.memory_space<hbm>>
      %dma_wait3A_84 = arith.constant 0 : i32
      %dma_wait3A_85 = tpu.memref_slice %arg3[%add3A_50, %dma_wait3A_84] : memref<2560x128xi32, #tpu.memory_space<hbm>> -> memref<40x128xi32, #tpu.memory_space<hbm>>
      tpu.wait_dma2 semaphore(%run_scoped3A : memref<!tpu.dma_semaphore, #tpu.memory_space<semaphore_mem>>) src(%dma_wait3A_85 : memref<40x128xi32, #tpu.memory_space<hbm>>) dst(%arg7 : memref<40x128xi32, #tpu.memory_space<vmem>>)
      tpu.yield
    }) : () -> ()
    "tpu.region"() ({
      %run_scoped3A = tpu.sem_alloc : memref<!tpu.dma_semaphore, #tpu.memory_space<semaphore_mem>>
      %dma_start3A_78 = arith.constant 0 : i32
      %dma_start3A_79 = tpu.memref_slice %arg4[%add3A_50, %dma_start3A_78] : memref<2560x128xi32, #tpu.memory_space<hbm>> -> memref<40x128xi32, #tpu.memory_space<hbm>>
      %dma_start3A_80 = arith.constant 0 : i32
      %dma_start3A_81 = tpu.memref_slice %arg4[%add3A_50, %dma_start3A_80] : memref<2560x128xi32, #tpu.memory_space<hbm>> -> memref<40x128xi32, #tpu.memory_space<hbm>>
      tpu.enqueue_dma source(%dma_start3A_81 : memref<40x128xi32, #tpu.memory_space<hbm>>) target(%arg8 : memref<40x128xi32, #tpu.memory_space<vmem>>) target_semaphore(%run_scoped3A : memref<!tpu.dma_semaphore, #tpu.memory_space<semaphore_mem>>)
      %dma_wait3A_82 = arith.constant 0 : i32
      %dma_wait3A_83 = tpu.memref_slice %arg4[%add3A_50, %dma_wait3A_82] : memref<2560x128xi32, #tpu.memory_space<hbm>> -> memref<40x128xi32, #tpu.memory_space<hbm>>
      %dma_wait3A_84 = arith.constant 0 : i32
      %dma_wait3A_85 = tpu.memref_slice %arg4[%add3A_50, %dma_wait3A_84] : memref<2560x128xi32, #tpu.memory_space<hbm>> -> memref<40x128xi32, #tpu.memory_space<hbm>>
      tpu.wait_dma2 semaphore(%run_scoped3A : memref<!tpu.dma_semaphore, #tpu.memory_space<semaphore_mem>>) src(%dma_wait3A_85 : memref<40x128xi32, #tpu.memory_space<hbm>>) dst(%arg8 : memref<40x128xi32, #tpu.memory_space<vmem>>)
      tpu.yield
    }) : () -> ()
    %dma_start3A_51 = arith.constant 0 : i32
    %dma_start3A_52 = arith.constant 0 : i32
    %dma_start3A_53 = tpu.memref_slice %arg7[%dma_start3A_51, %dma_start3A_52] : memref<40x128xi32, #tpu.memory_space<vmem>> -> memref<1x128xi32, #tpu.memory_space<vmem>>
    %dma_start3A_54 = tpu.memref_squeeze %dma_start3A_53 : memref<1x128xi32, #tpu.memory_space<vmem>> -> memref<128xi32, #tpu.memory_space<vmem>>
    %dma_start3A_55 = arith.constant 0 : i32
    %dma_start3A_56 = arith.constant 0 : i32
    %dma_start3A_57 = tpu.memref_slice %arg2[%dma_start3A_55, %dma_start3A_56] : memref<10240x128xf32, #tpu.memory_space<hbm>> -> memref<10240x128xf32, #tpu.memory_space<hbm>>
    tpu.enqueue_indirect_dma source(%dma_start3A_57 : memref<10240x128xf32, #tpu.memory_space<hbm>>) target(%arg9 : memref<128x128xf32, #tpu.memory_space<vmem>>) offsets(%dma_start3A_54 : memref<128xi32, #tpu.memory_space<vmem>>) semaphore(%arg11 : memref<!tpu.dma_semaphore, #tpu.memory_space<semaphore_mem>>)
    %scan3A_58 = arith.constant 0 : i32
    %scan3A_59 = arith.constant 20 : i32
    %scan3A_60 = arith.addi %scan3A_58, %scan3A_59 : i32
    %scan3A_61 = arith.constant 1 : i32
    scf.for %scan3A_78 = %scan3A_58 to %scan3A_60 step %scan3A_61  : i32 {
      %mul3A_79 = arith.constant 1 : i32
      %mul3A_80 = arith.muli %scan3A_78, %mul3A_79 : i32
      %add3A_81 = arith.constant 0 : i32
      %add3A_82 = arith.addi %add3A_81, %mul3A_80 : i32
      %mul3A_83 = arith.constant 2 : i32
      %mul3A_84 = arith.muli %mul3A_83, %add3A_82 : i32
      %add3A_85 = arith.constant 0 : i32
      %add3A_86 = arith.addi %mul3A_84, %add3A_85 : i32
      %ge3A = arith.constant 1 : i32
      %ge3A_87 = arith.cmpi sge, %add3A_86, %ge3A : i32
      %convert_element_type3A_88 = arith.extui %ge3A_87 : i1 to i32
      %cond3A_89 = arith.constant 0 : i32
      %cond3A_90 = arith.cmpi ne, %convert_element_type3A_88, %cond3A_89 : i32
      scf.if %cond3A_90 {
        %dma_wait3A_137 = arith.constant 0 : i32
        %dma_wait3A_138 = arith.constant 0 : i32
        %dma_wait3A_139 = tpu.memref_slice %arg8[%dma_wait3A_137, %dma_wait3A_138] : memref<40x128xi32, #tpu.memory_space<vmem>> -> memref<1x128xi32, #tpu.memory_space<vmem>>
        %dma_wait3A_140 = tpu.memref_squeeze %dma_wait3A_139 : memref<1x128xi32, #tpu.memory_space<vmem>> -> memref<128xi32, #tpu.memory_space<vmem>>
        %dma_wait3A_141 = arith.constant 0 : i32
        %dma_wait3A_142 = arith.constant 0 : i32
        %dma_wait3A_143 = tpu.memref_slice %arg15[%dma_wait3A_141, %dma_wait3A_142] : memref<10240x128xf32, #tpu.memory_space<vmem_shared>> -> memref<10240x128xf32, #tpu.memory_space<vmem_shared>>
        tpu.wait_indirect_dma semaphore(%arg14 : memref<!tpu.dma_semaphore, #tpu.memory_space<semaphore_mem>>) src(%arg10 : memref<128x128xf32, #tpu.memory_space<vmem>>) dst(%dma_wait3A_143 : memref<10240x128xf32, #tpu.memory_space<vmem_shared>>)
      } else {
      }
      %add3A_91 = arith.constant 1 : i32
      %add3A_92 = arith.addi %add3A_86, %add3A_91 : i32
      %lt3A = arith.constant 40 : i32
      %lt3A_93 = arith.cmpi slt, %add3A_92, %lt3A : i32
      %convert_element_type3A_94 = arith.extui %lt3A_93 : i1 to i32
      %cond3A_95 = arith.constant 0 : i32
      %cond3A_96 = arith.cmpi ne, %convert_element_type3A_94, %cond3A_95 : i32
      scf.if %cond3A_96 {
        %add3A_137 = arith.constant 1 : i32
        %add3A_138 = arith.addi %add3A_86, %add3A_137 : i32
        %dma_start3A_139 = arith.constant 0 : i32
        %dma_start3A_140 = tpu.memref_slice %arg7[%add3A_138, %dma_start3A_139] : memref<40x128xi32, #tpu.memory_space<vmem>> -> memref<1x128xi32, #tpu.memory_space<vmem>>
        %dma_start3A_141 = tpu.memref_squeeze %dma_start3A_140 : memref<1x128xi32, #tpu.memory_space<vmem>> -> memref<128xi32, #tpu.memory_space<vmem>>
        %dma_start3A_142 = arith.constant 0 : i32
        %dma_start3A_143 = arith.constant 0 : i32
        %dma_start3A_144 = tpu.memref_slice %arg2[%dma_start3A_142, %dma_start3A_143] : memref<10240x128xf32, #tpu.memory_space<hbm>> -> memref<10240x128xf32, #tpu.memory_space<hbm>>
        tpu.enqueue_indirect_dma source(%dma_start3A_144 : memref<10240x128xf32, #tpu.memory_space<hbm>>) target(%arg10 : memref<128x128xf32, #tpu.memory_space<vmem>>) offsets(%dma_start3A_141 : memref<128xi32, #tpu.memory_space<vmem>>) semaphore(%arg12 : memref<!tpu.dma_semaphore, #tpu.memory_space<semaphore_mem>>)
      } else {
      }
      %dma_wait3A_97 = arith.constant 0 : i32
      %dma_wait3A_98 = tpu.memref_slice %arg7[%add3A_86, %dma_wait3A_97] : memref<40x128xi32, #tpu.memory_space<vmem>> -> memref<1x128xi32, #tpu.memory_space<vmem>>
      %dma_wait3A_99 = tpu.memref_squeeze %dma_wait3A_98 : memref<1x128xi32, #tpu.memory_space<vmem>> -> memref<128xi32, #tpu.memory_space<vmem>>
      %dma_wait3A_100 = arith.constant 0 : i32
      %dma_wait3A_101 = arith.constant 0 : i32
      %dma_wait3A_102 = tpu.memref_slice %arg2[%dma_wait3A_100, %dma_wait3A_101] : memref<10240x128xf32, #tpu.memory_space<hbm>> -> memref<10240x128xf32, #tpu.memory_space<hbm>>
      tpu.wait_indirect_dma semaphore(%arg11 : memref<!tpu.dma_semaphore, #tpu.memory_space<semaphore_mem>>) src(%dma_wait3A_102 : memref<10240x128xf32, #tpu.memory_space<hbm>>) dst(%arg9 : memref<128x128xf32, #tpu.memory_space<vmem>>)
      %dma_start3A_103 = arith.constant 0 : i32
      %dma_start3A_104 = tpu.memref_slice %arg8[%add3A_86, %dma_start3A_103] : memref<40x128xi32, #tpu.memory_space<vmem>> -> memref<1x128xi32, #tpu.memory_space<vmem>>
      %dma_start3A_105 = tpu.memref_squeeze %dma_start3A_104 : memref<1x128xi32, #tpu.memory_space<vmem>> -> memref<128xi32, #tpu.memory_space<vmem>>
      %dma_start3A_106 = arith.constant 0 : i32
      %dma_start3A_107 = arith.constant 0 : i32
      %dma_start3A_108 = tpu.memref_slice %arg15[%dma_start3A_106, %dma_start3A_107] : memref<10240x128xf32, #tpu.memory_space<vmem_shared>> -> memref<10240x128xf32, #tpu.memory_space<vmem_shared>>
      tpu.enqueue_indirect_dma source(%arg9 : memref<128x128xf32, #tpu.memory_space<vmem>>) target(%dma_start3A_108 : memref<10240x128xf32, #tpu.memory_space<vmem_shared>>) offsets(%dma_start3A_105 : memref<128xi32, #tpu.memory_space<vmem>>) semaphore(%arg13 : memref<!tpu.dma_semaphore, #tpu.memory_space<semaphore_mem>>) {add = true}
      %mul3A_109 = arith.constant 2 : i32
      %mul3A_110 = arith.muli %mul3A_109, %add3A_82 : i32
      %add3A_111 = arith.constant 1 : i32
      %add3A_112 = arith.addi %mul3A_110, %add3A_111 : i32
      %ge3A_113 = arith.constant 1 : i32
      %ge3A_114 = arith.cmpi sge, %add3A_112, %ge3A_113 : i32
      %convert_element_type3A_115 = arith.extui %ge3A_114 : i1 to i32
      %cond3A_116 = arith.constant 0 : i32
      %cond3A_117 = arith.cmpi ne, %convert_element_type3A_115, %cond3A_116 : i32
      scf.if %cond3A_117 {
        %dma_wait3A_137 = arith.constant 0 : i32
        %dma_wait3A_138 = arith.constant 0 : i32
        %dma_wait3A_139 = tpu.memref_slice %arg8[%dma_wait3A_137, %dma_wait3A_138] : memref<40x128xi32, #tpu.memory_space<vmem>> -> memref<1x128xi32, #tpu.memory_space<vmem>>
        %dma_wait3A_140 = tpu.memref_squeeze %dma_wait3A_139 : memref<1x128xi32, #tpu.memory_space<vmem>> -> memref<128xi32, #tpu.memory_space<vmem>>
        %dma_wait3A_141 = arith.constant 0 : i32
        %dma_wait3A_142 = arith.constant 0 : i32
        %dma_wait3A_143 = tpu.memref_slice %arg15[%dma_wait3A_141, %dma_wait3A_142] : memref<10240x128xf32, #tpu.memory_space<vmem_shared>> -> memref<10240x128xf32, #tpu.memory_space<vmem_shared>>
        tpu.wait_indirect_dma semaphore(%arg13 : memref<!tpu.dma_semaphore, #tpu.memory_space<semaphore_mem>>) src(%arg9 : memref<128x128xf32, #tpu.memory_space<vmem>>) dst(%dma_wait3A_143 : memref<10240x128xf32, #tpu.memory_space<vmem_shared>>)
      } else {
      }
      %add3A_118 = arith.constant 1 : i32
      %add3A_119 = arith.addi %add3A_112, %add3A_118 : i32
      %lt3A_120 = arith.constant 40 : i32
      %lt3A_121 = arith.cmpi slt, %add3A_119, %lt3A_120 : i32
      %convert_element_type3A_122 = arith.extui %lt3A_121 : i1 to i32
      %cond3A_123 = arith.constant 0 : i32
      %cond3A_124 = arith.cmpi ne, %convert_element_type3A_122, %cond3A_123 : i32
      scf.if %cond3A_124 {
        %add3A_137 = arith.constant 1 : i32
        %add3A_138 = arith.addi %add3A_112, %add3A_137 : i32
        %dma_start3A_139 = arith.constant 0 : i32
        %dma_start3A_140 = tpu.memref_slice %arg7[%add3A_138, %dma_start3A_139] : memref<40x128xi32, #tpu.memory_space<vmem>> -> memref<1x128xi32, #tpu.memory_space<vmem>>
        %dma_start3A_141 = tpu.memref_squeeze %dma_start3A_140 : memref<1x128xi32, #tpu.memory_space<vmem>> -> memref<128xi32, #tpu.memory_space<vmem>>
        %dma_start3A_142 = arith.constant 0 : i32
        %dma_start3A_143 = arith.constant 0 : i32
        %dma_start3A_144 = tpu.memref_slice %arg2[%dma_start3A_142, %dma_start3A_143] : memref<10240x128xf32, #tpu.memory_space<hbm>> -> memref<10240x128xf32, #tpu.memory_space<hbm>>
        tpu.enqueue_indirect_dma source(%dma_start3A_144 : memref<10240x128xf32, #tpu.memory_space<hbm>>) target(%arg9 : memref<128x128xf32, #tpu.memory_space<vmem>>) offsets(%dma_start3A_141 : memref<128xi32, #tpu.memory_space<vmem>>) semaphore(%arg11 : memref<!tpu.dma_semaphore, #tpu.memory_space<semaphore_mem>>)
      } else {
      }
      %dma_wait3A_125 = arith.constant 0 : i32
      %dma_wait3A_126 = tpu.memref_slice %arg7[%add3A_112, %dma_wait3A_125] : memref<40x128xi32, #tpu.memory_space<vmem>> -> memref<1x128xi32, #tpu.memory_space<vmem>>
      %dma_wait3A_127 = tpu.memref_squeeze %dma_wait3A_126 : memref<1x128xi32, #tpu.memory_space<vmem>> -> memref<128xi32, #tpu.memory_space<vmem>>
      %dma_wait3A_128 = arith.constant 0 : i32
      %dma_wait3A_129 = arith.constant 0 : i32
      %dma_wait3A_130 = tpu.memref_slice %arg2[%dma_wait3A_128, %dma_wait3A_129] : memref<10240x128xf32, #tpu.memory_space<hbm>> -> memref<10240x128xf32, #tpu.memory_space<hbm>>
      tpu.wait_indirect_dma semaphore(%arg12 : memref<!tpu.dma_semaphore, #tpu.memory_space<semaphore_mem>>) src(%dma_wait3A_130 : memref<10240x128xf32, #tpu.memory_space<hbm>>) dst(%arg10 : memref<128x128xf32, #tpu.memory_space<vmem>>)
      %dma_start3A_131 = arith.constant 0 : i32
      %dma_start3A_132 = tpu.memref_slice %arg8[%add3A_112, %dma_start3A_131] : memref<40x128xi32, #tpu.memory_space<vmem>> -> memref<1x128xi32, #tpu.memory_space<vmem>>
      %dma_start3A_133 = tpu.memref_squeeze %dma_start3A_132 : memref<1x128xi32, #tpu.memory_space<vmem>> -> memref<128xi32, #tpu.memory_space<vmem>>
      %dma_start3A_134 = arith.constant 0 : i32
      %dma_start3A_135 = arith.constant 0 : i32
      %dma_start3A_136 = tpu.memref_slice %arg15[%dma_start3A_134, %dma_start3A_135] : memref<10240x128xf32, #tpu.memory_space<vmem_shared>> -> memref<10240x128xf32, #tpu.memory_space<vmem_shared>>
      tpu.enqueue_indirect_dma source(%arg10 : memref<128x128xf32, #tpu.memory_space<vmem>>) target(%dma_start3A_136 : memref<10240x128xf32, #tpu.memory_space<vmem_shared>>) offsets(%dma_start3A_133 : memref<128xi32, #tpu.memory_space<vmem>>) semaphore(%arg14 : memref<!tpu.dma_semaphore, #tpu.memory_space<semaphore_mem>>) {add = true}
    }
    %scan3A_62 = arith.constant 20 : i32
    %dma_wait3A_63 = arith.constant 0 : i32
    %dma_wait3A_64 = arith.constant 0 : i32
    %dma_wait3A_65 = tpu.memref_slice %arg8[%dma_wait3A_63, %dma_wait3A_64] : memref<40x128xi32, #tpu.memory_space<vmem>> -> memref<1x128xi32, #tpu.memory_space<vmem>>
    %dma_wait3A_66 = tpu.memref_squeeze %dma_wait3A_65 : memref<1x128xi32, #tpu.memory_space<vmem>> -> memref<128xi32, #tpu.memory_space<vmem>>
    %dma_wait3A_67 = arith.constant 0 : i32
    %dma_wait3A_68 = arith.constant 0 : i32
    %dma_wait3A_69 = tpu.memref_slice %arg15[%dma_wait3A_67, %dma_wait3A_68] : memref<10240x128xf32, #tpu.memory_space<vmem_shared>> -> memref<10240x128xf32, #tpu.memory_space<vmem_shared>>
    tpu.wait_indirect_dma semaphore(%arg14 : memref<!tpu.dma_semaphore, #tpu.memory_space<semaphore_mem>>) src(%arg10 : memref<128x128xf32, #tpu.memory_space<vmem>>) dst(%dma_wait3A_69 : memref<10240x128xf32, #tpu.memory_space<vmem_shared>>)
    %barrier3A_70 = arith.constant 0 : index
    tpu.barrier barrier_id(%barrier3A_70)
    %eq3A = arith.constant 0 : i32
    %eq3A_71 = arith.cmpi eq, %arg0, %eq3A : i32
    %convert_element_type3A = arith.extui %eq3A_71 : i1 to i32
    %cond3A = arith.constant 0 : i32
    %cond3A_72 = arith.cmpi ne, %convert_element_type3A, %cond3A : i32
    scf.if %cond3A_72 {
      %mul3A_78 = arith.constant 640 : i32
      %mul3A_79 = arith.muli %arg1, %mul3A_78 : i32
      %mul3A_80 = arith.constant 640 : i32
      %mul3A_81 = arith.muli %arg1, %mul3A_80 : i32
      "tpu.region"() ({
        %run_scoped3A = tpu.sem_alloc : memref<!tpu.dma_semaphore, #tpu.memory_space<semaphore_mem>>
        %dma_start3A_82 = arith.constant 0 : i32
        %dma_start3A_83 = tpu.memref_slice %arg5[%mul3A_81, %dma_start3A_82] : memref<10240x128xf32, #tpu.memory_space<hbm>> -> memref<640x128xf32, #tpu.memory_space<hbm>>
        %dma_start3A_84 = arith.constant 0 : i32
        %dma_start3A_85 = tpu.memref_slice %arg15[%mul3A_79, %dma_start3A_84] : memref<10240x128xf32, #tpu.memory_space<vmem_shared>> -> memref<640x128xf32, #tpu.memory_space<vmem_shared>>
        tpu.enqueue_dma source(%dma_start3A_85 : memref<640x128xf32, #tpu.memory_space<vmem_shared>>) target(%dma_start3A_83 : memref<640x128xf32, #tpu.memory_space<hbm>>) target_semaphore(%run_scoped3A : memref<!tpu.dma_semaphore, #tpu.memory_space<semaphore_mem>>)
        %dma_wait3A_86 = arith.constant 0 : i32
        %dma_wait3A_87 = tpu.memref_slice %arg5[%mul3A_81, %dma_wait3A_86] : memref<10240x128xf32, #tpu.memory_space<hbm>> -> memref<640x128xf32, #tpu.memory_space<hbm>>
        %dma_wait3A_88 = arith.constant 0 : i32
        %dma_wait3A_89 = tpu.memref_slice %arg15[%mul3A_79, %dma_wait3A_88] : memref<10240x128xf32, #tpu.memory_space<vmem_shared>> -> memref<640x128xf32, #tpu.memory_space<vmem_shared>>
        tpu.wait_dma2 semaphore(%run_scoped3A : memref<!tpu.dma_semaphore, #tpu.memory_space<semaphore_mem>>) src(%dma_wait3A_89 : memref<640x128xf32, #tpu.memory_space<vmem_shared>>) dst(%dma_wait3A_87 : memref<640x128xf32, #tpu.memory_space<hbm>>)
        tpu.yield
      }) : () -> ()
    } else {
    }
    %eq3A_73 = arith.constant 1 : i32
    %eq3A_74 = arith.cmpi eq, %arg0, %eq3A_73 : i32
    %convert_element_type3A_75 = arith.extui %eq3A_74 : i1 to i32
    %cond3A_76 = arith.constant 0 : i32
    %cond3A_77 = arith.cmpi ne, %convert_element_type3A_75, %cond3A_76 : i32
    scf.if %cond3A_77 {
      %mul3A_78 = arith.constant 640 : i32
      %mul3A_79 = arith.muli %arg1, %mul3A_78 : i32
      %mul3A_80 = arith.constant 640 : i32
      %mul3A_81 = arith.muli %arg1, %mul3A_80 : i32
      "tpu.region"() ({
        %run_scoped3A = tpu.sem_alloc : memref<!tpu.dma_semaphore, #tpu.memory_space<semaphore_mem>>
        %dma_start3A_82 = arith.constant 0 : i32
        %dma_start3A_83 = tpu.memref_slice %arg6[%mul3A_81, %dma_start3A_82] : memref<10240x128xf32, #tpu.memory_space<hbm>> -> memref<640x128xf32, #tpu.memory_space<hbm>>
        %dma_start3A_84 = arith.constant 0 : i32
        %dma_start3A_85 = tpu.memref_slice %arg15[%mul3A_79, %dma_start3A_84] : memref<10240x128xf32, #tpu.memory_space<vmem_shared>> -> memref<640x128xf32, #tpu.memory_space<vmem_shared>>
        tpu.enqueue_dma source(%dma_start3A_85 : memref<640x128xf32, #tpu.memory_space<vmem_shared>>) target(%dma_start3A_83 : memref<640x128xf32, #tpu.memory_space<hbm>>) target_semaphore(%run_scoped3A : memref<!tpu.dma_semaphore, #tpu.memory_space<semaphore_mem>>)
        %dma_wait3A_86 = arith.constant 0 : i32
        %dma_wait3A_87 = tpu.memref_slice %arg6[%mul3A_81, %dma_wait3A_86] : memref<10240x128xf32, #tpu.memory_space<hbm>> -> memref<640x128xf32, #tpu.memory_space<hbm>>
        %dma_wait3A_88 = arith.constant 0 : i32
        %dma_wait3A_89 = tpu.memref_slice %arg15[%mul3A_79, %dma_wait3A_88] : memref<10240x128xf32, #tpu.memory_space<vmem_shared>> -> memref<640x128xf32, #tpu.memory_space<vmem_shared>>
        tpu.wait_dma2 semaphore(%run_scoped3A : memref<!tpu.dma_semaphore, #tpu.memory_space<semaphore_mem>>) src(%dma_wait3A_89 : memref<640x128xf32, #tpu.memory_space<vmem_shared>>) dst(%dma_wait3A_87 : memref<640x128xf32, #tpu.memory_space<hbm>>)
        tpu.yield
      }) : () -> ()
    } else {
    }
    return
  }
}

module attributes {stable_mosaic.version = 14 : i64} {
  func.func @_scale_body(%arg0: i32, %arg1: memref<1024x1xf32, #tpu.memory_space<vmem>>, %arg2: memref<1024x1xf32, #tpu.memory_space<vmem>>, %arg3: memref<1024x128xf32, #tpu.memory_space<vmem>>, %arg4: memref<1024x128xf32, #tpu.memory_space<vmem>>, %arg5: memref<1024x1xf32, #tpu.memory_space<vmem>>) attributes {dimension_semantics = [#tpu.dimension_semantics<arbitrary>], iteration_bounds = array<i64: 10>, scalar_prefetch = 0 : i64, scratch_operands = 0 : i64, tpu.core_type = #tpu.core_type<tc>, window_params = [{transform_indices = @transform_0, window_bounds = array<i64: 1024, 1>}, {transform_indices = @transform_1, window_bounds = array<i64: 1024, 1>}, {transform_indices = @transform_2, window_bounds = array<i64: 1024, 128>}, {transform_indices = @transform_3, window_bounds = array<i64: 1024, 128>}, {transform_indices = @transform_4, window_bounds = array<i64: 1024, 1>}]} {
    %get3A = arith.constant 0 : index
    %get3A_0 = arith.constant 0 : index
    %get3A_1 = vector.load %arg1[%get3A, %get3A_0] : memref<1024x1xf32, #tpu.memory_space<vmem>>, vector<1024x1xf32>
    %get3A_2 = arith.constant 0 : index
    %get3A_3 = arith.constant 0 : index
    %get3A_4 = vector.load %arg2[%get3A_2, %get3A_3] : memref<1024x1xf32, #tpu.memory_space<vmem>>, vector<1024x1xf32>
    %add3A = arith.addf %get3A_1, %get3A_4 : vector<1024x1xf32>
    %add3A_5 = arith.constant 1.000000e+00 : f32
    %add3A_6 = vector.broadcast %add3A_5 : f32 to vector<1024x1xf32>
    %add3A_7 = arith.addf %add3A, %add3A_6 : vector<1024x1xf32>
    %rsqrt3A = math.rsqrt %add3A_7 : vector<1024x1xf32>
    %get3A_8 = arith.constant 0 : index
    %get3A_9 = arith.constant 0 : index
    %get3A_10 = vector.load %arg3[%get3A_8, %get3A_9] : memref<1024x128xf32, #tpu.memory_space<vmem>>, vector<1024x128xf32>
    %mul3A = vector.broadcast %rsqrt3A : vector<1024x1xf32> to vector<1024x128xf32>
    %mul3A_11 = arith.mulf %get3A_10, %mul3A : vector<1024x128xf32>
    %swap3A = arith.constant 0 : index
    %swap3A_12 = arith.constant 0 : index
    %swap3A_13 = vector.load %arg4[%swap3A, %swap3A_12] : memref<1024x128xf32, #tpu.memory_space<vmem>>, vector<1024x128xf32>
    tpu.vector_store %arg4[%swap3A, %swap3A_12], %mul3A_11 {strides = array<i32>} : memref<1024x128xf32, #tpu.memory_space<vmem>>, vector<1024x128xf32>,
    %swap3A_14 = arith.constant 0 : index
    %swap3A_15 = arith.constant 0 : index
    %swap3A_16 = vector.load %arg5[%swap3A_14, %swap3A_15] : memref<1024x1xf32, #tpu.memory_space<vmem>>, vector<1024x1xf32>
    tpu.vector_store %arg5[%swap3A_14, %swap3A_15], %rsqrt3A {strides = array<i32>} : memref<1024x1xf32, #tpu.memory_space<vmem>>, vector<1024x1xf32>,
    return
  }
  func.func @transform_0(%arg0: i32) -> (i32, i32) {
    %c0_i32 = arith.constant 0 : i32
    %c0_i32_0 = arith.constant 0 : i32
    return %arg0, %c0_i32 : i32, i32
  }
  func.func @transform_1(%arg0: i32) -> (i32, i32) {
    %c0_i32 = arith.constant 0 : i32
    %c0_i32_0 = arith.constant 0 : i32
    return %arg0, %c0_i32 : i32, i32
  }
  func.func @transform_2(%arg0: i32) -> (i32, i32) {
    %c0_i32 = arith.constant 0 : i32
    %c0_i32_0 = arith.constant 0 : i32
    return %arg0, %c0_i32 : i32, i32
  }
  func.func @transform_3(%arg0: i32) -> (i32, i32) {
    %c0_i32 = arith.constant 0 : i32
    %c0_i32_0 = arith.constant 0 : i32
    return %arg0, %c0_i32 : i32, i32
  }
  func.func @transform_4(%arg0: i32) -> (i32, i32) {
    %c0_i32 = arith.constant 0 : i32
    %c0_i32_0 = arith.constant 0 : i32
    return %arg0, %c0_i32 : i32, i32
  }
}

module attributes {stable_mosaic.version = 14 : i64} {
  func.func @_mid_body(%arg0: i32, %arg1: memref<1024x128xf32, #tpu.memory_space<vmem>>, %arg2: memref<1024x128xf32, #tpu.memory_space<vmem>>, %arg3: memref<1024x128xf32, #tpu.memory_space<vmem>>, %arg4: memref<1024x1xf32, #tpu.memory_space<vmem>>, %arg5: memref<128x256xf32, #tpu.memory_space<vmem>>, %arg6: memref<1x256xf32, #tpu.memory_space<vmem>>, %arg7: memref<256x128xf32, #tpu.memory_space<vmem>>, %arg8: memref<1024x128xf32, #tpu.memory_space<vmem>>) attributes {dimension_semantics = [#tpu.dimension_semantics<arbitrary>], iteration_bounds = array<i64: 10>, scalar_prefetch = 0 : i64, scratch_operands = 0 : i64, tpu.core_type = #tpu.core_type<tc>, window_params = [{transform_indices = @transform_0, window_bounds = array<i64: 1024, 128>}, {transform_indices = @transform_1, window_bounds = array<i64: 1024, 128>}, {transform_indices = @transform_2, window_bounds = array<i64: 1024, 128>}, {transform_indices = @transform_3, window_bounds = array<i64: 1024, 1>}, {pipeline_mode = #tpu.pipeline_mode<synchronous>, transform_indices = @transform_4, window_bounds = array<i64: 128, 256>}, {pipeline_mode = #tpu.pipeline_mode<synchronous>, transform_indices = @transform_5, window_bounds = array<i64: 1, 256>}, {pipeline_mode = #tpu.pipeline_mode<synchronous>, transform_indices = @transform_6, window_bounds = array<i64: 256, 128>}, {transform_indices = @transform_7, window_bounds = array<i64: 1024, 128>}]} {
    %get3A = arith.constant 0 : index
    %get3A_0 = arith.constant 0 : index
    %get3A_1 = vector.load %arg4[%get3A, %get3A_0] : memref<1024x1xf32, #tpu.memory_space<vmem>>, vector<1024x1xf32>
    %get3A_2 = arith.constant 0 : index
    %get3A_3 = arith.constant 0 : index
    %get3A_4 = vector.load %arg1[%get3A_2, %get3A_3] : memref<1024x128xf32, #tpu.memory_space<vmem>>, vector<1024x128xf32>
    %get3A_5 = arith.constant 0 : index
    %get3A_6 = arith.constant 0 : index
    %get3A_7 = vector.load %arg2[%get3A_5, %get3A_6] : memref<1024x128xf32, #tpu.memory_space<vmem>>, vector<1024x128xf32>
    %add3A = arith.addf %get3A_4, %get3A_7 : vector<1024x128xf32>
    %get3A_8 = arith.constant 0 : index
    %get3A_9 = arith.constant 0 : index
    %get3A_10 = vector.load %arg3[%get3A_8, %get3A_9] : memref<1024x128xf32, #tpu.memory_space<vmem>>, vector<1024x128xf32>
    %add3A_11 = arith.addf %add3A, %get3A_10 : vector<1024x128xf32>
    %mul3A = vector.broadcast %get3A_1 : vector<1024x1xf32> to vector<1024x128xf32>
    %mul3A_12 = arith.mulf %add3A_11, %mul3A : vector<1024x128xf32>
    %get3A_13 = arith.constant 0 : index
    %get3A_14 = arith.constant 0 : index
    %get3A_15 = vector.load %arg5[%get3A_13, %get3A_14] : memref<128x256xf32, #tpu.memory_space<vmem>>, vector<128x256xf32>
    %dot_general3A = arith.constant dense<0.000000e+00> : vector<1024x256xf32>
    %dot_general3A_16 = tpu.matmul %mul3A_12, %get3A_15, %dot_general3A {dimension_numbers = #tpu.dot_dimension_numbers<[1], [0], [0], [1], [0, 0, 1, 1], [], []>, transpose_lhs_hint = false} : vector<1024x128xf32>, vector<128x256xf32>, vector<1024x256xf32> -> vector<1024x256xf32>
    %get3A_17 = arith.constant 0 : index
    %get3A_18 = arith.constant 0 : index
    %get3A_19 = vector.load %arg6[%get3A_17, %get3A_18] : memref<1x256xf32, #tpu.memory_space<vmem>>, vector<1x256xf32>
    %add3A_20 = vector.broadcast %get3A_19 : vector<1x256xf32> to vector<1024x256xf32>
    %add3A_21 = arith.addf %dot_general3A_16, %add3A_20 : vector<1024x256xf32>
    %max3A = arith.constant 0.000000e+00 : f32
    %max3A_22 = vector.broadcast %max3A : f32 to vector<1024x256xf32>
    %max3A_23 = arith.maximumf %add3A_21, %max3A_22 : vector<1024x256xf32>
    %mul3A_24 = arith.constant 1024 : i32
    %mul3A_25 = arith.muli %arg0, %mul3A_24 : i32
    %iota3A = tpu.iota {dimensions = array<i32: 0>} : vector<1024x1xi32>
    %add3A_26 = vector.broadcast %mul3A_25 : i32 to vector<1024x1xi32>
    %add3A_27 = arith.addi %add3A_26, %iota3A : vector<1024x1xi32>
    %lt3A = arith.constant 10000 : i32
    %lt3A_28 = vector.broadcast %lt3A : i32 to vector<1024x1xi32>
    %lt3A_29 = arith.cmpi slt, %add3A_27, %lt3A_28 : vector<1024x1xi32>
    %jit3A = arith.constant 0.000000e+00 : f32
    %broadcast_in_dim3A = vector.shape_cast %lt3A_29 : vector<1024x1xi1> to vector<1024x1xi1>
    %broadcast_in_dim3A_30 = vector.broadcast %broadcast_in_dim3A : vector<1024x1xi1> to vector<1024x256xi1>
    %broadcast_in_dim3A_31 = vector.broadcast %jit3A : f32 to vector<1024x256xf32>
    %select_n3A = arith.select %broadcast_in_dim3A_30, %max3A_23, %broadcast_in_dim3A_31 : vector<1024x256xi1>, vector<1024x256xf32>
    %get3A_32 = arith.constant 0 : index
    %get3A_33 = arith.constant 0 : index
    %get3A_34 = vector.load %arg7[%get3A_32, %get3A_33] : memref<256x128xf32, #tpu.memory_space<vmem>>, vector<256x128xf32>
    %dot_general3A_35 = arith.constant dense<0.000000e+00> : vector<1024x128xf32>
    %dot_general3A_36 = tpu.matmul %select_n3A, %get3A_34, %dot_general3A_35 {dimension_numbers = #tpu.dot_dimension_numbers<[1], [0], [0], [1], [0, 0, 1, 1], [], []>, transpose_lhs_hint = false} : vector<1024x256xf32>, vector<256x128xf32>, vector<1024x128xf32> -> vector<1024x128xf32>
    %mul3A_37 = vector.broadcast %get3A_1 : vector<1024x1xf32> to vector<1024x128xf32>
    %mul3A_38 = arith.mulf %dot_general3A_36, %mul3A_37 : vector<1024x128xf32>
    %swap3A = arith.constant 0 : index
    %swap3A_39 = arith.constant 0 : index
    %swap3A_40 = vector.load %arg8[%swap3A, %swap3A_39] : memref<1024x128xf32, #tpu.memory_space<vmem>>, vector<1024x128xf32>
    tpu.vector_store %arg8[%swap3A, %swap3A_39], %mul3A_38 {strides = array<i32>} : memref<1024x128xf32, #tpu.memory_space<vmem>>, vector<1024x128xf32>,
    return
  }
  func.func @transform_0(%arg0: i32) -> (i32, i32) {
    %c0_i32 = arith.constant 0 : i32
    %c0_i32_0 = arith.constant 0 : i32
    return %arg0, %c0_i32 : i32, i32
  }
  func.func @transform_1(%arg0: i32) -> (i32, i32) {
    %c0_i32 = arith.constant 0 : i32
    %c0_i32_0 = arith.constant 0 : i32
    return %arg0, %c0_i32 : i32, i32
  }
  func.func @transform_2(%arg0: i32) -> (i32, i32) {
    %c0_i32 = arith.constant 0 : i32
    %c0_i32_0 = arith.constant 0 : i32
    return %arg0, %c0_i32 : i32, i32
  }
  func.func @transform_3(%arg0: i32) -> (i32, i32) {
    %c0_i32 = arith.constant 0 : i32
    %c0_i32_0 = arith.constant 0 : i32
    return %arg0, %c0_i32 : i32, i32
  }
  func.func @transform_4(%arg0: i32) -> (i32, i32) {
    %c0_i32 = arith.constant 0 : i32
    %c0_i32_0 = arith.constant 0 : i32
    %c0_i32_1 = arith.constant 0 : i32
    return %c0_i32, %c0_i32_0 : i32, i32
  }
  func.func @transform_5(%arg0: i32) -> (i32, i32) {
    %c0_i32 = arith.constant 0 : i32
    %c0_i32_0 = arith.constant 0 : i32
    %c0_i32_1 = arith.constant 0 : i32
    return %c0_i32, %c0_i32_0 : i32, i32
  }
  func.func @transform_6(%arg0: i32) -> (i32, i32) {
    %c0_i32 = arith.constant 0 : i32
    %c0_i32_0 = arith.constant 0 : i32
    %c0_i32_1 = arith.constant 0 : i32
    return %c0_i32, %c0_i32_0 : i32, i32
  }
  func.func @transform_7(%arg0: i32) -> (i32, i32) {
    %c0_i32 = arith.constant 0 : i32
    %c0_i32_0 = arith.constant 0 : i32
    return %arg0, %c0_i32 : i32, i32
  }
}

module attributes {stable_mosaic.version = 14 : i64} {
  func.func @_final_body(%arg0: i32, %arg1: memref<400x128xf32, #tpu.memory_space<vmem>>, %arg2: memref<400x128xf32, #tpu.memory_space<vmem>>, %arg3: memref<400x128xf32, #tpu.memory_space<vmem>>, %arg4: memref<400x1xf32, #tpu.memory_space<vmem>>, %arg5: memref<1x128xf32, #tpu.memory_space<vmem>>, %arg6: memref<400x128xf32, #tpu.memory_space<vmem>>) attributes {dimension_semantics = [#tpu.dimension_semantics<arbitrary>], iteration_bounds = array<i64: 25>, scalar_prefetch = 0 : i64, scratch_operands = 0 : i64, tpu.core_type = #tpu.core_type<tc>, window_params = [{transform_indices = @transform_0, window_bounds = array<i64: 400, 128>}, {transform_indices = @transform_1, window_bounds = array<i64: 400, 128>}, {transform_indices = @transform_2, window_bounds = array<i64: 400, 128>}, {transform_indices = @transform_3, window_bounds = array<i64: 400, 1>}, {pipeline_mode = #tpu.pipeline_mode<synchronous>, transform_indices = @transform_4, window_bounds = array<i64: 1, 128>}, {transform_indices = @transform_5, window_bounds = array<i64: 400, 128>}]} {
    %get3A = arith.constant 0 : index
    %get3A_0 = arith.constant 0 : index
    %get3A_1 = vector.load %arg1[%get3A, %get3A_0] : memref<400x128xf32, #tpu.memory_space<vmem>>, vector<400x128xf32>
    %get3A_2 = arith.constant 0 : index
    %get3A_3 = arith.constant 0 : index
    %get3A_4 = vector.load %arg2[%get3A_2, %get3A_3] : memref<400x128xf32, #tpu.memory_space<vmem>>, vector<400x128xf32>
    %add3A = arith.addf %get3A_1, %get3A_4 : vector<400x128xf32>
    %get3A_5 = arith.constant 0 : index
    %get3A_6 = arith.constant 0 : index
    %get3A_7 = vector.load %arg3[%get3A_5, %get3A_6] : memref<400x128xf32, #tpu.memory_space<vmem>>, vector<400x128xf32>
    %add3A_8 = arith.addf %add3A, %get3A_7 : vector<400x128xf32>
    %get3A_9 = arith.constant 0 : index
    %get3A_10 = arith.constant 0 : index
    %get3A_11 = vector.load %arg4[%get3A_9, %get3A_10] : memref<400x1xf32, #tpu.memory_space<vmem>>, vector<400x1xf32>
    %mul3A = vector.broadcast %get3A_11 : vector<400x1xf32> to vector<400x128xf32>
    %mul3A_12 = arith.mulf %add3A_8, %mul3A : vector<400x128xf32>
    %get3A_13 = arith.constant 0 : index
    %get3A_14 = arith.constant 0 : index
    %get3A_15 = vector.load %arg5[%get3A_13, %get3A_14] : memref<1x128xf32, #tpu.memory_space<vmem>>, vector<1x128xf32>
    %add3A_16 = vector.broadcast %get3A_15 : vector<1x128xf32> to vector<400x128xf32>
    %add3A_17 = arith.addf %mul3A_12, %add3A_16 : vector<400x128xf32>
    %reduce_max3A = arith.constant dense<0xFF800000> : vector<400xf32>
    %reduce_max3A_18 = vector.multi_reduction <maximumf>, %add3A_17, %reduce_max3A [1] : vector<400x128xf32> to vector<400xf32>
    %broadcast_in_dim3A = vector.shape_cast %reduce_max3A_18 : vector<400xf32> to vector<400x1xf32>
    %sub3A = vector.broadcast %broadcast_in_dim3A : vector<400x1xf32> to vector<400x128xf32>
    %sub3A_19 = arith.subf %add3A_17, %sub3A : vector<400x128xf32>
    %exp3A = math.exp %sub3A_19 : vector<400x128xf32>
    %reduce_sum3A = arith.constant dense<0.000000e+00> : vector<400xf32>
    %reduce_sum3A_20 = vector.multi_reduction <add>, %exp3A, %reduce_sum3A [1] : vector<400x128xf32> to vector<400xf32>
    %broadcast_in_dim3A_21 = vector.shape_cast %reduce_sum3A_20 : vector<400xf32> to vector<400x1xf32>
    %log3A = math.log %broadcast_in_dim3A_21 : vector<400x1xf32>
    %add3A_22 = arith.addf %log3A, %broadcast_in_dim3A : vector<400x1xf32>
    %sub3A_23 = vector.broadcast %add3A_22 : vector<400x1xf32> to vector<400x128xf32>
    %sub3A_24 = arith.subf %add3A_17, %sub3A_23 : vector<400x128xf32>
    %swap3A = arith.constant 0 : index
    %swap3A_25 = arith.constant 0 : index
    %swap3A_26 = vector.load %arg6[%swap3A, %swap3A_25] : memref<400x128xf32, #tpu.memory_space<vmem>>, vector<400x128xf32>
    tpu.vector_store %arg6[%swap3A, %swap3A_25], %sub3A_24 {strides = array<i32>} : memref<400x128xf32, #tpu.memory_space<vmem>>, vector<400x128xf32>,
    return
  }
  func.func @transform_0(%arg0: i32) -> (i32, i32) {
    %c0_i32 = arith.constant 0 : i32
    %c0_i32_0 = arith.constant 0 : i32
    return %arg0, %c0_i32 : i32, i32
  }
  func.func @transform_1(%arg0: i32) -> (i32, i32) {
    %c0_i32 = arith.constant 0 : i32
    %c0_i32_0 = arith.constant 0 : i32
    return %arg0, %c0_i32 : i32, i32
  }
  func.func @transform_2(%arg0: i32) -> (i32, i32) {
    %c0_i32 = arith.constant 0 : i32
    %c0_i32_0 = arith.constant 0 : i32
    return %arg0, %c0_i32 : i32, i32
  }
  func.func @transform_3(%arg0: i32) -> (i32, i32) {
    %c0_i32 = arith.constant 0 : i32
    %c0_i32_0 = arith.constant 0 : i32
    return %arg0, %c0_i32 : i32, i32
  }
  func.func @transform_4(%arg0: i32) -> (i32, i32) {
    %c0_i32 = arith.constant 0 : i32
    %c0_i32_0 = arith.constant 0 : i32
    %c0_i32_1 = arith.constant 0 : i32
    return %c0_i32, %c0_i32_0 : i32, i32
  }
  func.func @transform_5(%arg0: i32) -> (i32, i32) {
    %c0_i32 = arith.constant 0 : i32
    %c0_i32_0 = arith.constant 0 : i32
    return %arg0, %c0_i32 : i32, i32
  }
}

</mosaic_0001>

<sc_bundles>
// kernel: kernel.11.cloned.1.call-start
scs
__scs_entry_jumppad:
0x0: {  	(pc) =	sbr.rel $0x88, $3  }
0x1: {  	(tag) =	ssettag $0x0;
	lr =	simm.s32 $0x1  }
0x2: {  	[smem:$0x3F9B] =	sst lr;
	_ =	strace $0xD0000000  }
0x3: {  	_ = 	snop  }
0x4: {  	_ = 	snop  }
0x5: {  	_ = 	snop  }
0x6: {  	_ = 	snop  }
0x7: {  	_ = 	snop  }
__scs_overlays_trampoline_lowered:
0x8: {  	[smem:$0x3FAA] =	sst s0  }
0x9: {  	[smem:$0x3FAB] =	sst s1  }
0xa: {  	[smem:$0x3FAC] =	sst s2  }
0xb: {  	[smem:$0x3FAD] =	sst s3  }
0xc: {  	[smem:$0x3FAE] =	sst s4  }
0xd: {  	[smem:$0x3FAF] =	sst s5  }
0xe: {  	[smem:$0x3FB0] =	sst s6  }
0xf: {  	[smem:$0x3FB1] =	sst s7  }
0x10: {  	[smem:$0x3FB2] =	sst s8  }
0x11: {  	[smem:$0x3FB3] =	sst s9;
	s0 =	simm.s32 @!p0 $0x0  }
0x12: {  	s1 =	sld [smem:$0x3F99];
	s0 =	simm.s32 @p0 $0x1  }
0x13: {  	[smem:$0x3FB4] =	sst s0;
	s0 =	simm.s32 @!p1 $0x0  }
0x14: {  	s2 =	sld [smem:$0x3F98];
	s0 =	simm.s32 @p1 $0x1  }
0x15: {  	[smem:$0x3FB5] =	sst s0;
	s0 =	simm.s32 @!p2 $0x0  }
0x16: {  	s3 =	sld [smem:$0x3FDB];
	s0 =	simm.s32 @p2 $0x1  }
0x17: {  	s4 =	simm.s32 $0x1BF5;
	[smem:$0x3FB7] =	sst s0  }
0x18: {  	s0 =	sld [smem:$0x3F9A];
	_ =	swait.ge [sflag:s4], $0x0  }
0x19: {  	s7 =	sld [smem:$0x3F9B]  }
0x1a: {  	s8 =	sadd.s32 $0xFFFFE003, lr  }
0x1b: {  	s9 =	sadd.s32 $0xFFFFFEF7, lr;
	s5 =	simm.s32 $0xFFFFFFFF;
	p2 =	slt.u32 s8, $0xFFFFF086  }
0x1c: {  	p1 =	slt.u32 s9, $0xF7A;
	s5 =	simm.s32 @!p2 $0x0  }
0x1d: {  	s5 =	simm.s32 @p1 $0x1;
	p0 =	seq.s32 s7, s2  }
0x1e: {  	s7 =	smul.u32 @!p0 $0xF7A, s2;
	p2 =	seq.s32 @!p0 s5, $0x0  }
0x1f: {  	s9 =	smul.u32 $0xF7A, s1;
	s8 =	simm.s32 @!p0 $0x1BF5;
	p2 =	por !p2, p0  }
0x20: {  	[sflag:s8] =	ssyncset.s32 @!p0 $0xFFFFF086;
	s6 =	sadd.s32 @!p0 s3, s7;
	s7 =	simm.s32 @!p0 $0x108  }
0x21: {  	s3 =	sadd.s32 s3, s9;
	s6 =	sadd.s32 @!p0 $0x88, s6;
	s7 =	simm.s32 @p2 $0x1082  }
0x22: {  	[simem:s7], [sflag:s8] =	dma.local @!p0 [hbm:s6], $0xF7A  }
0x23: {  	s9 =	sor.u32 $0xD0000000, s2;
	s6 =	simm.s32 $0x108;
	_ =	swait.ge @!p0 [sflag:s8], $0x0  }
0x24: {  	s3 =	sadd.s32 $0x88, s3;
	s6 =	simm.s32 @!p1 $0x1082;
	[sflag:s4] =	ssyncset.s32 $0xFFFFF086  }
0x25: {  	[simem:s6], [sflag:s4] =	dma.local [hbm:s3], $0xF7A  }
0x26: {  	[smem:$0x3F9B] =	sst s1;
	(tag) =	ssettag s2;
	_ =	strace s9  }
0x27: {  	s1 =	sld [smem:$0x3FAB]  }
0x28: {  	s2 =	sld [smem:$0x3FAC]  }
0x29: {  	s4 =	sld [smem:$0x3FAE]  }
0x2a: {  	p0 =	seq.s32 s5, $0x0;
	s5 =	sld [smem:$0x3FAF]  }
0x2b: {  	s6 =	sld [smem:$0x3FB0]  }
0x2c: {  	s7 =	sld [smem:$0x3FB1]  }
0x2d: {  	s3 =	simm.s32 $0x108;
	s8 =	sld [smem:$0x3FB2]  }
0x2e: {  	s3 =	simm.s32 @!p0 $0x1082;
	s9 =	sld [smem:$0x3FB3]  }
0x2f: {  	lr =	sadd.s32 s0, s3;
	s0 =	sld [smem:$0x3FAA]  }
0x30: {  	s3 =	sld [smem:$0x3FAD]  }
0x31: {  	[smem:$0x3FB6] =	sst s10  }
0x32: {  	s10 =	sld [smem:$0x3FB4];
	_ =	sdelay $0x3  }
0x33: {  	p0 =	seq.s32 s10, $0x1;
	s10 =	sld [smem:$0x3FB6];
	_ =	sdelay $0x3  }
0x34: {  	[smem:$0x3FB6] =	sst s10  }
0x35: {  	s10 =	sld [smem:$0x3FB5];
	_ =	sdelay $0x3  }
0x36: {  	p1 =	seq.s32 s10, $0x1;
	s10 =	sld [smem:$0x3FB6];
	_ =	sdelay $0x3  }
0x37: {  	[smem:$0x3FB6] =	sst s10  }
0x38: {  	s10 =	sld [smem:$0x3FB7]  }
0x39: {  	_ = 	snop;
	(pc) =	sbr.ind lr, $3  }
0x3a: {  	_ = 	snop  }
0x3b: {  	_ = 	snop  }
0x3c: {  	p2 =	seq.s32 s10, $0x1;
	s10 =	sld [smem:$0x3FB6]  }
0x3d: {  	_ =	shalt  }
0x3e: {  	_ =	shalt  }
0x3f: {  	_ =	shalt  }
0x40: {  	_ =	shalt  }
0x41: {  	_ =	shalt  }
0x42: {  	_ =	shalt  }
0x43: {  	_ =	shalt  }
0x44: {  	_ =	shalt  }
0x45: {  	_ =	shalt  }
0x46: {  	_ =	shalt  }
0x47: {  	_ =	shalt  }
0x48: {  	_ =	shalt  }
0x49: {  	_ =	shalt  }
0x4a: {  	_ =	shalt  }
0x4b: {  	_ =	shalt  }
0x4c: {  	_ =	shalt  }
0x4d: {  	_ =	shalt  }
0x4e: {  	_ =	shalt  }
0x4f: {  	_ =	shalt  }
0x50: {  	_ =	shalt  }
0x51: {  	_ =	shalt  }
0x52: {  	_ =	shalt  }
0x53: {  	_ =	shalt  }
0x54: {  	_ =	shalt  }
0x55: {  	_ =	shalt  }
0x56: {  	_ =	shalt  }
0x57: {  	_ =	shalt  }
0x58: {  	_ =	shalt  }
0x59: {  	_ =	shalt  }
0x5a: {  	_ =	shalt  }
0x5b: {  	_ =	shalt  }
0x5c: {  	_ =	shalt  }
0x5d: {  	_ =	shalt  }
0x5e: {  	_ =	shalt  }
0x5f: {  	_ =	shalt  }
0x60: {  	_ =	shalt  }
0x61: {  	_ =	shalt  }
0x62: {  	_ =	shalt  }
0x63: {  	_ =	shalt  }
0x64: {  	_ =	shalt  }
0x65: {  	_ =	shalt  }
0x66: {  	_ =	shalt  }
0x67: {  	_ =	shalt  }
0x68: {  	_ =	shalt  }
0x69: {  	_ =	shalt  }
0x6a: {  	_ =	shalt  }
0x6b: {  	_ =	shalt  }
0x6c: {  	_ =	shalt  }
0x6d: {  	_ =	shalt  }
0x6e: {  	_ =	shalt  }
0x6f: {  	_ =	shalt  }
0x70: {  	_ =	shalt  }
0x71: {  	_ =	shalt  }
0x72: {  	_ =	shalt  }
0x73: {  	_ =	shalt  }
0x74: {  	_ =	shalt  }
0x75: {  	_ =	shalt  }
0x76: {  	_ =	shalt  }
0x77: {  	_ =	shalt  }
0x78: {  	_ =	shalt  }
0x79: {  	_ =	shalt  }
0x7a: {  	_ =	shalt  }
0x7b: {  	_ =	shalt  }
0x7c: {  	_ =	shalt  }
0x7d: {  	_ =	shalt  }
0x7e: {  	_ =	shalt  }
0x7f: {  	_ =	shalt  }
0x80: {  	_ =	shalt  }
0x81: {  	_ =	shalt  }
0x82: {  	_ =	shalt  }
0x83: {  	_ =	shalt  }
0x84: {  	_ =	shalt  }
0x85: {  	_ =	shalt  }
0x86: {  	_ =	shalt  }
0x87: {  	_ =	shalt  }
.Lfunc_end0:
.L_simem_size_0:
called_computation.1_lowered:
.L_overlay_start_0:
0x88: {  	s2 =	sld [smem:$0x3FD9]  }
0x89: {  	s3 =	sld [smem:$0x3FFE];
	_ =	sdelay $0x1  }
0x8a: {  	s1 =	srdreg.scid  }
0x8b: {  	s0 =	sand.u32 $0x1, s1  }
0x8c: {  	s17 =	sshll.u32 s0, $0xA;
	s2 =	sadd.s32 s3, s2  }
0x8d: {  	s2 =	sadd.s32 s2, s17  }
0x8e: {  	[smem:$0x3FC2] =	sst s2  }
0x8f: {  	_ = 	snop  }
0x90: {  	s2 =	sld [smem:$0x3FD0];
	(tm) =	ssettm $0x1  }
0x91: {  	s18 =	sld [smem:$0x3FFB];
	_ =	sdelay $0x3  }
0x92: {  	_ =	strace s18  }
0x93: {  	s3 =	sld [smem:$0x3FFC];
	_ =	sdelay $0x3  }
0x94: {  	_ =	strace s3  }
0x95: {  	s3 =	sld [smem:$0x3FFD];
	_ =	sdelay $0x3  }
0x96: {  	_ =	strace s3  }
0x97: {  	_ =	strace $0x8FFFFFFF  }
0x98: {  	s19 =	sld [smem:$0x3FDB];
	_ =	sdelay $0x1  }
0x99: {  	s4 =	simm.s32 $_scs_section_size  }
0x9a: {  	s5 =	simm.s32 $_size__tile_overlayer_lowered;
	s6 =	simm.s32 $_tile_overlayer_lowered  }
0x9b: {  	s22 =	simm.s32 $0x1BFF;
	s21 =	sshll.u32 s6, $0x1;
	s3 =	sadd.s32 s4, s19  }
0x9c: {  	s7 =	simm.s32 $0x0;
	s20 =	sshll.u32 s5, $0x1;
	s5 =	sadd.s32 s21, s3  }
0x9d: {  	[timem:s7], [sflag:s22] =	dma.local [hbm:s5], s20  }
0x9e: {  	_ =	swait.ge [sflag:s22], s20  }
0x9f: {  	s4 =	ssub.s32 $0x0, s20;
	[sflag:s22] =	ssyncset.done $0x0  }
0xa0: {  	[sflag:s22] =	ssyncadd.s32 s4;
	_ =	sdelay $0x1  }
0xa1: {  	s23 =	simm.s32 $0x1B8B  }
0xa2: {  	_ =	swait.ge [sflag:s23], $0x1  }
0xa3: {  	[sflag:s23] =	ssyncset.done $0x0  }
0xa4: {  	s25 =	simm.s32 $0x1B8E;
	s24 =	sld [smem:$0x3FFE];
	[sflag:s23] =	ssyncadd.s32 $0xFFFFFFFF  }
0xa5: {  	s26 =	simm.s32 $execute0_lowered;
	[smem:$0x3FD2] =	sst s25  }
0xa6: {  	s5 =	sshll.u32 s26, $0x1;
	_ =	strace $0x80000049;
	[dreg:$0x1] =	wrdreg $0xFFFFFFFF  }
0xa7: {  	s28 =	simm.s32 $_size_execute0_lowered;
	s3 =	sadd.s32 s3, s5;
	[dreg:$0x0] =	wrdreg $0x0  }
0xa8: {  	s5 =	sshll.u32 s28, $0x1;
	[dreg:$0x2] =	wrdreg s3  }
0xa9: {  	[dreg:$0x3] =	wrdreg s5  }
0xaa: {  	[dreg:$0x4] =	wrdreg $0xC0  }
0xab: {  	_ =	task [dreg:s7], $0x5FFFF  }
0xac: {  	[dreg:$0x1] =	wrdreg $0xFFFFFFFF  }
0xad: {  	[dreg:$0x0] =	wrdreg $0x60  }
0xae: {  	[dreg:$0x2] =	wrdreg s24  }
0xaf: {  	[dreg:$0x3] =	wrdreg s2  }
0xb0: {  	[dreg:$0x4] =	wrdreg $0xA8000  }
0xb1: {  	[dreg:$0x5] =	wrdreg $0x9  }
0xb2: {  	_ =	task.clear_ibuf [dreg:s7], $0x6FFFF;
	_ =	strace $0x90000049  }
0xb3: {  	s29 =	simm.s32 $0x9;
	_ =	strace $0x8000004B  }
0xb4: {  	_ =	swait.ge [sflag:s29], $0x1  }
0xb5: {  	[sflag:s29] =	ssyncadd.s32 $0xFFFFFFFF  }
0xb6: {  	_ =	strace $0x9000004B  }
0xb7: {  	_ =	sfence  }
0xb8: {  	s30 =	sld [smem:$0x0];
	_ =	sdelay $0x2  }
0xb9: {  	s31 =	sshll.u32 s1, $0xD;
	s1 =	sshrl.u32 s1, $0x2  }
0xba: {  	s3 =	sand.u32 $0x4000, s31;
	s1 =	sadd.s32 s1, s30  }
0xbb: {  	s0 =	sor.u32 s3, s0;
	s1 =	sshll.u32 s1, $0x11  }
0xbc: {  	s0 =	sor.u32 s1, s0  }
0xbd: {  	s0 =	sadd.s32 $0x8F2B, s0  }
0xbe: {  	[sflag:s0] =	ssyncadd.remote.s32 $0x1  }
0xbf: {  	_ =	sfence.sel $0xFFFF  }
0xc0: {  	[dreg:$0x0] =	wrdreg $0xFFFFFFFF;
	(pc) =	sbr.abs _section_cstart, $3  }
0xc1: {  	[dreg:$0x1] =	wrdreg $0xFFFFFFFF  }
0xc2: {  	_ =	task.clear_ibuf [dreg:s7], $0x2FFFF;
	_ =	strace $0x9FFFFFFF  }
0xc3: {  	(tm) =	ssettm $0x7FFFFFFF  }
tec
execute0_lowered:
.L_overlay_start_1:
0x0: {  	(tag) =	ssettag $0x1  }
0x1: {  	s0 =	rddreg [dreg:$0x0]  }
0x2: {  	s2 =	rddreg [dreg:$0x1]  }
0x3: {  	s1 =	rddreg [dreg:$0x2]  }
0x4: {  	s3 =	simm.s32 $0x0;
	s5 =	srdreg.scid;
	s17 =	stileid.u32  }
0x5: {  	s16 =	simm.s32 $0x86600;
	s18 =	simm.s32 $0x1400;
	s19 =	simm.s32 $0x80  }
0x6: {  	s20 =	simm.s32 $0x6800;
	s21 =	simm.s32 $0x1;
	s22 =	simm.s32 $0x3  }
0x7: {  	s23 =	simm.s32 $0x100;
	s24 =	simm.s32 $0x2;
	s28 =	simm.s32 $0x1380  }
0x8: {  	s29 =	simm.s32 $0x2700;
	s30 =	simm.s32 $0x2780;
	s31 =	simm.s32 $0x0  }
0x9: {  	[smem:$0x7FF] =	sst s3;
	s4 =	sadd.s32 $0xE600, s0;
	s11 =	sand.u32 $0x1, s5  }
0xa: {  	s25 =	smul.u32 $0x50000, s17;
	s13 =	sadd.s32 $0x4600, s0;
	_ =	strace $0x8000004A  }
0xb: {  	s6 =	ssub.s32 $0x2, s11;
	s7 =	sshll.u32 s11, $0x4;
	p0 =	seq.s32 s11, $0x1  }
0xc: {  	s8 =	sshrl.u32 s6, $0x1;
	s9 =	sor.u32 s17, s7;
	s5 =	sshrl.u32 s25, $0x2  }
0xd: {  	s17 =	smul.u32 $0x2800, s17;
	s16 =	simm.s32 @!p0 $0x5E600;
	s25 =	simm.s32 $0x1480  }
0xe: {  	s14 =	ssub.s32 s6, s8;
	s5 =	sadd.s32 s5, s1;
	s12 =	smul.u32 $0x500, s9  }
0xf: {  	s15 =	smul.u32 $0x2800, s9;
	s0 =	sadd.s32 s16, s0;
	s16 =	simm.s32 $0x2800  }
0x10: {  	s26 =	sadd.s32 $0x4000, s5;
	s7 =	sadd.s32 $0x8000, s5;
	s8 =	sadd.s32 $0xC000, s5  }
0x11: {  	s9 =	sadd.s32 $0x10000, s5;
	s14 =	smax.u32 s14, $0x1;
	s15 =	sshrl.u32 s15, $0x3  }
0x12: {  	[dreg:$0x4] =	wrdreg s26;
	s10 =	sadd.s32 s2, s12;
	s15 =	sadd.s32 $0x280, s15  }
0x13: {  	s11 =	sadd.s32 s13, s12;
	s26 =	simm.s32 $0x4;
	s12 =	sadd.s32 s2, s15  }
0x14: {  	v0 =	vimm.f32 $0.0e+00;
	s13 =	sadd.s32 s13, s15;
	s15 =	sadd.s32 s0, s17;
	s17 =	simm.s32 $0x5  }
.LBB2_1:
0x15: {  	s0 =	simm.s32 $0x0;
	s2 =	simm.s32 $0x200  }
.LBB2_2:
0x16: {  	p0 =	sne.s32 s2, $0xFE00;
	[tilespmem:s0+$0x2870] =	vst v0  }
0x17: {  	[tilespmem:s0+$0x2800] =	vst v0  }
0x18: {  	[tilespmem:s0+$0x2810] =	vst v0  }
.Ltmp0:
0x19: {  	[tilespmem:s0+$0x2820] =	vst v0;
	(pc) =	sbr.rel @p0 .LBB2_2-.Ltmp0, $4  }
0x1a: {  	[tilespmem:s0+$0x2830] =	vst v0  }
0x1b: {  	[tilespmem:s0+$0x2840] =	vst v0  }
0x1c: {  	[tilespmem:s0+$0x2850] =	vst v0  }
0x1d: {  	[tilespmem:s0+$0x2860] =	vst v0;
	s0 =	sshra.s32 s2, $0x2;
	s2 =	sadd.s32 $0x200, s2  }
0x1e: {  	[tilespmem:s0+$0x2870] =	vst v0  }
0x1f: {  	[tilespmem:s0+$0x2800] =	vst v0  }
0x20: {  	[tilespmem:s0+$0x2810] =	vst v0  }
0x21: {  	[tilespmem:s0+$0x2820] =	vst v0  }
0x22: {  	[tilespmem:s0+$0x2830] =	vst v0  }
0x23: {  	[tilespmem:s0+$0x2840] =	vst v0  }
0x24: {  	[tilespmem:s0+$0x2850] =	vst v0  }
0x25: {  	[tilespmem:s0+$0x2860] =	vst v0  }
0x26: {  	[spmem:s5] =	stream.linear.scatter [tilespmem:s16], [sflag:$0x5], $0x4000, $0x38;
	[tilespmem:$0x1E800] =	vst v63  }
0x27: {  	_ =	swait.ge [sflag:s17], $0x4000  }
0x28: {  	[sflag:s17] =	ssyncset.done $0x0  }
0x29: {  	s2 =	rddreg [dreg:$0x4];
	[sflag:s17] =	ssyncadd.s32 $0xFFFFC000  }
0x2a: {  	[spmem:s2] =	stream.linear.scatter [tilespmem:s16], [sflag:$0x5], $0x4000, $0x38;
	[tilespmem:$0x1E800] =	vst v63  }
0x2b: {  	_ =	swait.ge [sflag:s17], $0x4000  }
0x2c: {  	[sflag:s17] =	ssyncset.done $0x0  }
0x2d: {  	[sflag:s17] =	ssyncadd.s32 $0xFFFFC000  }
0x2e: {  	[spmem:s7] =	stream.linear.scatter [tilespmem:s16], [sflag:$0x5], $0x4000, $0x38;
	[tilespmem:$0x1E800] =	vst v63  }
0x2f: {  	_ =	swait.ge [sflag:s17], $0x4000  }
0x30: {  	[sflag:s17] =	ssyncset.done $0x0  }
0x31: {  	[sflag:s17] =	ssyncadd.s32 $0xFFFFC000  }
0x32: {  	[spmem:s8] =	stream.linear.scatter [tilespmem:s16], [sflag:$0x5], $0x4000, $0x38;
	[tilespmem:$0x1E800] =	vst v63  }
0x33: {  	_ =	swait.ge [sflag:s17], $0x4000  }
0x34: {  	[sflag:s17] =	ssyncset.done $0x0  }
0x35: {  	[sflag:s17] =	ssyncadd.s32 $0xFFFFC000  }
0x36: {  	[spmem:s9] =	stream.linear.scatter [tilespmem:s16], [sflag:$0x5], $0x4000, $0x38;
	[tilespmem:$0x1E800] =	vst v63  }
0x37: {  	_ =	swait.ge [sflag:s17], $0x4000  }
0x38: {  	[sflag:s17] =	ssyncset.done $0x0  }
0x39: {  	[sflag:s17] =	ssyncadd.s32 $0xFFFFC000  }
0x3a: {  	[bflag:$0x0] =	sbarrier.arrive $0xFFFF  }
0x3b: {  	[tilespmem:s3], [sflag:$0x5] =	stream.linear.gather [hbm4b:s10+s3], $0x1400, $0x38;
	[tilespmem:$0x1E800] =	vst v63  }
0x3c: {  	_ =	swait.ge [sflag:s17], $0x1400  }
0x3d: {  	[sflag:s17] =	ssyncset.done $0x0  }
0x3e: {  	[sflag:s17] =	ssyncadd.s32 $0xFFFFEC00  }
0x3f: {  	[tilespmem:s18], [sflag:$0x5] =	stream.linear.gather [hbm4b:s11+s3], $0x1400, $0x38;
	[tilespmem:$0x1E800] =	vst v63  }
0x40: {  	_ =	swait.ge [sflag:s17], $0x1400  }
0x41: {  	[sflag:s17] =	ssyncset.done $0x0  }
0x42: {  	[sflag:s17] =	ssyncadd.s32 $0xFFFFEC00  }
0x43: {  	[tilespmem:s16], [sflag:$0x1] =	stream.indirect.gather [hbm4b:s4+s19], $0x80, s3, s19, $0xb8;
	[tilespmem:$0x1E800] =	vst v63  }
0x44: {  	_ = 	snop  }
0x45: {  	[tilespmem:s20], [sflag:$0x2] =	stream.indirect.gather [hbm4b:s4+s19], $0x80, s19, s19, $0xb8;
	[tilespmem:$0x1E800] =	vst v63  }
0x46: {  	_ =	swait.ge [sflag:s21], $0x4000  }
0x47: {  	[sflag:s21] =	ssyncset.done $0x0  }
0x48: {  	[sflag:s21] =	ssyncadd.s32 $0xFFFFC000  }
0x49: {  	[spmem:s1] =	stream.indirect.scatter.add.f32 [tilespmem:s16], [sflag:$0x3], $0x80, s18, s19, $0xb8;
	[tilespmem:$0x1E800] =	vst v63  }
0x4a: {  	_ =	swait.ge [sflag:s22], $0x4000  }
0x4b: {  	[sflag:s22] =	ssyncset.done $0x0  }
0x4c: {  	[sflag:s22] =	ssyncadd.s32 $0xFFFFC000  }
0x4d: {  	[tilespmem:s16], [sflag:$0x1] =	stream.indirect.gather [hbm4b:s4+s19], $0x80, s23, s19, $0xb8;
	[tilespmem:$0x1E800] =	vst v63  }
0x4e: {  	_ =	swait.ge [sflag:s24], $0x4000  }
0x4f: {  	[sflag:s24] =	ssyncset.done $0x0  }
0x50: {  	[sflag:s24] =	ssyncadd.s32 $0xFFFFC000  }
0x51: {  	[spmem:s1] =	stream.indirect.scatter.add.f32 [tilespmem:s20], [sflag:$0x4], $0x80, s25, s19, $0xb8;
	[tilespmem:$0x1E800] =	vst v63  }
0x52: {  	_ =	swait.ge [sflag:s26], $0x4000  }
0x53: {  	[sflag:s26] =	ssyncset.done $0x0  }
0x54: {  	s6 =	simm.s32 $0x180;
	[sflag:s26] =	ssyncadd.s32 $0xFFFFC000  }
0x55: {  	[tilespmem:s20], [sflag:$0x2] =	stream.indirect.gather [hbm4b:s4+s19], $0x80, s6, s19, $0xb8;
	[tilespmem:$0x1E800] =	vst v63  }
0x56: {  	_ =	swait.ge [sflag:s21], $0x4000  }
0x57: {  	[sflag:s21] =	ssyncset.done $0x0  }
0x58: {  	s2 =	simm.s32 $0x1500;
	[sflag:s21] =	ssyncadd.s32 $0xFFFFC000  }
0x59: {  	[spmem:s1] =	stream.indirect.scatter.add.f32 [tilespmem:s16], [sflag:$0x3], $0x80, s2, s19, $0xb8;
	[tilespmem:$0x1E800] =	vst v63  }
0x5a: {  	_ =	swait.ge [sflag:s22], $0x4000  }
0x5b: {  	[sflag:s22] =	ssyncset.done $0x0  }
0x5c: {  	s6 =	simm.s32 $0x200;
	[sflag:s22] =	ssyncadd.s32 $0xFFFFC000  }
0x5d: {  	[tilespmem:s16], [sflag:$0x1] =	stream.indirect.gather [hbm4b:s4+s19], $0x80, s6, s19, $0xb8;
	[tilespmem:$0x1E800] =	vst v63  }
0x5e: {  	_ =	swait.ge [sflag:s24], $0x4000  }
0x5f: {  	[sflag:s24] =	ssyncset.done $0x0  }
0x60: {  	s0 =	simm.s32 $0xFFFFBC00;
	s2 =	simm.s32 $0x1580;
	[sflag:s24] =	ssyncadd.s32 $0xFFFFC000  }
.LBB2_4:
0x61: {  	[spmem:s1] =	stream.indirect.scatter.add.f32 [tilespmem:s20], [sflag:$0x4], $0x80, s2, s19, $0xb8;
	[tilespmem:$0x1E800] =	vst v63  }
0x62: {  	s2 =	smov.u32 s0  }
0x63: {  	p0 =	sne.s32 s0, $0xFFFFFC00;
	s0 =	sadd.s32 $0x400, s0;
	_ =	swait.ge [sflag:s26], $0x4000  }
0x64: {  	s2 =	sshra.s32 s2, $0x2;
	[sflag:s26] =	ssyncset.done $0x0  }
0x65: {  	s6 =	sadd.s32 $0x1380, s2;
	[sflag:s26] =	ssyncadd.s32 $0xFFFFC000  }
0x66: {  	[tilespmem:s20], [sflag:$0x2] =	stream.indirect.gather [hbm4b:s4+s19], $0x80, s6, s19, $0xb8;
	[tilespmem:$0x1E800] =	vst v63  }
0x67: {  	_ =	swait.ge [sflag:s21], $0x4000  }
0x68: {  	[sflag:s21] =	ssyncset.done $0x0  }
0x69: {  	s6 =	sadd.s32 $0x2700, s2;
	[sflag:s21] =	ssyncadd.s32 $0xFFFFC000  }
0x6a: {  	[spmem:s1] =	stream.indirect.scatter.add.f32 [tilespmem:s16], [sflag:$0x3], $0x80, s6, s19, $0xb8;
	[tilespmem:$0x1E800] =	vst v63  }
0x6b: {  	_ =	swait.ge [sflag:s22], $0x4000  }
0x6c: {  	[sflag:s22] =	ssyncset.done $0x0  }
.Ltmp1:
0x6d: {  	s6 =	sadd.s32 $0x1400, s2;
	[sflag:s22] =	ssyncadd.s32 $0xFFFFC000;
	(pc) =	sbr.rel @p0 .LBB2_4-.Ltmp1, $4  }
0x6e: {  	[tilespmem:s16], [sflag:$0x1] =	stream.indirect.gather [hbm4b:s4+s19], $0x80, s6, s19, $0xb8;
	[tilespmem:$0x1E800] =	vst v63  }
0x6f: {  	_ =	swait.ge [sflag:s24], $0x4000  }
0x70: {  	[sflag:s24] =	ssyncset.done $0x0  }
0x71: {  	s2 =	sadd.s32 $0x2780, s2;
	[sflag:s24] =	ssyncadd.s32 $0xFFFFC000  }
0x72: {  	[spmem:s1] =	stream.indirect.scatter.add.f32 [tilespmem:s20], [sflag:$0x4], $0x80, s2, s19, $0xb8;
	[tilespmem:$0x1E800] =	vst v63  }
0x73: {  	_ =	swait.ge [sflag:s26], $0x4000  }
0x74: {  	[sflag:s26] =	ssyncset.done $0x0  }
0x75: {  	[sflag:s26] =	ssyncadd.s32 $0xFFFFC000  }
0x76: {  	[tilespmem:s20], [sflag:$0x2] =	stream.indirect.gather [hbm4b:s4+s19], $0x80, s28, s19, $0xb8;
	[tilespmem:$0x1E800] =	vst v63  }
0x77: {  	_ =	swait.ge [sflag:s21], $0x4000  }
0x78: {  	[sflag:s21] =	ssyncset.done $0x0  }
0x79: {  	[sflag:s21] =	ssyncadd.s32 $0xFFFFC000  }
0x7a: {  	[spmem:s1] =	stream.indirect.scatter.add.f32 [tilespmem:s16], [sflag:$0x3], $0x80, s29, s19, $0xb8;
	[tilespmem:$0x1E800] =	vst v63  }
0x7b: {  	_ =	swait.ge [sflag:s22], $0x4000  }
0x7c: {  	[sflag:s22] =	ssyncset.done $0x0  }
0x7d: {  	[sflag:s22] =	ssyncadd.s32 $0xFFFFC000  }
0x7e: {  	_ =	swait.ge [sflag:s24], $0x4000  }
0x7f: {  	[sflag:s24] =	ssyncset.done $0x0  }
0x80: {  	[sflag:s24] =	ssyncadd.s32 $0xFFFFC000  }
0x81: {  	[spmem:s1] =	stream.indirect.scatter.add.f32 [tilespmem:s20], [sflag:$0x4], $0x80, s30, s19, $0xb8;
	[tilespmem:$0x1E800] =	vst v63  }
0x82: {  	_ =	swait.ge [sflag:s26], $0x4000  }
0x83: {  	[sflag:s26] =	ssyncset.done $0x0  }
0x84: {  	[sflag:s26] =	ssyncadd.s32 $0xFFFFC000  }
0x85: {  	[tilespmem:s3], [sflag:$0x5] =	stream.linear.gather [hbm4b:s12+s3], $0x1400, $0x38;
	[tilespmem:$0x1E800] =	vst v63  }
0x86: {  	_ =	swait.ge [sflag:s17], $0x1400  }
0x87: {  	[sflag:s17] =	ssyncset.done $0x0  }
0x88: {  	[sflag:s17] =	ssyncadd.s32 $0xFFFFEC00  }
0x89: {  	[tilespmem:s18], [sflag:$0x5] =	stream.linear.gather [hbm4b:s13+s3], $0x1400, $0x38;
	[tilespmem:$0x1E800] =	vst v63  }
0x8a: {  	_ =	swait.ge [sflag:s17], $0x1400  }
0x8b: {  	[sflag:s17] =	ssyncset.done $0x0  }
0x8c: {  	[sflag:s17] =	ssyncadd.s32 $0xFFFFEC00  }
0x8d: {  	[tilespmem:s16], [sflag:$0x1] =	stream.indirect.gather [hbm4b:s4+s19], $0x80, s3, s19, $0xb8;
	[tilespmem:$0x1E800] =	vst v63  }
0x8e: {  	_ = 	snop  }
0x8f: {  	[tilespmem:s20], [sflag:$0x2] =	stream.indirect.gather [hbm4b:s4+s19], $0x80, s19, s19, $0xb8;
	[tilespmem:$0x1E800] =	vst v63  }
0x90: {  	_ =	swait.ge [sflag:s21], $0x4000  }
0x91: {  	[sflag:s21] =	ssyncset.done $0x0  }
0x92: {  	[sflag:s21] =	ssyncadd.s32 $0xFFFFC000  }
0x93: {  	[spmem:s1] =	stream.indirect.scatter.add.f32 [tilespmem:s16], [sflag:$0x3], $0x80, s18, s19, $0xb8;
	[tilespmem:$0x1E800] =	vst v63  }
0x94: {  	_ =	swait.ge [sflag:s22], $0x4000  }
0x95: {  	[sflag:s22] =	ssyncset.done $0x0  }
0x96: {  	[sflag:s22] =	ssyncadd.s32 $0xFFFFC000  }
0x97: {  	[tilespmem:s16], [sflag:$0x1] =	stream.indirect.gather [hbm4b:s4+s19], $0x80, s23, s19, $0xb8;
	[tilespmem:$0x1E800] =	vst v63  }
0x98: {  	_ =	swait.ge [sflag:s24], $0x4000  }
0x99: {  	[sflag:s24] =	ssyncset.done $0x0  }
0x9a: {  	[sflag:s24] =	ssyncadd.s32 $0xFFFFC000  }
0x9b: {  	[spmem:s1] =	stream.indirect.scatter.add.f32 [tilespmem:s20], [sflag:$0x4], $0x80, s25, s19, $0xb8;
	[tilespmem:$0x1E800] =	vst v63  }
0x9c: {  	_ =	swait.ge [sflag:s26], $0x4000  }
0x9d: {  	[sflag:s26] =	ssyncset.done $0x0  }
0x9e: {  	s0 =	simm.s32 $0x180;
	[sflag:s26] =	ssyncadd.s32 $0xFFFFC000  }
0x9f: {  	[tilespmem:s20], [sflag:$0x2] =	stream.indirect.gather [hbm4b:s4+s19], $0x80, s0, s19, $0xb8;
	[tilespmem:$0x1E800] =	vst v63  }
0xa0: {  	_ =	swait.ge [sflag:s21], $0x4000  }
0xa1: {  	[sflag:s21] =	ssyncset.done $0x0  }
0xa2: {  	s2 =	simm.s32 $0x1500;
	[sflag:s21] =	ssyncadd.s32 $0xFFFFC000  }
0xa3: {  	[spmem:s1] =	stream.indirect.scatter.add.f32 [tilespmem:s16], [sflag:$0x3], $0x80, s2, s19, $0xb8;
	[tilespmem:$0x1E800] =	vst v63  }
0xa4: {  	_ =	swait.ge [sflag:s22], $0x4000  }
0xa5: {  	[sflag:s22] =	ssyncset.done $0x0  }
0xa6: {  	s6 =	simm.s32 $0x200;
	[sflag:s22] =	ssyncadd.s32 $0xFFFFC000  }
0xa7: {  	[tilespmem:s16], [sflag:$0x1] =	stream.indirect.gather [hbm4b:s4+s19], $0x80, s6, s19, $0xb8;
	[tilespmem:$0x1E800] =	vst v63  }
0xa8: {  	_ =	swait.ge [sflag:s24], $0x4000  }
0xa9: {  	[sflag:s24] =	ssyncset.done $0x0  }
0xaa: {  	s0 =	simm.s32 $0xFFFFBC00;
	s2 =	simm.s32 $0x1580;
	[sflag:s24] =	ssyncadd.s32 $0xFFFFC000  }
.LBB2_6:
0xab: {  	[spmem:s1] =	stream.indirect.scatter.add.f32 [tilespmem:s20], [sflag:$0x4], $0x80, s2, s19, $0xb8;
	[tilespmem:$0x1E800] =	vst v63  }
0xac: {  	s2 =	smov.u32 s0  }
0xad: {  	p0 =	sne.s32 s0, $0xFFFFFC00;
	s0 =	sadd.s32 $0x400, s0;
	_ =	swait.ge [sflag:s26], $0x4000  }
0xae: {  	s2 =	sshra.s32 s2, $0x2;
	[sflag:s26] =	ssyncset.done $0x0  }
0xaf: {  	s6 =	sadd.s32 $0x1380, s2;
	[sflag:s26] =	ssyncadd.s32 $0xFFFFC000  }
0xb0: {  	[tilespmem:s20], [sflag:$0x2] =	stream.indirect.gather [hbm4b:s4+s19], $0x80, s6, s19, $0xb8;
	[tilespmem:$0x1E800] =	vst v63  }
0xb1: {  	_ =	swait.ge [sflag:s21], $0x4000  }
0xb2: {  	[sflag:s21] =	ssyncset.done $0x0  }
0xb3: {  	s6 =	sadd.s32 $0x2700, s2;
	[sflag:s21] =	ssyncadd.s32 $0xFFFFC000  }
0xb4: {  	[spmem:s1] =	stream.indirect.scatter.add.f32 [tilespmem:s16], [sflag:$0x3], $0x80, s6, s19, $0xb8;
	[tilespmem:$0x1E800] =	vst v63  }
0xb5: {  	_ =	swait.ge [sflag:s22], $0x4000  }
0xb6: {  	[sflag:s22] =	ssyncset.done $0x0  }
.Ltmp2:
0xb7: {  	s6 =	sadd.s32 $0x1400, s2;
	[sflag:s22] =	ssyncadd.s32 $0xFFFFC000;
	(pc) =	sbr.rel @p0 .LBB2_6-.Ltmp2, $4  }
0xb8: {  	[tilespmem:s16], [sflag:$0x1] =	stream.indirect.gather [hbm4b:s4+s19], $0x80, s6, s19, $0xb8;
	[tilespmem:$0x1E800] =	vst v63  }
0xb9: {  	_ =	swait.ge [sflag:s24], $0x4000  }
0xba: {  	[sflag:s24] =	ssyncset.done $0x0  }
0xbb: {  	s2 =	sadd.s32 $0x2780, s2;
	[sflag:s24] =	ssyncadd.s32 $0xFFFFC000  }
0xbc: {  	[spmem:s1] =	stream.indirect.scatter.add.f32 [tilespmem:s20], [sflag:$0x4], $0x80, s2, s19, $0xb8;
	[tilespmem:$0x1E800] =	vst v63  }
0xbd: {  	_ =	swait.ge [sflag:s26], $0x4000  }
0xbe: {  	[sflag:s26] =	ssyncset.done $0x0  }
0xbf: {  	[sflag:s26] =	ssyncadd.s32 $0xFFFFC000  }
0xc0: {  	[tilespmem:s20], [sflag:$0x2] =	stream.indirect.gather [hbm4b:s4+s19], $0x80, s28, s19, $0xb8;
	[tilespmem:$0x1E800] =	vst v63  }
0xc1: {  	_ =	swait.ge [sflag:s21], $0x4000  }
0xc2: {  	[sflag:s21] =	ssyncset.done $0x0  }
0xc3: {  	[sflag:s21] =	ssyncadd.s32 $0xFFFFC000  }
0xc4: {  	[spmem:s1] =	stream.indirect.scatter.add.f32 [tilespmem:s16], [sflag:$0x3], $0x80, s29, s19, $0xb8;
	[tilespmem:$0x1E800] =	vst v63  }
0xc5: {  	_ =	swait.ge [sflag:s22], $0x4000  }
0xc6: {  	[sflag:s22] =	ssyncset.done $0x0  }
0xc7: {  	[sflag:s22] =	ssyncadd.s32 $0xFFFFC000  }
0xc8: {  	_ =	swait.ge [sflag:s24], $0x4000  }
0xc9: {  	[sflag:s24] =	ssyncset.done $0x0  }
0xca: {  	[sflag:s24] =	ssyncadd.s32 $0xFFFFC000  }
0xcb: {  	[spmem:s1] =	stream.indirect.scatter.add.f32 [tilespmem:s20], [sflag:$0x4], $0x80, s30, s19, $0xb8;
	[tilespmem:$0x1E800] =	vst v63  }
0xcc: {  	s0 =	stileid.u32;
	_ =	swait.ge [sflag:s26], $0x4000  }
0xcd: {  	s6 =	sshrl.u32 s5, $0x3;
	s31 =	sadd.s32 $0x1, s31;
	[sflag:s26] =	ssyncset.done $0x0  }
0xce: {  	s0 =	sshll.u32 s0, $0x6;
	p0 =	sne.s32 s31, s14;
	[sflag:s26] =	ssyncadd.s32 $0xFFFFC000  }
.Ltmp3:
0xcf: {  	s0 =	sor.u32 $0x1C05, s0;
	[bflag:$0x0] =	sbarrier.arrive $0xFFFF;
	(pc) =	sbr.rel @p0 .LBB2_1-.Ltmp3, $4  }
0xd0: {  	[hbm:s15], [sflag:s0] =	dma.local [spmem:s6], $0x2800  }
0xd1: {  	_ =	swait.ge [sflag:s17], $0x2800  }
0xd2: {  	[sflag:s17] =	ssyncset.done $0x0  }
0xd3: {  	[sflag:s17] =	ssyncadd.s32 $0xFFFFD800  }
0xd4: {  	_ =	sfence.sel $0x180000  }
0xd5: {  	[bflag:$0x0] =	sbarrier.arrive $0xFFFF  }
0xd6: {  	_ =	strace $0x9000004A  }
0xd7: {  	s0 =	stileid.u32;
	[bflag:$0x2] =	sbarrier.arrive $0xFFFF  }
0xd8: {  	p0 =	sne.s32 s0, $0x0;
	s0 =	rddreg [dreg:$0x3]  }
0xd9: {  	s0 =	sadd.s32 @!p0 $0x100000, s0  }
0xda: {  	[sflag:s0] =	ssyncadd.tile.s32 @!p0 $0x1;
	_ =	shalt  }
.Lfunc_end2:
_tile_overlayer_lowered:
.L_overlay_start_2:
0xdb: {  	(tag) =	ssettag $0x2  }
0xdc: {  	s0 =	rddreg [dreg:$0x0];
	s2 =	stileid.u32  }
0xdd: {  	s1 =	rddreg [dreg:$0x1];
	p0 =	sne.s32 s2, $0x0  }
0xde: {  	s3 =	rddreg [dreg:$0x2];
	[bflag:$0x3] =	sbarrier.arrive $0xFFFF;
	s2 =	simm.s32 @!p0 $0x1C05  }
0xdf: {  	[timem:s3], [sflag:s2] =	dma.local @!p0 [hbm:s0], s1  }
0xe0: {  	s0 =	simm.s32 @!p0 $0x5  }
0xe1: {  	_ =	swait.ge @!p0 [sflag:s0], s1  }
0xe2: {  	s1 =	ssub.s32 @!p0 $0x0, s1;
	[sflag:s0] =	ssyncset.done @!p0 $0x0  }
0xe3: {  	[sflag:s0] =	ssyncadd.s32 @!p0 s1  }
0xe4: {  	[bflag:$0x3] =	sbarrier.arrive $0xFFFF  }
0xe5: {  	_ =	shalt  }

// kernel: kernel.14.cloned.1.call-start
scs
__scs_entry_jumppad:
0x0: {  	(pc) =	sbr.rel $0x88, $3  }
0x1: {  	(tag) =	ssettag $0x0;
	lr =	simm.s32 $0x1  }
0x2: {  	[smem:$0x3F9B] =	sst lr;
	_ =	strace $0xD0000000  }
0x3: {  	_ = 	snop  }
0x4: {  	_ = 	snop  }
0x5: {  	_ = 	snop  }
0x6: {  	_ = 	snop  }
0x7: {  	_ = 	snop  }
__scs_overlays_trampoline_lowered:
0x8: {  	[smem:$0x3FAA] =	sst s0  }
0x9: {  	[smem:$0x3FAB] =	sst s1  }
0xa: {  	[smem:$0x3FAC] =	sst s2  }
0xb: {  	[smem:$0x3FAD] =	sst s3  }
0xc: {  	[smem:$0x3FAE] =	sst s4  }
0xd: {  	[smem:$0x3FAF] =	sst s5  }
0xe: {  	[smem:$0x3FB0] =	sst s6  }
0xf: {  	[smem:$0x3FB1] =	sst s7  }
0x10: {  	[smem:$0x3FB2] =	sst s8  }
0x11: {  	[smem:$0x3FB3] =	sst s9;
	s0 =	simm.s32 @!p0 $0x0  }
0x12: {  	s1 =	sld [smem:$0x3F99];
	s0 =	simm.s32 @p0 $0x1  }
0x13: {  	[smem:$0x3FB4] =	sst s0;
	s0 =	simm.s32 @!p1 $0x0  }
0x14: {  	s2 =	sld [smem:$0x3F98];
	s0 =	simm.s32 @p1 $0x1  }
0x15: {  	[smem:$0x3FB5] =	sst s0;
	s0 =	simm.s32 @!p2 $0x0  }
0x16: {  	s3 =	sld [smem:$0x3FDB];
	s0 =	simm.s32 @p2 $0x1  }
0x17: {  	s4 =	simm.s32 $0x1BF5;
	[smem:$0x3FB7] =	sst s0  }
0x18: {  	s0 =	sld [smem:$0x3F9A];
	_ =	swait.ge [sflag:s4], $0x0  }
0x19: {  	s7 =	sld [smem:$0x3F9B]  }
0x1a: {  	s8 =	sadd.s32 $0xFFFFE003, lr  }
0x1b: {  	s9 =	sadd.s32 $0xFFFFFEF7, lr;
	s5 =	simm.s32 $0xFFFFFFFF;
	p2 =	slt.u32 s8, $0xFFFFF086  }
0x1c: {  	p1 =	slt.u32 s9, $0xF7A;
	s5 =	simm.s32 @!p2 $0x0  }
0x1d: {  	s5 =	simm.s32 @p1 $0x1;
	p0 =	seq.s32 s7, s2  }
0x1e: {  	s7 =	smul.u32 @!p0 $0xF7A, s2;
	p2 =	seq.s32 @!p0 s5, $0x0  }
0x1f: {  	s9 =	smul.u32 $0xF7A, s1;
	s8 =	simm.s32 @!p0 $0x1BF5;
	p2 =	por !p2, p0  }
0x20: {  	[sflag:s8] =	ssyncset.s32 @!p0 $0xFFFFF086;
	s6 =	sadd.s32 @!p0 s3, s7;
	s7 =	simm.s32 @!p0 $0x108  }
0x21: {  	s3 =	sadd.s32 s3, s9;
	s6 =	sadd.s32 @!p0 $0x88, s6;
	s7 =	simm.s32 @p2 $0x1082  }
0x22: {  	[simem:s7], [sflag:s8] =	dma.local @!p0 [hbm:s6], $0xF7A  }
0x23: {  	s9 =	sor.u32 $0xD0000000, s2;
	s6 =	simm.s32 $0x108;
	_ =	swait.ge @!p0 [sflag:s8], $0x0  }
0x24: {  	s3 =	sadd.s32 $0x88, s3;
	s6 =	simm.s32 @!p1 $0x1082;
	[sflag:s4] =	ssyncset.s32 $0xFFFFF086  }
0x25: {  	[simem:s6], [sflag:s4] =	dma.local [hbm:s3], $0xF7A  }
0x26: {  	[smem:$0x3F9B] =	sst s1;
	(tag) =	ssettag s2;
	_ =	strace s9  }
0x27: {  	s1 =	sld [smem:$0x3FAB]  }
0x28: {  	s2 =	sld [smem:$0x3FAC]  }
0x29: {  	s4 =	sld [smem:$0x3FAE]  }
0x2a: {  	p0 =	seq.s32 s5, $0x0;
	s5 =	sld [smem:$0x3FAF]  }
0x2b: {  	s6 =	sld [smem:$0x3FB0]  }
0x2c: {  	s7 =	sld [smem:$0x3FB1]  }
0x2d: {  	s3 =	simm.s32 $0x108;
	s8 =	sld [smem:$0x3FB2]  }
0x2e: {  	s3 =	simm.s32 @!p0 $0x1082;
	s9 =	sld [smem:$0x3FB3]  }
0x2f: {  	lr =	sadd.s32 s0, s3;
	s0 =	sld [smem:$0x3FAA]  }
0x30: {  	s3 =	sld [smem:$0x3FAD]  }
0x31: {  	[smem:$0x3FB6] =	sst s10  }
0x32: {  	s10 =	sld [smem:$0x3FB4];
	_ =	sdelay $0x3  }
0x33: {  	p0 =	seq.s32 s10, $0x1;
	s10 =	sld [smem:$0x3FB6];
	_ =	sdelay $0x3  }
0x34: {  	[smem:$0x3FB6] =	sst s10  }
0x35: {  	s10 =	sld [smem:$0x3FB5];
	_ =	sdelay $0x3  }
0x36: {  	p1 =	seq.s32 s10, $0x1;
	s10 =	sld [smem:$0x3FB6];
	_ =	sdelay $0x3  }
0x37: {  	[smem:$0x3FB6] =	sst s10  }
0x38: {  	s10 =	sld [smem:$0x3FB7]  }
0x39: {  	_ = 	snop;
	(pc) =	sbr.ind lr, $3  }
0x3a: {  	_ = 	snop  }
0x3b: {  	_ = 	snop  }
0x3c: {  	p2 =	seq.s32 s10, $0x1;
	s10 =	sld [smem:$0x3FB6]  }
0x3d: {  	_ =	shalt  }
0x3e: {  	_ =	shalt  }
0x3f: {  	_ =	shalt  }
0x40: {  	_ =	shalt  }
0x41: {  	_ =	shalt  }
0x42: {  	_ =	shalt  }
0x43: {  	_ =	shalt  }
0x44: {  	_ =	shalt  }
0x45: {  	_ =	shalt  }
0x46: {  	_ =	shalt  }
0x47: {  	_ =	shalt  }
0x48: {  	_ =	shalt  }
0x49: {  	_ =	shalt  }
0x4a: {  	_ =	shalt  }
0x4b: {  	_ =	shalt  }
0x4c: {  	_ =	shalt  }
0x4d: {  	_ =	shalt  }
0x4e: {  	_ =	shalt  }
0x4f: {  	_ =	shalt  }
0x50: {  	_ =	shalt  }
0x51: {  	_ =	shalt  }
0x52: {  	_ =	shalt  }
0x53: {  	_ =	shalt  }
0x54: {  	_ =	shalt  }
0x55: {  	_ =	shalt  }
0x56: {  	_ =	shalt  }
0x57: {  	_ =	shalt  }
0x58: {  	_ =	shalt  }
0x59: {  	_ =	shalt  }
0x5a: {  	_ =	shalt  }
0x5b: {  	_ =	shalt  }
0x5c: {  	_ =	shalt  }
0x5d: {  	_ =	shalt  }
0x5e: {  	_ =	shalt  }
0x5f: {  	_ =	shalt  }
0x60: {  	_ =	shalt  }
0x61: {  	_ =	shalt  }
0x62: {  	_ =	shalt  }
0x63: {  	_ =	shalt  }
0x64: {  	_ =	shalt  }
0x65: {  	_ =	shalt  }
0x66: {  	_ =	shalt  }
0x67: {  	_ =	shalt  }
0x68: {  	_ =	shalt  }
0x69: {  	_ =	shalt  }
0x6a: {  	_ =	shalt  }
0x6b: {  	_ =	shalt  }
0x6c: {  	_ =	shalt  }
0x6d: {  	_ =	shalt  }
0x6e: {  	_ =	shalt  }
0x6f: {  	_ =	shalt  }
0x70: {  	_ =	shalt  }
0x71: {  	_ =	shalt  }
0x72: {  	_ =	shalt  }
0x73: {  	_ =	shalt  }
0x74: {  	_ =	shalt  }
0x75: {  	_ =	shalt  }
0x76: {  	_ =	shalt  }
0x77: {  	_ =	shalt  }
0x78: {  	_ =	shalt  }
0x79: {  	_ =	shalt  }
0x7a: {  	_ =	shalt  }
0x7b: {  	_ =	shalt  }
0x7c: {  	_ =	shalt  }
0x7d: {  	_ =	shalt  }
0x7e: {  	_ =	shalt  }
0x7f: {  	_ =	shalt  }
0x80: {  	_ =	shalt  }
0x81: {  	_ =	shalt  }
0x82: {  	_ =	shalt  }
0x83: {  	_ =	shalt  }
0x84: {  	_ =	shalt  }
0x85: {  	_ =	shalt  }
0x86: {  	_ =	shalt  }
0x87: {  	_ =	shalt  }
.Lfunc_end0:
.L_simem_size_0:
called_computation.2_lowered:
.L_overlay_start_0:
0x88: {  	s2 =	sld [smem:$0x3FD9]  }
0x89: {  	s3 =	sld [smem:$0x3FFE];
	_ =	sdelay $0x1  }
0x8a: {  	s1 =	srdreg.scid  }
0x8b: {  	s0 =	sand.u32 $0x1, s1  }
0x8c: {  	s17 =	sshll.u32 s0, $0xA;
	s2 =	sadd.s32 s3, s2  }
0x8d: {  	s2 =	sadd.s32 s2, s17  }
0x8e: {  	[smem:$0x3FC2] =	sst s2  }
0x8f: {  	_ = 	snop  }
0x90: {  	s2 =	sld [smem:$0x3FD0];
	(tm) =	ssettm $0x1  }
0x91: {  	s18 =	sld [smem:$0x3FFB];
	_ =	sdelay $0x3  }
0x92: {  	_ =	strace s18  }
0x93: {  	s3 =	sld [smem:$0x3FFC];
	_ =	sdelay $0x3  }
0x94: {  	_ =	strace s3  }
0x95: {  	s3 =	sld [smem:$0x3FFD];
	_ =	sdelay $0x3  }
0x96: {  	_ =	strace s3  }
0x97: {  	_ =	strace $0x8FFFFFFF  }
0x98: {  	s19 =	sld [smem:$0x3FDB];
	_ =	sdelay $0x1  }
0x99: {  	s4 =	simm.s32 $_scs_section_size  }
0x9a: {  	s5 =	simm.s32 $_size__tile_overlayer_lowered;
	s6 =	simm.s32 $_tile_overlayer_lowered  }
0x9b: {  	s22 =	simm.s32 $0x1BFF;
	s21 =	sshll.u32 s6, $0x1;
	s3 =	sadd.s32 s4, s19  }
0x9c: {  	s7 =	simm.s32 $0x0;
	s20 =	sshll.u32 s5, $0x1;
	s5 =	sadd.s32 s21, s3  }
0x9d: {  	[timem:s7], [sflag:s22] =	dma.local [hbm:s5], s20  }
0x9e: {  	_ =	swait.ge [sflag:s22], s20  }
0x9f: {  	s4 =	ssub.s32 $0x0, s20;
	[sflag:s22] =	ssyncset.done $0x0  }
0xa0: {  	[sflag:s22] =	ssyncadd.s32 s4;
	_ =	sdelay $0x1  }
0xa1: {  	s23 =	simm.s32 $0x1B8B  }
0xa2: {  	_ =	swait.ge [sflag:s23], $0x1  }
0xa3: {  	[sflag:s23] =	ssyncset.done $0x0  }
0xa4: {  	s25 =	simm.s32 $0x1B8E;
	s24 =	sld [smem:$0x3FFE];
	[sflag:s23] =	ssyncadd.s32 $0xFFFFFFFF  }
0xa5: {  	s26 =	simm.s32 $execute0_lowered;
	[smem:$0x3FD2] =	sst s25  }
0xa6: {  	s5 =	sshll.u32 s26, $0x1;
	_ =	strace $0x8000004C;
	[dreg:$0x1] =	wrdreg $0xFFFFFFFF  }
0xa7: {  	s28 =	simm.s32 $_size_execute0_lowered;
	s3 =	sadd.s32 s3, s5;
	[dreg:$0x0] =	wrdreg $0x0  }
0xa8: {  	s5 =	sshll.u32 s28, $0x1;
	[dreg:$0x2] =	wrdreg s3  }
0xa9: {  	[dreg:$0x3] =	wrdreg s5  }
0xaa: {  	[dreg:$0x4] =	wrdreg $0xC0  }
0xab: {  	_ =	task [dreg:s7], $0x5FFFF  }
0xac: {  	[dreg:$0x1] =	wrdreg $0xFFFFFFFF  }
0xad: {  	[dreg:$0x0] =	wrdreg $0x60  }
0xae: {  	[dreg:$0x2] =	wrdreg s24  }
0xaf: {  	[dreg:$0x3] =	wrdreg s2  }
0xb0: {  	[dreg:$0x4] =	wrdreg $0xA8000  }
0xb1: {  	[dreg:$0x5] =	wrdreg $0x9  }
0xb2: {  	_ =	task.clear_ibuf [dreg:s7], $0x6FFFF;
	_ =	strace $0x9000004C  }
0xb3: {  	s29 =	simm.s32 $0x9;
	_ =	strace $0x8000004E  }
0xb4: {  	_ =	swait.ge [sflag:s29], $0x1  }
0xb5: {  	[sflag:s29] =	ssyncadd.s32 $0xFFFFFFFF  }
0xb6: {  	_ =	strace $0x9000004E  }
0xb7: {  	_ =	sfence  }
0xb8: {  	s30 =	sld [smem:$0x0];
	_ =	sdelay $0x2  }
0xb9: {  	s31 =	sshll.u32 s1, $0xD;
	s1 =	sshrl.u32 s1, $0x2  }
0xba: {  	s3 =	sand.u32 $0x4000, s31;
	s1 =	sadd.s32 s1, s30  }
0xbb: {  	s0 =	sor.u32 s3, s0;
	s1 =	sshll.u32 s1, $0x11  }
0xbc: {  	s0 =	sor.u32 s1, s0  }
0xbd: {  	s0 =	sadd.s32 $0x8F2B, s0  }
0xbe: {  	[sflag:s0] =	ssyncadd.remote.s32 $0x1  }
0xbf: {  	_ =	sfence.sel $0xFFFF  }
0xc0: {  	[dreg:$0x0] =	wrdreg $0xFFFFFFFF;
	(pc) =	sbr.abs _section_cstart, $3  }
0xc1: {  	[dreg:$0x1] =	wrdreg $0xFFFFFFFF  }
0xc2: {  	_ =	task.clear_ibuf [dreg:s7], $0x2FFFF;
	_ =	strace $0x9FFFFFFF  }
0xc3: {  	(tm) =	ssettm $0x7FFFFFFF  }
tec
execute0_lowered:
.L_overlay_start_1:
0x0: {  	(tag) =	ssettag $0x1  }
0x1: {  	s0 =	rddreg [dreg:$0x0]  }
0x2: {  	s2 =	rddreg [dreg:$0x1]  }
0x3: {  	s1 =	rddreg [dreg:$0x2]  }
0x4: {  	s3 =	simm.s32 $0x0;
	s5 =	srdreg.scid;
	s17 =	stileid.u32  }
0x5: {  	s16 =	simm.s32 $0x86600;
	s18 =	simm.s32 $0x1400;
	s19 =	simm.s32 $0x80  }
0x6: {  	s20 =	simm.s32 $0x6800;
	s21 =	simm.s32 $0x1;
	s22 =	simm.s32 $0x3  }
0x7: {  	s23 =	simm.s32 $0x100;
	s24 =	simm.s32 $0x2;
	s28 =	simm.s32 $0x1380  }
0x8: {  	s29 =	simm.s32 $0x2700;
	s30 =	simm.s32 $0x2780;
	s31 =	simm.s32 $0x0  }
0x9: {  	[smem:$0x7FF] =	sst s3;
	s4 =	sadd.s32 $0xE600, s0;
	s11 =	sand.u32 $0x1, s5  }
0xa: {  	s25 =	smul.u32 $0x50000, s17;
	s13 =	sadd.s32 $0x4600, s0;
	_ =	strace $0x8000004D  }
0xb: {  	s6 =	ssub.s32 $0x2, s11;
	s7 =	sshll.u32 s11, $0x4;
	p0 =	seq.s32 s11, $0x1  }
0xc: {  	s8 =	sshrl.u32 s6, $0x1;
	s9 =	sor.u32 s17, s7;
	s5 =	sshrl.u32 s25, $0x2  }
0xd: {  	s17 =	smul.u32 $0x2800, s17;
	s16 =	simm.s32 @!p0 $0x5E600;
	s25 =	simm.s32 $0x1480  }
0xe: {  	s14 =	ssub.s32 s6, s8;
	s5 =	sadd.s32 s5, s1;
	s12 =	smul.u32 $0x500, s9  }
0xf: {  	s15 =	smul.u32 $0x2800, s9;
	s0 =	sadd.s32 s16, s0;
	s16 =	simm.s32 $0x2800  }
0x10: {  	s26 =	sadd.s32 $0x4000, s5;
	s7 =	sadd.s32 $0x8000, s5;
	s8 =	sadd.s32 $0xC000, s5  }
0x11: {  	s9 =	sadd.s32 $0x10000, s5;
	s14 =	smax.u32 s14, $0x1;
	s15 =	sshrl.u32 s15, $0x3  }
0x12: {  	[dreg:$0x4] =	wrdreg s26;
	s10 =	sadd.s32 s2, s12;
	s15 =	sadd.s32 $0x280, s15  }
0x13: {  	s11 =	sadd.s32 s13, s12;
	s26 =	simm.s32 $0x4;
	s12 =	sadd.s32 s2, s15  }
0x14: {  	v0 =	vimm.f32 $0.0e+00;
	s13 =	sadd.s32 s13, s15;
	s15 =	sadd.s32 s0, s17;
	s17 =	simm.s32 $0x5  }
.LBB2_1:
0x15: {  	s0 =	simm.s32 $0x0;
	s2 =	simm.s32 $0x200  }
.LBB2_2:
0x16: {  	p0 =	sne.s32 s2, $0xFE00;
	[tilespmem:s0+$0x2870] =	vst v0  }
0x17: {  	[tilespmem:s0+$0x2800] =	vst v0  }
0x18: {  	[tilespmem:s0+$0x2810] =	vst v0  }
.Ltmp0:
0x19: {  	[tilespmem:s0+$0x2820] =	vst v0;
	(pc) =	sbr.rel @p0 .LBB2_2-.Ltmp0, $4  }
0x1a: {  	[tilespmem:s0+$0x2830] =	vst v0  }
0x1b: {  	[tilespmem:s0+$0x2840] =	vst v0  }
0x1c: {  	[tilespmem:s0+$0x2850] =	vst v0  }
0x1d: {  	[tilespmem:s0+$0x2860] =	vst v0;
	s0 =	sshra.s32 s2, $0x2;
	s2 =	sadd.s32 $0x200, s2  }
0x1e: {  	[tilespmem:s0+$0x2870] =	vst v0  }
0x1f: {  	[tilespmem:s0+$0x2800] =	vst v0  }
0x20: {  	[tilespmem:s0+$0x2810] =	vst v0  }
0x21: {  	[tilespmem:s0+$0x2820] =	vst v0  }
0x22: {  	[tilespmem:s0+$0x2830] =	vst v0  }
0x23: {  	[tilespmem:s0+$0x2840] =	vst v0  }
0x24: {  	[tilespmem:s0+$0x2850] =	vst v0  }
0x25: {  	[tilespmem:s0+$0x2860] =	vst v0  }
0x26: {  	[spmem:s5] =	stream.linear.scatter [tilespmem:s16], [sflag:$0x5], $0x4000, $0x38;
	[tilespmem:$0x1E800] =	vst v63  }
0x27: {  	_ =	swait.ge [sflag:s17], $0x4000  }
0x28: {  	[sflag:s17] =	ssyncset.done $0x0  }
0x29: {  	s2 =	rddreg [dreg:$0x4];
	[sflag:s17] =	ssyncadd.s32 $0xFFFFC000  }
0x2a: {  	[spmem:s2] =	stream.linear.scatter [tilespmem:s16], [sflag:$0x5], $0x4000, $0x38;
	[tilespmem:$0x1E800] =	vst v63  }
0x2b: {  	_ =	swait.ge [sflag:s17], $0x4000  }
0x2c: {  	[sflag:s17] =	ssyncset.done $0x0  }
0x2d: {  	[sflag:s17] =	ssyncadd.s32 $0xFFFFC000  }
0x2e: {  	[spmem:s7] =	stream.linear.scatter [tilespmem:s16], [sflag:$0x5], $0x4000, $0x38;
	[tilespmem:$0x1E800] =	vst v63  }
0x2f: {  	_ =	swait.ge [sflag:s17], $0x4000  }
0x30: {  	[sflag:s17] =	ssyncset.done $0x0  }
0x31: {  	[sflag:s17] =	ssyncadd.s32 $0xFFFFC000  }
0x32: {  	[spmem:s8] =	stream.linear.scatter [tilespmem:s16], [sflag:$0x5], $0x4000, $0x38;
	[tilespmem:$0x1E800] =	vst v63  }
0x33: {  	_ =	swait.ge [sflag:s17], $0x4000  }
0x34: {  	[sflag:s17] =	ssyncset.done $0x0  }
0x35: {  	[sflag:s17] =	ssyncadd.s32 $0xFFFFC000  }
0x36: {  	[spmem:s9] =	stream.linear.scatter [tilespmem:s16], [sflag:$0x5], $0x4000, $0x38;
	[tilespmem:$0x1E800] =	vst v63  }
0x37: {  	_ =	swait.ge [sflag:s17], $0x4000  }
0x38: {  	[sflag:s17] =	ssyncset.done $0x0  }
0x39: {  	[sflag:s17] =	ssyncadd.s32 $0xFFFFC000  }
0x3a: {  	[bflag:$0x0] =	sbarrier.arrive $0xFFFF  }
0x3b: {  	[tilespmem:s3], [sflag:$0x5] =	stream.linear.gather [hbm4b:s10+s3], $0x1400, $0x38;
	[tilespmem:$0x1E800] =	vst v63  }
0x3c: {  	_ =	swait.ge [sflag:s17], $0x1400  }
0x3d: {  	[sflag:s17] =	ssyncset.done $0x0  }
0x3e: {  	[sflag:s17] =	ssyncadd.s32 $0xFFFFEC00  }
0x3f: {  	[tilespmem:s18], [sflag:$0x5] =	stream.linear.gather [hbm4b:s11+s3], $0x1400, $0x38;
	[tilespmem:$0x1E800] =	vst v63  }
0x40: {  	_ =	swait.ge [sflag:s17], $0x1400  }
0x41: {  	[sflag:s17] =	ssyncset.done $0x0  }
0x42: {  	[sflag:s17] =	ssyncadd.s32 $0xFFFFEC00  }
0x43: {  	[tilespmem:s16], [sflag:$0x1] =	stream.indirect.gather [hbm4b:s4+s19], $0x80, s3, s19, $0xb8;
	[tilespmem:$0x1E800] =	vst v63  }
0x44: {  	_ = 	snop  }
0x45: {  	[tilespmem:s20], [sflag:$0x2] =	stream.indirect.gather [hbm4b:s4+s19], $0x80, s19, s19, $0xb8;
	[tilespmem:$0x1E800] =	vst v63  }
0x46: {  	_ =	swait.ge [sflag:s21], $0x4000  }
0x47: {  	[sflag:s21] =	ssyncset.done $0x0  }
0x48: {  	[sflag:s21] =	ssyncadd.s32 $0xFFFFC000  }
0x49: {  	[spmem:s1] =	stream.indirect.scatter.add.f32 [tilespmem:s16], [sflag:$0x3], $0x80, s18, s19, $0xb8;
	[tilespmem:$0x1E800] =	vst v63  }
0x4a: {  	_ =	swait.ge [sflag:s22], $0x4000  }
0x4b: {  	[sflag:s22] =	ssyncset.done $0x0  }
0x4c: {  	[sflag:s22] =	ssyncadd.s32 $0xFFFFC000  }
0x4d: {  	[tilespmem:s16], [sflag:$0x1] =	stream.indirect.gather [hbm4b:s4+s19], $0x80, s23, s19, $0xb8;
	[tilespmem:$0x1E800] =	vst v63  }
0x4e: {  	_ =	swait.ge [sflag:s24], $0x4000  }
0x4f: {  	[sflag:s24] =	ssyncset.done $0x0  }
0x50: {  	[sflag:s24] =	ssyncadd.s32 $0xFFFFC000  }
0x51: {  	[spmem:s1] =	stream.indirect.scatter.add.f32 [tilespmem:s20], [sflag:$0x4], $0x80, s25, s19, $0xb8;
	[tilespmem:$0x1E800] =	vst v63  }
0x52: {  	_ =	swait.ge [sflag:s26], $0x4000  }
0x53: {  	[sflag:s26] =	ssyncset.done $0x0  }
0x54: {  	s6 =	simm.s32 $0x180;
	[sflag:s26] =	ssyncadd.s32 $0xFFFFC000  }
0x55: {  	[tilespmem:s20], [sflag:$0x2] =	stream.indirect.gather [hbm4b:s4+s19], $0x80, s6, s19, $0xb8;
	[tilespmem:$0x1E800] =	vst v63  }
0x56: {  	_ =	swait.ge [sflag:s21], $0x4000  }
0x57: {  	[sflag:s21] =	ssyncset.done $0x0  }
0x58: {  	s2 =	simm.s32 $0x1500;
	[sflag:s21] =	ssyncadd.s32 $0xFFFFC000  }
0x59: {  	[spmem:s1] =	stream.indirect.scatter.add.f32 [tilespmem:s16], [sflag:$0x3], $0x80, s2, s19, $0xb8;
	[tilespmem:$0x1E800] =	vst v63  }
0x5a: {  	_ =	swait.ge [sflag:s22], $0x4000  }
0x5b: {  	[sflag:s22] =	ssyncset.done $0x0  }
0x5c: {  	s6 =	simm.s32 $0x200;
	[sflag:s22] =	ssyncadd.s32 $0xFFFFC000  }
0x5d: {  	[tilespmem:s16], [sflag:$0x1] =	stream.indirect.gather [hbm4b:s4+s19], $0x80, s6, s19, $0xb8;
	[tilespmem:$0x1E800] =	vst v63  }
0x5e: {  	_ =	swait.ge [sflag:s24], $0x4000  }
0x5f: {  	[sflag:s24] =	ssyncset.done $0x0  }
0x60: {  	s0 =	simm.s32 $0xFFFFBC00;
	s2 =	simm.s32 $0x1580;
	[sflag:s24] =	ssyncadd.s32 $0xFFFFC000  }
.LBB2_4:
0x61: {  	[spmem:s1] =	stream.indirect.scatter.add.f32 [tilespmem:s20], [sflag:$0x4], $0x80, s2, s19, $0xb8;
	[tilespmem:$0x1E800] =	vst v63  }
0x62: {  	s2 =	smov.u32 s0  }
0x63: {  	p0 =	sne.s32 s0, $0xFFFFFC00;
	s0 =	sadd.s32 $0x400, s0;
	_ =	swait.ge [sflag:s26], $0x4000  }
0x64: {  	s2 =	sshra.s32 s2, $0x2;
	[sflag:s26] =	ssyncset.done $0x0  }
0x65: {  	s6 =	sadd.s32 $0x1380, s2;
	[sflag:s26] =	ssyncadd.s32 $0xFFFFC000  }
0x66: {  	[tilespmem:s20], [sflag:$0x2] =	stream.indirect.gather [hbm4b:s4+s19], $0x80, s6, s19, $0xb8;
	[tilespmem:$0x1E800] =	vst v63  }
0x67: {  	_ =	swait.ge [sflag:s21], $0x4000  }
0x68: {  	[sflag:s21] =	ssyncset.done $0x0  }
0x69: {  	s6 =	sadd.s32 $0x2700, s2;
	[sflag:s21] =	ssyncadd.s32 $0xFFFFC000  }
0x6a: {  	[spmem:s1] =	stream.indirect.scatter.add.f32 [tilespmem:s16], [sflag:$0x3], $0x80, s6, s19, $0xb8;
	[tilespmem:$0x1E800] =	vst v63  }
0x6b: {  	_ =	swait.ge [sflag:s22], $0x4000  }
0x6c: {  	[sflag:s22] =	ssyncset.done $0x0  }
.Ltmp1:
0x6d: {  	s6 =	sadd.s32 $0x1400, s2;
	[sflag:s22] =	ssyncadd.s32 $0xFFFFC000;
	(pc) =	sbr.rel @p0 .LBB2_4-.Ltmp1, $4  }
0x6e: {  	[tilespmem:s16], [sflag:$0x1] =	stream.indirect.gather [hbm4b:s4+s19], $0x80, s6, s19, $0xb8;
	[tilespmem:$0x1E800] =	vst v63  }
0x6f: {  	_ =	swait.ge [sflag:s24], $0x4000  }
0x70: {  	[sflag:s24] =	ssyncset.done $0x0  }
0x71: {  	s2 =	sadd.s32 $0x2780, s2;
	[sflag:s24] =	ssyncadd.s32 $0xFFFFC000  }
0x72: {  	[spmem:s1] =	stream.indirect.scatter.add.f32 [tilespmem:s20], [sflag:$0x4], $0x80, s2, s19, $0xb8;
	[tilespmem:$0x1E800] =	vst v63  }
0x73: {  	_ =	swait.ge [sflag:s26], $0x4000  }
0x74: {  	[sflag:s26] =	ssyncset.done $0x0  }
0x75: {  	[sflag:s26] =	ssyncadd.s32 $0xFFFFC000  }
0x76: {  	[tilespmem:s20], [sflag:$0x2] =	stream.indirect.gather [hbm4b:s4+s19], $0x80, s28, s19, $0xb8;
	[tilespmem:$0x1E800] =	vst v63  }
0x77: {  	_ =	swait.ge [sflag:s21], $0x4000  }
0x78: {  	[sflag:s21] =	ssyncset.done $0x0  }
0x79: {  	[sflag:s21] =	ssyncadd.s32 $0xFFFFC000  }
0x7a: {  	[spmem:s1] =	stream.indirect.scatter.add.f32 [tilespmem:s16], [sflag:$0x3], $0x80, s29, s19, $0xb8;
	[tilespmem:$0x1E800] =	vst v63  }
0x7b: {  	_ =	swait.ge [sflag:s22], $0x4000  }
0x7c: {  	[sflag:s22] =	ssyncset.done $0x0  }
0x7d: {  	[sflag:s22] =	ssyncadd.s32 $0xFFFFC000  }
0x7e: {  	_ =	swait.ge [sflag:s24], $0x4000  }
0x7f: {  	[sflag:s24] =	ssyncset.done $0x0  }
0x80: {  	[sflag:s24] =	ssyncadd.s32 $0xFFFFC000  }
0x81: {  	[spmem:s1] =	stream.indirect.scatter.add.f32 [tilespmem:s20], [sflag:$0x4], $0x80, s30, s19, $0xb8;
	[tilespmem:$0x1E800] =	vst v63  }
0x82: {  	_ =	swait.ge [sflag:s26], $0x4000  }
0x83: {  	[sflag:s26] =	ssyncset.done $0x0  }
0x84: {  	[sflag:s26] =	ssyncadd.s32 $0xFFFFC000  }
0x85: {  	[tilespmem:s3], [sflag:$0x5] =	stream.linear.gather [hbm4b:s12+s3], $0x1400, $0x38;
	[tilespmem:$0x1E800] =	vst v63  }
0x86: {  	_ =	swait.ge [sflag:s17], $0x1400  }
0x87: {  	[sflag:s17] =	ssyncset.done $0x0  }
0x88: {  	[sflag:s17] =	ssyncadd.s32 $0xFFFFEC00  }
0x89: {  	[tilespmem:s18], [sflag:$0x5] =	stream.linear.gather [hbm4b:s13+s3], $0x1400, $0x38;
	[tilespmem:$0x1E800] =	vst v63  }
0x8a: {  	_ =	swait.ge [sflag:s17], $0x1400  }
0x8b: {  	[sflag:s17] =	ssyncset.done $0x0  }
0x8c: {  	[sflag:s17] =	ssyncadd.s32 $0xFFFFEC00  }
0x8d: {  	[tilespmem:s16], [sflag:$0x1] =	stream.indirect.gather [hbm4b:s4+s19], $0x80, s3, s19, $0xb8;
	[tilespmem:$0x1E800] =	vst v63  }
0x8e: {  	_ = 	snop  }
0x8f: {  	[tilespmem:s20], [sflag:$0x2] =	stream.indirect.gather [hbm4b:s4+s19], $0x80, s19, s19, $0xb8;
	[tilespmem:$0x1E800] =	vst v63  }
0x90: {  	_ =	swait.ge [sflag:s21], $0x4000  }
0x91: {  	[sflag:s21] =	ssyncset.done $0x0  }
0x92: {  	[sflag:s21] =	ssyncadd.s32 $0xFFFFC000  }
0x93: {  	[spmem:s1] =	stream.indirect.scatter.add.f32 [tilespmem:s16], [sflag:$0x3], $0x80, s18, s19, $0xb8;
	[tilespmem:$0x1E800] =	vst v63  }
0x94: {  	_ =	swait.ge [sflag:s22], $0x4000  }
0x95: {  	[sflag:s22] =	ssyncset.done $0x0  }
0x96: {  	[sflag:s22] =	ssyncadd.s32 $0xFFFFC000  }
0x97: {  	[tilespmem:s16], [sflag:$0x1] =	stream.indirect.gather [hbm4b:s4+s19], $0x80, s23, s19, $0xb8;
	[tilespmem:$0x1E800] =	vst v63  }
0x98: {  	_ =	swait.ge [sflag:s24], $0x4000  }
0x99: {  	[sflag:s24] =	ssyncset.done $0x0  }
0x9a: {  	[sflag:s24] =	ssyncadd.s32 $0xFFFFC000  }
0x9b: {  	[spmem:s1] =	stream.indirect.scatter.add.f32 [tilespmem:s20], [sflag:$0x4], $0x80, s25, s19, $0xb8;
	[tilespmem:$0x1E800] =	vst v63  }
0x9c: {  	_ =	swait.ge [sflag:s26], $0x4000  }
0x9d: {  	[sflag:s26] =	ssyncset.done $0x0  }
0x9e: {  	s0 =	simm.s32 $0x180;
	[sflag:s26] =	ssyncadd.s32 $0xFFFFC000  }
0x9f: {  	[tilespmem:s20], [sflag:$0x2] =	stream.indirect.gather [hbm4b:s4+s19], $0x80, s0, s19, $0xb8;
	[tilespmem:$0x1E800] =	vst v63  }
0xa0: {  	_ =	swait.ge [sflag:s21], $0x4000  }
0xa1: {  	[sflag:s21] =	ssyncset.done $0x0  }
0xa2: {  	s2 =	simm.s32 $0x1500;
	[sflag:s21] =	ssyncadd.s32 $0xFFFFC000  }
0xa3: {  	[spmem:s1] =	stream.indirect.scatter.add.f32 [tilespmem:s16], [sflag:$0x3], $0x80, s2, s19, $0xb8;
	[tilespmem:$0x1E800] =	vst v63  }
0xa4: {  	_ =	swait.ge [sflag:s22], $0x4000  }
0xa5: {  	[sflag:s22] =	ssyncset.done $0x0  }
0xa6: {  	s6 =	simm.s32 $0x200;
	[sflag:s22] =	ssyncadd.s32 $0xFFFFC000  }
0xa7: {  	[tilespmem:s16], [sflag:$0x1] =	stream.indirect.gather [hbm4b:s4+s19], $0x80, s6, s19, $0xb8;
	[tilespmem:$0x1E800] =	vst v63  }
0xa8: {  	_ =	swait.ge [sflag:s24], $0x4000  }
0xa9: {  	[sflag:s24] =	ssyncset.done $0x0  }
0xaa: {  	s0 =	simm.s32 $0xFFFFBC00;
	s2 =	simm.s32 $0x1580;
	[sflag:s24] =	ssyncadd.s32 $0xFFFFC000  }
.LBB2_6:
0xab: {  	[spmem:s1] =	stream.indirect.scatter.add.f32 [tilespmem:s20], [sflag:$0x4], $0x80, s2, s19, $0xb8;
	[tilespmem:$0x1E800] =	vst v63  }
0xac: {  	s2 =	smov.u32 s0  }
0xad: {  	p0 =	sne.s32 s0, $0xFFFFFC00;
	s0 =	sadd.s32 $0x400, s0;
	_ =	swait.ge [sflag:s26], $0x4000  }
0xae: {  	s2 =	sshra.s32 s2, $0x2;
	[sflag:s26] =	ssyncset.done $0x0  }
0xaf: {  	s6 =	sadd.s32 $0x1380, s2;
	[sflag:s26] =	ssyncadd.s32 $0xFFFFC000  }
0xb0: {  	[tilespmem:s20], [sflag:$0x2] =	stream.indirect.gather [hbm4b:s4+s19], $0x80, s6, s19, $0xb8;
	[tilespmem:$0x1E800] =	vst v63  }
0xb1: {  	_ =	swait.ge [sflag:s21], $0x4000  }
0xb2: {  	[sflag:s21] =	ssyncset.done $0x0  }
0xb3: {  	s6 =	sadd.s32 $0x2700, s2;
	[sflag:s21] =	ssyncadd.s32 $0xFFFFC000  }
0xb4: {  	[spmem:s1] =	stream.indirect.scatter.add.f32 [tilespmem:s16], [sflag:$0x3], $0x80, s6, s19, $0xb8;
	[tilespmem:$0x1E800] =	vst v63  }
0xb5: {  	_ =	swait.ge [sflag:s22], $0x4000  }
0xb6: {  	[sflag:s22] =	ssyncset.done $0x0  }
.Ltmp2:
0xb7: {  	s6 =	sadd.s32 $0x1400, s2;
	[sflag:s22] =	ssyncadd.s32 $0xFFFFC000;
	(pc) =	sbr.rel @p0 .LBB2_6-.Ltmp2, $4  }
0xb8: {  	[tilespmem:s16], [sflag:$0x1] =	stream.indirect.gather [hbm4b:s4+s19], $0x80, s6, s19, $0xb8;
	[tilespmem:$0x1E800] =	vst v63  }
0xb9: {  	_ =	swait.ge [sflag:s24], $0x4000  }
0xba: {  	[sflag:s24] =	ssyncset.done $0x0  }
0xbb: {  	s2 =	sadd.s32 $0x2780, s2;
	[sflag:s24] =	ssyncadd.s32 $0xFFFFC000  }
0xbc: {  	[spmem:s1] =	stream.indirect.scatter.add.f32 [tilespmem:s20], [sflag:$0x4], $0x80, s2, s19, $0xb8;
	[tilespmem:$0x1E800] =	vst v63  }
0xbd: {  	_ =	swait.ge [sflag:s26], $0x4000  }
0xbe: {  	[sflag:s26] =	ssyncset.done $0x0  }
0xbf: {  	[sflag:s26] =	ssyncadd.s32 $0xFFFFC000  }
0xc0: {  	[tilespmem:s20], [sflag:$0x2] =	stream.indirect.gather [hbm4b:s4+s19], $0x80, s28, s19, $0xb8;
	[tilespmem:$0x1E800] =	vst v63  }
0xc1: {  	_ =	swait.ge [sflag:s21], $0x4000  }
0xc2: {  	[sflag:s21] =	ssyncset.done $0x0  }
0xc3: {  	[sflag:s21] =	ssyncadd.s32 $0xFFFFC000  }
0xc4: {  	[spmem:s1] =	stream.indirect.scatter.add.f32 [tilespmem:s16], [sflag:$0x3], $0x80, s29, s19, $0xb8;
	[tilespmem:$0x1E800] =	vst v63  }
0xc5: {  	_ =	swait.ge [sflag:s22], $0x4000  }
0xc6: {  	[sflag:s22] =	ssyncset.done $0x0  }
0xc7: {  	[sflag:s22] =	ssyncadd.s32 $0xFFFFC000  }
0xc8: {  	_ =	swait.ge [sflag:s24], $0x4000  }
0xc9: {  	[sflag:s24] =	ssyncset.done $0x0  }
0xca: {  	[sflag:s24] =	ssyncadd.s32 $0xFFFFC000  }
0xcb: {  	[spmem:s1] =	stream.indirect.scatter.add.f32 [tilespmem:s20], [sflag:$0x4], $0x80, s30, s19, $0xb8;
	[tilespmem:$0x1E800] =	vst v63  }
0xcc: {  	s0 =	stileid.u32;
	_ =	swait.ge [sflag:s26], $0x4000  }
0xcd: {  	s6 =	sshrl.u32 s5, $0x3;
	s31 =	sadd.s32 $0x1, s31;
	[sflag:s26] =	ssyncset.done $0x0  }
0xce: {  	s0 =	sshll.u32 s0, $0x6;
	p0 =	sne.s32 s31, s14;
	[sflag:s26] =	ssyncadd.s32 $0xFFFFC000  }
.Ltmp3:
0xcf: {  	s0 =	sor.u32 $0x1C05, s0;
	[bflag:$0x0] =	sbarrier.arrive $0xFFFF;
	(pc) =	sbr.rel @p0 .LBB2_1-.Ltmp3, $4  }
0xd0: {  	[hbm:s15], [sflag:s0] =	dma.local [spmem:s6], $0x2800  }
0xd1: {  	_ =	swait.ge [sflag:s17], $0x2800  }
0xd2: {  	[sflag:s17] =	ssyncset.done $0x0  }
0xd3: {  	[sflag:s17] =	ssyncadd.s32 $0xFFFFD800  }
0xd4: {  	_ =	sfence.sel $0x180000  }
0xd5: {  	[bflag:$0x0] =	sbarrier.arrive $0xFFFF  }
0xd6: {  	_ =	strace $0x9000004D  }
0xd7: {  	s0 =	stileid.u32;
	[bflag:$0x2] =	sbarrier.arrive $0xFFFF  }
0xd8: {  	p0 =	sne.s32 s0, $0x0;
	s0 =	rddreg [dreg:$0x3]  }
0xd9: {  	s0 =	sadd.s32 @!p0 $0x100000, s0  }
0xda: {  	[sflag:s0] =	ssyncadd.tile.s32 @!p0 $0x1;
	_ =	shalt  }
.Lfunc_end2:
_tile_overlayer_lowered:
.L_overlay_start_2:
0xdb: {  	(tag) =	ssettag $0x2  }
0xdc: {  	s0 =	rddreg [dreg:$0x0];
	s2 =	stileid.u32  }
0xdd: {  	s1 =	rddreg [dreg:$0x1];
	p0 =	sne.s32 s2, $0x0  }
0xde: {  	s3 =	rddreg [dreg:$0x2];
	[bflag:$0x3] =	sbarrier.arrive $0xFFFF;
	s2 =	simm.s32 @!p0 $0x1C05  }
0xdf: {  	[timem:s3], [sflag:s2] =	dma.local @!p0 [hbm:s0], s1  }
0xe0: {  	s0 =	simm.s32 @!p0 $0x5  }
0xe1: {  	_ =	swait.ge @!p0 [sflag:s0], s1  }
0xe2: {  	s1 =	ssub.s32 @!p0 $0x0, s1;
	[sflag:s0] =	ssyncset.done @!p0 $0x0  }
0xe3: {  	[sflag:s0] =	ssyncadd.s32 @!p0 s1  }
0xe4: {  	[bflag:$0x3] =	sbarrier.arrive $0xFFFF  }
0xe5: {  	_ =	shalt  }

// kernel: kernel.8.cloned.1.call-start
scs
__scs_entry_jumppad:
0x0: {  	(pc) =	sbr.rel $0x88, $3  }
0x1: {  	(tag) =	ssettag $0x0;
	lr =	simm.s32 $0x1  }
0x2: {  	[smem:$0x3F9B] =	sst lr;
	_ =	strace $0xD0000000  }
0x3: {  	_ = 	snop  }
0x4: {  	_ = 	snop  }
0x5: {  	_ = 	snop  }
0x6: {  	_ = 	snop  }
0x7: {  	_ = 	snop  }
__scs_overlays_trampoline_lowered:
0x8: {  	[smem:$0x3FAA] =	sst s0  }
0x9: {  	[smem:$0x3FAB] =	sst s1  }
0xa: {  	[smem:$0x3FAC] =	sst s2  }
0xb: {  	[smem:$0x3FAD] =	sst s3  }
0xc: {  	[smem:$0x3FAE] =	sst s4  }
0xd: {  	[smem:$0x3FAF] =	sst s5  }
0xe: {  	[smem:$0x3FB0] =	sst s6  }
0xf: {  	[smem:$0x3FB1] =	sst s7  }
0x10: {  	[smem:$0x3FB2] =	sst s8  }
0x11: {  	[smem:$0x3FB3] =	sst s9;
	s0 =	simm.s32 @!p0 $0x0  }
0x12: {  	s1 =	sld [smem:$0x3F99];
	s0 =	simm.s32 @p0 $0x1  }
0x13: {  	[smem:$0x3FB4] =	sst s0;
	s0 =	simm.s32 @!p1 $0x0  }
0x14: {  	s2 =	sld [smem:$0x3F98];
	s0 =	simm.s32 @p1 $0x1  }
0x15: {  	[smem:$0x3FB5] =	sst s0;
	s0 =	simm.s32 @!p2 $0x0  }
0x16: {  	s3 =	sld [smem:$0x3FDB];
	s0 =	simm.s32 @p2 $0x1  }
0x17: {  	s4 =	simm.s32 $0x1BF5;
	[smem:$0x3FB7] =	sst s0  }
0x18: {  	s0 =	sld [smem:$0x3F9A];
	_ =	swait.ge [sflag:s4], $0x0  }
0x19: {  	s7 =	sld [smem:$0x3F9B]  }
0x1a: {  	s8 =	sadd.s32 $0xFFFFE003, lr  }
0x1b: {  	s9 =	sadd.s32 $0xFFFFFEF7, lr;
	s5 =	simm.s32 $0xFFFFFFFF;
	p2 =	slt.u32 s8, $0xFFFFF086  }
0x1c: {  	p1 =	slt.u32 s9, $0xF7A;
	s5 =	simm.s32 @!p2 $0x0  }
0x1d: {  	s5 =	simm.s32 @p1 $0x1;
	p0 =	seq.s32 s7, s2  }
0x1e: {  	s7 =	smul.u32 @!p0 $0xF7A, s2;
	p2 =	seq.s32 @!p0 s5, $0x0  }
0x1f: {  	s9 =	smul.u32 $0xF7A, s1;
	s8 =	simm.s32 @!p0 $0x1BF5;
	p2 =	por !p2, p0  }
0x20: {  	[sflag:s8] =	ssyncset.s32 @!p0 $0xFFFFF086;
	s6 =	sadd.s32 @!p0 s3, s7;
	s7 =	simm.s32 @!p0 $0x108  }
0x21: {  	s3 =	sadd.s32 s3, s9;
	s6 =	sadd.s32 @!p0 $0x88, s6;
	s7 =	simm.s32 @p2 $0x1082  }
0x22: {  	[simem:s7], [sflag:s8] =	dma.local @!p0 [hbm:s6], $0xF7A  }
0x23: {  	s9 =	sor.u32 $0xD0000000, s2;
	s6 =	simm.s32 $0x108;
	_ =	swait.ge @!p0 [sflag:s8], $0x0  }
0x24: {  	s3 =	sadd.s32 $0x88, s3;
	s6 =	simm.s32 @!p1 $0x1082;
	[sflag:s4] =	ssyncset.s32 $0xFFFFF086  }
0x25: {  	[simem:s6], [sflag:s4] =	dma.local [hbm:s3], $0xF7A  }
0x26: {  	[smem:$0x3F9B] =	sst s1;
	(tag) =	ssettag s2;
	_ =	strace s9  }
0x27: {  	s1 =	sld [smem:$0x3FAB]  }
0x28: {  	s2 =	sld [smem:$0x3FAC]  }
0x29: {  	s4 =	sld [smem:$0x3FAE]  }
0x2a: {  	p0 =	seq.s32 s5, $0x0;
	s5 =	sld [smem:$0x3FAF]  }
0x2b: {  	s6 =	sld [smem:$0x3FB0]  }
0x2c: {  	s7 =	sld [smem:$0x3FB1]  }
0x2d: {  	s3 =	simm.s32 $0x108;
	s8 =	sld [smem:$0x3FB2]  }
0x2e: {  	s3 =	simm.s32 @!p0 $0x1082;
	s9 =	sld [smem:$0x3FB3]  }
0x2f: {  	lr =	sadd.s32 s0, s3;
	s0 =	sld [smem:$0x3FAA]  }
0x30: {  	s3 =	sld [smem:$0x3FAD]  }
0x31: {  	[smem:$0x3FB6] =	sst s10  }
0x32: {  	s10 =	sld [smem:$0x3FB4];
	_ =	sdelay $0x3  }
0x33: {  	p0 =	seq.s32 s10, $0x1;
	s10 =	sld [smem:$0x3FB6];
	_ =	sdelay $0x3  }
0x34: {  	[smem:$0x3FB6] =	sst s10  }
0x35: {  	s10 =	sld [smem:$0x3FB5];
	_ =	sdelay $0x3  }
0x36: {  	p1 =	seq.s32 s10, $0x1;
	s10 =	sld [smem:$0x3FB6];
	_ =	sdelay $0x3  }
0x37: {  	[smem:$0x3FB6] =	sst s10  }
0x38: {  	s10 =	sld [smem:$0x3FB7]  }
0x39: {  	_ = 	snop;
	(pc) =	sbr.ind lr, $3  }
0x3a: {  	_ = 	snop  }
0x3b: {  	_ = 	snop  }
0x3c: {  	p2 =	seq.s32 s10, $0x1;
	s10 =	sld [smem:$0x3FB6]  }
0x3d: {  	_ =	shalt  }
0x3e: {  	_ =	shalt  }
0x3f: {  	_ =	shalt  }
0x40: {  	_ =	shalt  }
0x41: {  	_ =	shalt  }
0x42: {  	_ =	shalt  }
0x43: {  	_ =	shalt  }
0x44: {  	_ =	shalt  }
0x45: {  	_ =	shalt  }
0x46: {  	_ =	shalt  }
0x47: {  	_ =	shalt  }
0x48: {  	_ =	shalt  }
0x49: {  	_ =	shalt  }
0x4a: {  	_ =	shalt  }
0x4b: {  	_ =	shalt  }
0x4c: {  	_ =	shalt  }
0x4d: {  	_ =	shalt  }
0x4e: {  	_ =	shalt  }
0x4f: {  	_ =	shalt  }
0x50: {  	_ =	shalt  }
0x51: {  	_ =	shalt  }
0x52: {  	_ =	shalt  }
0x53: {  	_ =	shalt  }
0x54: {  	_ =	shalt  }
0x55: {  	_ =	shalt  }
0x56: {  	_ =	shalt  }
0x57: {  	_ =	shalt  }
0x58: {  	_ =	shalt  }
0x59: {  	_ =	shalt  }
0x5a: {  	_ =	shalt  }
0x5b: {  	_ =	shalt  }
0x5c: {  	_ =	shalt  }
0x5d: {  	_ =	shalt  }
0x5e: {  	_ =	shalt  }
0x5f: {  	_ =	shalt  }
0x60: {  	_ =	shalt  }
0x61: {  	_ =	shalt  }
0x62: {  	_ =	shalt  }
0x63: {  	_ =	shalt  }
0x64: {  	_ =	shalt  }
0x65: {  	_ =	shalt  }
0x66: {  	_ =	shalt  }
0x67: {  	_ =	shalt  }
0x68: {  	_ =	shalt  }
0x69: {  	_ =	shalt  }
0x6a: {  	_ =	shalt  }
0x6b: {  	_ =	shalt  }
0x6c: {  	_ =	shalt  }
0x6d: {  	_ =	shalt  }
0x6e: {  	_ =	shalt  }
0x6f: {  	_ =	shalt  }
0x70: {  	_ =	shalt  }
0x71: {  	_ =	shalt  }
0x72: {  	_ =	shalt  }
0x73: {  	_ =	shalt  }
0x74: {  	_ =	shalt  }
0x75: {  	_ =	shalt  }
0x76: {  	_ =	shalt  }
0x77: {  	_ =	shalt  }
0x78: {  	_ =	shalt  }
0x79: {  	_ =	shalt  }
0x7a: {  	_ =	shalt  }
0x7b: {  	_ =	shalt  }
0x7c: {  	_ =	shalt  }
0x7d: {  	_ =	shalt  }
0x7e: {  	_ =	shalt  }
0x7f: {  	_ =	shalt  }
0x80: {  	_ =	shalt  }
0x81: {  	_ =	shalt  }
0x82: {  	_ =	shalt  }
0x83: {  	_ =	shalt  }
0x84: {  	_ =	shalt  }
0x85: {  	_ =	shalt  }
0x86: {  	_ =	shalt  }
0x87: {  	_ =	shalt  }
.Lfunc_end0:
.L_simem_size_0:
called_computation_lowered:
.L_overlay_start_0:
0x88: {  	s2 =	sld [smem:$0x3FD9]  }
0x89: {  	s3 =	sld [smem:$0x3FFE];
	_ =	sdelay $0x1  }
0x8a: {  	s1 =	srdreg.scid  }
0x8b: {  	s0 =	sand.u32 $0x1, s1  }
0x8c: {  	s16 =	sshll.u32 s0, $0xA;
	s2 =	sadd.s32 s3, s2  }
0x8d: {  	s2 =	sadd.s32 s2, s16  }
0x8e: {  	[smem:$0x3FC2] =	sst s2  }
0x8f: {  	_ = 	snop  }
0x90: {  	(tm) =	ssettm $0x1  }
0x91: {  	s17 =	sld [smem:$0x3FFB];
	_ =	sdelay $0x3  }
0x92: {  	_ =	strace s17  }
0x93: {  	s2 =	sld [smem:$0x3FFC];
	_ =	sdelay $0x3  }
0x94: {  	_ =	strace s2  }
0x95: {  	s2 =	sld [smem:$0x3FFD];
	_ =	sdelay $0x3  }
0x96: {  	_ =	strace s2  }
0x97: {  	_ =	strace $0x8FFFFFFF  }
0x98: {  	s18 =	sld [smem:$0x3FDB];
	_ =	sdelay $0x1  }
0x99: {  	s19 =	simm.s32 $_scs_section_size  }
0x9a: {  	s4 =	simm.s32 $_size__tile_overlayer_lowered;
	s5 =	simm.s32 $_tile_overlayer_lowered  }
0x9b: {  	s22 =	simm.s32 $0x1BFF;
	s21 =	sshll.u32 s5, $0x1;
	s2 =	sadd.s32 s19, s18  }
0x9c: {  	s6 =	simm.s32 $0x0;
	s20 =	sshll.u32 s4, $0x1;
	s4 =	sadd.s32 s21, s2  }
0x9d: {  	[timem:s6], [sflag:s22] =	dma.local [hbm:s4], s20  }
0x9e: {  	_ =	swait.ge [sflag:s22], s20  }
0x9f: {  	s3 =	ssub.s32 $0x0, s20;
	[sflag:s22] =	ssyncset.done $0x0  }
0xa0: {  	[sflag:s22] =	ssyncadd.s32 s3;
	_ =	sdelay $0x1  }
0xa1: {  	s23 =	simm.s32 $0x1B8B  }
0xa2: {  	_ =	swait.ge [sflag:s23], $0x1  }
0xa3: {  	[sflag:s23] =	ssyncset.done $0x0  }
0xa4: {  	s25 =	simm.s32 $0x1B8E;
	s24 =	sld [smem:$0x3FFE];
	[sflag:s23] =	ssyncadd.s32 $0xFFFFFFFF  }
0xa5: {  	s26 =	simm.s32 $execute0_lowered;
	[smem:$0x3FD2] =	sst s25  }
0xa6: {  	s4 =	sshll.u32 s26, $0x1;
	_ =	strace $0x80000046;
	[dreg:$0x1] =	wrdreg $0xFFFFFFFF  }
0xa7: {  	s28 =	simm.s32 $_size_execute0_lowered;
	s2 =	sadd.s32 s2, s4;
	[dreg:$0x0] =	wrdreg $0x0  }
0xa8: {  	s4 =	sshll.u32 s28, $0x1;
	[dreg:$0x2] =	wrdreg s2  }
0xa9: {  	[dreg:$0x3] =	wrdreg s4  }
0xaa: {  	[dreg:$0x4] =	wrdreg $0xC0  }
0xab: {  	_ =	task [dreg:s6], $0x5FFFF  }
0xac: {  	[dreg:$0x1] =	wrdreg $0xFFFFFFFF  }
0xad: {  	[dreg:$0x0] =	wrdreg $0x60  }
0xae: {  	[dreg:$0x2] =	wrdreg s24  }
0xaf: {  	[dreg:$0x3] =	wrdreg $0x2B000  }
0xb0: {  	[dreg:$0x4] =	wrdreg $0x9  }
0xb1: {  	_ =	task.clear_ibuf [dreg:s6], $0x5FFFF;
	_ =	strace $0x90000046  }
0xb2: {  	s29 =	simm.s32 $0x9;
	_ =	strace $0x80000048  }
0xb3: {  	_ =	swait.ge [sflag:s29], $0x1  }
0xb4: {  	[sflag:s29] =	ssyncadd.s32 $0xFFFFFFFF  }
0xb5: {  	_ =	strace $0x90000048  }
0xb6: {  	_ =	sfence  }
0xb7: {  	s30 =	sld [smem:$0x0];
	_ =	sdelay $0x2  }
0xb8: {  	s31 =	sshll.u32 s1, $0xD;
	s1 =	sshrl.u32 s1, $0x2  }
0xb9: {  	s3 =	sand.u32 $0x4000, s31;
	s1 =	sadd.s32 s1, s30  }
0xba: {  	s0 =	sor.u32 s3, s0;
	s1 =	sshll.u32 s1, $0x11  }
0xbb: {  	s0 =	sor.u32 s1, s0  }
0xbc: {  	s0 =	sadd.s32 $0x8F2B, s0  }
0xbd: {  	[sflag:s0] =	ssyncadd.remote.s32 $0x1  }
0xbe: {  	_ =	sfence.sel $0xFFFF  }
0xbf: {  	[dreg:$0x0] =	wrdreg $0xFFFFFFFF;
	(pc) =	sbr.abs _section_cstart, $3  }
0xc0: {  	[dreg:$0x1] =	wrdreg $0xFFFFFFFF  }
0xc1: {  	_ =	task.clear_ibuf [dreg:s6], $0x2FFFF;
	_ =	strace $0x9FFFFFFF  }
0xc2: {  	(tm) =	ssettm $0x7FFFFFFF  }
0xc3: {  	_ =	shalt  }
tec
execute0_lowered:
.L_overlay_start_1:
0x0: {  	(tag) =	ssettag $0x1  }
0x1: {  	s0 =	srdreg.scid;
	s7 =	rddreg [dreg:$0x0]  }
0x2: {  	s2 =	rddreg [dreg:$0x1];
	s1 =	stileid.u32  }
0x3: {  	s3 =	simm.s32 $0x0;
	s10 =	simm.s32 $0x80;
	s11 =	simm.s32 $0x2800  }
0x4: {  	s14 =	simm.s32 $0x0;
	s4 =	sand.u32 $0x1, s0;
	s0 =	rddreg [dreg:$0x2]  }
0x5: {  	[smem:$0x7FF] =	sst s3;
	s9 =	smul.u32 $0x280, s1;
	s12 =	sshll.u32 s1, $0x6  }
0x6: {  	s5 =	sshll.u32 s4, $0x4;
	_ =	strace $0x80000047;
	s6 =	ssub.s32 $0x2, s4  }
0x7: {  	p0 =	seq.s32 s4, $0x1;
	s12 =	sor.u32 $0x1C01, s12;
	s5 =	sor.u32 s1, s5  }
0x8: {  	s8 =	sshrl.u32 s6, $0x1;
	s4 =	sadd.s32 s9, s2;
	s9 =	sshrl.u32 s9, $0x3  }
0x9: {  	s5 =	smul.u32 $0x500, s5;
	s6 =	ssub.s32 s6, s8;
	s8 =	simm.s32 $0xE600  }
0xa: {  	s13 =	sshrl.u32 s4, $0x3;
	s8 =	simm.s32 @!p0 $0xEC00;
	s6 =	smax.u32 s6, $0x1  }
0xb: {  	s5 =	sadd.s32 s5, s7;
	s7 =	sadd.s32 s8, s7;
	s8 =	simm.s32 $0x2880  }
0xc: {  	v0 =	vimm.f32 $1.000000000e+00;
	v1 =	vimm.f32 $0.0e+00;
	s5 =	sadd.s32 $0x4600, s5;
	s7 =	sadd.s32 s7, s9;
	s9 =	simm.s32 $0x1  }
.LBB2_1:
0xd: {  	[tilespmem:$0x2800] =	vst v0  }
0xe: {  	[tilespmem:$0x2810] =	vst v0  }
0xf: {  	[tilespmem:$0x2820] =	vst v0  }
0x10: {  	[tilespmem:$0x2830] =	vst v0  }
0x11: {  	[tilespmem:$0x2840] =	vst v0  }
0x12: {  	[tilespmem:$0x2850] =	vst v0  }
0x13: {  	[tilespmem:$0x2860] =	vst v0  }
0x14: {  	[tilespmem:$0x2870] =	vst v0  }
0x15: {  	[tilespmem:$0x2880] =	vst v1  }
0x16: {  	[tilespmem:$0x2890] =	vst v1  }
0x17: {  	[tilespmem:$0x28A0] =	vst v1  }
0x18: {  	[tilespmem:$0x28B0] =	vst v1  }
0x19: {  	[tilespmem:$0x28C0] =	vst v1  }
0x1a: {  	[tilespmem:$0x28D0] =	vst v1  }
0x1b: {  	[tilespmem:$0x28E0] =	vst v1  }
0x1c: {  	[tilespmem:$0x28F0] =	vst v1  }
0x1d: {  	[tilespmem:$0x2900] =	vst v1  }
0x1e: {  	[tilespmem:$0x2910] =	vst v1  }
0x1f: {  	[tilespmem:$0x2920] =	vst v1  }
0x20: {  	[tilespmem:$0x2930] =	vst v1  }
0x21: {  	[tilespmem:$0x2940] =	vst v1  }
0x22: {  	[tilespmem:$0x2950] =	vst v1  }
0x23: {  	[tilespmem:$0x2960] =	vst v1  }
0x24: {  	[tilespmem:$0x2970] =	vst v1  }
0x25: {  	[tilespmem:$0x2980] =	vst v1  }
0x26: {  	[tilespmem:$0x2990] =	vst v1  }
0x27: {  	[tilespmem:$0x29A0] =	vst v1  }
0x28: {  	[tilespmem:$0x29B0] =	vst v1  }
0x29: {  	[tilespmem:$0x29C0] =	vst v1  }
0x2a: {  	[tilespmem:$0x29D0] =	vst v1  }
0x2b: {  	[tilespmem:$0x29E0] =	vst v1  }
0x2c: {  	[tilespmem:$0x29F0] =	vst v1  }
0x2d: {  	[tilespmem:$0x2A00] =	vst v1  }
0x2e: {  	[tilespmem:$0x2A10] =	vst v1  }
0x2f: {  	[tilespmem:$0x2A20] =	vst v1  }
0x30: {  	[tilespmem:$0x2A30] =	vst v1  }
0x31: {  	[tilespmem:$0x2A40] =	vst v1  }
0x32: {  	[tilespmem:$0x2A50] =	vst v1  }
0x33: {  	[tilespmem:$0x2A60] =	vst v1  }
0x34: {  	[tilespmem:$0x2A70] =	vst v1  }
0x35: {  	[tilespmem:$0x2A80] =	vst v1  }
0x36: {  	[tilespmem:$0x2A90] =	vst v1  }
0x37: {  	[tilespmem:$0x2AA0] =	vst v1  }
0x38: {  	[tilespmem:$0x2AB0] =	vst v1  }
0x39: {  	[tilespmem:$0x2AC0] =	vst v1  }
0x3a: {  	[tilespmem:$0x2AD0] =	vst v1  }
0x3b: {  	[tilespmem:$0x2AE0] =	vst v1  }
0x3c: {  	[tilespmem:$0x2AF0] =	vst v1  }
0x3d: {  	[spmem:s4] =	stream.linear.scatter [tilespmem:s8], [sflag:$0x1], $0x280, $0x38;
	[tilespmem:$0x2D80] =	vst v63  }
0x3e: {  	_ =	swait.ge [sflag:s9], $0x280  }
0x3f: {  	[sflag:s9] =	ssyncset.done $0x0  }
0x40: {  	[sflag:s9] =	ssyncadd.s32 $0xFFFFFD80  }
0x41: {  	[bflag:$0x0] =	sbarrier.arrive $0xFFFF  }
0x42: {  	[tilespmem:s3], [sflag:$0x1] =	stream.linear.gather [hbm4b:s5+s3], $0x2800, $0x38;
	[tilespmem:$0x2D80] =	vst v63  }
0x43: {  	_ =	swait.ge [sflag:s9], $0x2800  }
0x44: {  	[sflag:s9] =	ssyncset.done $0x0  }
0x45: {  	s15 =	simm.s32 $0x0;
	[sflag:s9] =	ssyncadd.s32 $0xFFFFD800  }
0x46: {  	[spmem:s2] =	stream.indirect.scatter.add.f32 [tilespmem:s11], [sflag:$0x1], $0x1, s15, s10, $0xb8;
	[tilespmem:$0x2D80] =	vst v63  }
0x47: {  	_ =	swait.ge [sflag:s9], $0x80  }
0x48: {  	s15 =	simm.s32 $0x200;
	[sflag:s9] =	ssyncset.done $0x0  }
.LBB2_2:
0x49: {  	s16 =	sshra.s32 s15, $0x2;
	[sflag:s9] =	ssyncadd.s32 $0xFFFFFF80;
	p0 =	sne.s32 s15, $0x9E00  }
0x4a: {  	[spmem:s2] =	stream.indirect.scatter.add.f32 [tilespmem:s11], [sflag:$0x1], $0x1, s16, s10, $0xb8;
	[tilespmem:$0x2D80] =	vst v63  }
.Ltmp0:
0x4b: {  	_ = 	snop;
	(pc) =	sbr.rel @p0 .LBB2_2-.Ltmp0, $4  }
0x4c: {  	_ = 	snop  }
0x4d: {  	s15 =	sadd.s32 $0x200, s15  }
0x4e: {  	_ =	swait.ge [sflag:s9], $0x80  }
0x4f: {  	[sflag:s9] =	ssyncset.done $0x0  }
0x50: {  	s14 =	sadd.s32 $0x1, s14  }
0x51: {  	[sflag:s9] =	ssyncadd.s32 $0xFFFFFF80;
	p0 =	sne.s32 s14, s6  }
.Ltmp1:
0x52: {  	[bflag:$0x0] =	sbarrier.arrive $0xFFFF;
	(pc) =	sbr.rel @p0 .LBB2_1-.Ltmp1, $4  }
0x53: {  	[hbm:s7], [sflag:s12] =	dma.local [spmem:s13], $0x50  }
0x54: {  	_ =	swait.ge [sflag:s9], $0x50  }
0x55: {  	[sflag:s9] =	ssyncset.done $0x0  }
0x56: {  	[sflag:s9] =	ssyncadd.s32 $0xFFFFFFB0  }
0x57: {  	_ =	sfence.sel $0x180000  }
0x58: {  	[bflag:$0x0] =	sbarrier.arrive $0xFFFF  }
0x59: {  	p0 =	sne.s32 s1, $0x0;
	_ =	strace $0x90000047  }
0x5a: {  	s0 =	sadd.s32 @!p0 $0x100000, s0;
	[bflag:$0x2] =	sbarrier.arrive $0xFFFF  }
0x5b: {  	[sflag:s0] =	ssyncadd.tile.s32 @!p0 $0x1;
	_ =	shalt  }
.Lfunc_end2:
_tile_overlayer_lowered:
.L_overlay_start_2:
0x5c: {  	(tag) =	ssettag $0x2  }
0x5d: {  	s0 =	rddreg [dreg:$0x0];
	s2 =	stileid.u32  }
0x5e: {  	s1 =	rddreg [dreg:$0x1];
	p0 =	sne.s32 s2, $0x0  }
0x5f: {  	s3 =	rddreg [dreg:$0x2];
	[bflag:$0x3] =	sbarrier.arrive $0xFFFF;
	s2 =	simm.s32 @!p0 $0x1C01  }
0x60: {  	[timem:s3], [sflag:s2] =	dma.local @!p0 [hbm:s0], s1  }
0x61: {  	s0 =	simm.s32 @!p0 $0x1  }
0x62: {  	_ =	swait.ge @!p0 [sflag:s0], s1  }
0x63: {  	s1 =	ssub.s32 @!p0 $0x0, s1;
	[sflag:s0] =	ssyncset.done @!p0 $0x0  }
0x64: {  	[sflag:s0] =	ssyncadd.s32 @!p0 s1  }
0x65: {  	[bflag:$0x3] =	sbarrier.arrive $0xFFFF  }
0x66: {  	_ =	shalt  }

</sc_bundles>
